<compile_context>
chip_gen: v7x
topology: tpu7x:2x2x1
jax: 0.10.2.dev20260603
libtpu: 0.0.44.dev20260713+nightly
codegen_flags: <defaults>
</compile_context>

<pallas_src>
import functools

import jax
import jax.numpy as jnp
import numpy as np
from jax import lax
from jax.experimental import pallas as pl
from jax.experimental.pallas import tpu as pltpu
from jax.experimental.pallas import tpu_sc as plsc

N_HEADS = 16
N_KV = 8
HD = 128
ROPE_BASE = 500000.0

BT = 128
BN = 256
BQ = 256
BKV = 256

NW = 32
_L = 16


def _wid():
    return lax.axis_index("c") * 16 + lax.axis_index("s")


def _route_compute(t, tp, mask_hbm, pos_hbm, maskv, posv, rankv, rankl,
                   idxv, slotv, posgv, blkv):
    pltpu.sync_copy(mask_hbm, maskv)
    pltpu.sync_copy(pos_hbm, posv)
    nch = t // _L

    def p1(c, carry):
        cl, cv = carry
        m = maskv[pl.ds(c * _L, _L)]
        lm = 1 - m
        cum_v = plsc.cumsum(m)
        cum_l = plsc.cumsum(lm)
        rankv[pl.ds(c * _L, _L)] = cv + cum_v - m
        rankl[pl.ds(c * _L, _L)] = cl + cum_l - lm
        return cl + jnp.sum(lm), cv + jnp.sum(m)

    nl, nv = lax.fori_loop(0, nch, p1, (jnp.int32(0), jnp.int32(0)))
    nl_pad = ((nl + BT - 1) // BT) * BT

    def pfill(c, _):
        idxv[pl.ds(c * _L, _L)] = jnp.zeros((_L,), jnp.int32)
        return 0

    lax.fori_loop(0, tp // _L, pfill, 0)

    def p2(c, _):
        m = maskv[pl.ds(c * _L, _L)]
        s = jnp.where(m > 0, nl_pad + rankv[pl.ds(c * _L, _L)],
                      rankl[pl.ds(c * _L, _L)])
        slotv[pl.ds(c * _L, _L)] = s
        src = lax.iota(jnp.int32, _L) + c * _L
        plsc.store_scatter(idxv, [s], src)
        return 0

    lax.fori_loop(0, nch, p2, 0)

    def p3(c, _):
        ic = idxv[pl.ds(c * _L, _L)]
        posgv[pl.ds(c * _L, _L)] = plsc.load_gather(posv, [ic])
        return 0

    lax.fori_loop(0, tp // _L, p3, 0)

    nlb = nl_pad // BT
    for jj in range(2):
        blkv[pl.ds(jj * _L, _L)] = jnp.where(
            lax.iota(jnp.int32, _L) + jj * _L >= nlb, 1, 0)


def _gather_rows(tab_hbm, out_hbm, idx_ref, base, nrows, chunk, bufs, sems):
    nchunks = nrows // chunk
    cps = [None, None]

    def start(ci):
        b = ci % 2
        cp = pltpu.async_copy(
            tab_hbm.at[idx_ref.at[pl.ds(base + ci * chunk, chunk)]],
            bufs[b], sems[b])
        cps[b] = cp

    start(0)
    for ci in range(nchunks):
        cps[ci % 2].wait()
        if ci + 1 < nchunks:
            start(ci + 1)
        pltpu.sync_copy(bufs[ci % 2], out_hbm.at[pl.ds(base + ci * chunk, chunk)])


def _make_route_gather(t, h, tp):
    rows_w = tp // NW
    chunk = 24
    assert rows_w % chunk == 0 and (tp % NW) == 0
    mesh = plsc.VectorSubcoreMesh(core_axis_name="c", subcore_axis_name="s")

    @functools.partial(
        pl.kernel, mesh=mesh,
        compiler_params=pltpu.CompilerParams(needs_layout_passes=False),
        out_type=(
            jax.ShapeDtypeStruct((tp, h // 2), jnp.int32),
            jax.ShapeDtypeStruct((t,), jnp.int32),
            jax.ShapeDtypeStruct((tp,), jnp.int32),
            jax.ShapeDtypeStruct((tp,), jnp.int32),
            jax.ShapeDtypeStruct((NW,), jnp.int32),
        ),
        scratch_types=[
            pltpu.VMEM((t,), jnp.int32),
            pltpu.VMEM((t,), jnp.int32),
            pltpu.VMEM((t,), jnp.int32),
            pltpu.VMEM((t,), jnp.int32),
            pltpu.VMEM((tp,), jnp.int32),
            pltpu.VMEM((t,), jnp.int32),
            pltpu.VMEM((tp,), jnp.int32),
            pltpu.VMEM((NW,), jnp.int32),
            pltpu.VMEM((chunk, h // 2), jnp.int32),
            pltpu.VMEM((chunk, h // 2), jnp.int32),
            pltpu.SemaphoreType.DMA,
            pltpu.SemaphoreType.DMA,
        ],
    )
    def k(mask_hbm, pos_hbm, hid_hbm, hidg_hbm, slot_hbm, idx_hbm,
          posg_hbm, blk_hbm, maskv, posv, rankv, rankl, idxv, slotv,
          posgv, blkv, buf0, buf1, sem0, sem1):
        wid = _wid()
        _route_compute(t, tp, mask_hbm, pos_hbm, maskv, posv, rankv, rankl,
                       idxv, slotv, posgv, blkv)

        @pl.when(wid == 0)
        def _():
            pltpu.sync_copy(slotv, slot_hbm)
            pltpu.sync_copy(idxv, idx_hbm)
            pltpu.sync_copy(posgv, posg_hbm)
            pltpu.sync_copy(blkv, blk_hbm)

        _gather_rows(hid_hbm, hidg_hbm, idxv, wid * rows_w, rows_w, chunk,
                     (buf0, buf1), (sem0, sem1))

    return k


def _make_gather(b, d, chunk, dtype=jnp.float32):
    rows_w = b // NW
    assert rows_w % chunk == 0 and chunk % 8 == 0
    mesh = plsc.VectorSubcoreMesh(core_axis_name="c", subcore_axis_name="s")

    @functools.partial(
        pl.kernel, mesh=mesh,
        compiler_params=pltpu.CompilerParams(needs_layout_passes=False),
        out_type=jax.ShapeDtypeStruct((b, d), dtype),
        scratch_types=[
            pltpu.VMEM((rows_w,), jnp.int32),
            pltpu.VMEM((chunk, d), dtype),
            pltpu.VMEM((chunk, d), dtype),
            pltpu.SemaphoreType.DMA,
            pltpu.SemaphoreType.DMA,
        ],
    )
    def k(idx_hbm, tab_hbm, out_hbm, idxv, buf0, buf1, sem0, sem1):
        wid = _wid()
        base = wid * rows_w
        pltpu.sync_copy(idx_hbm.at[pl.ds(base, rows_w)], idxv)
        nchunks = rows_w // chunk
        cps = [None, None]

        def start(ci):
            bb = ci % 2
            cps[bb] = pltpu.async_copy(
                tab_hbm.at[idxv.at[pl.ds(ci * chunk, chunk)]],
                (buf0, buf1)[bb], (sem0, sem1)[bb])

        start(0)
        for ci in range(nchunks):
            cps[ci % 2].wait()
            if ci + 1 < nchunks:
                start(ci + 1)
            pltpu.sync_copy((buf0, buf1)[ci % 2],
                            out_hbm.at[pl.ds(base + ci * chunk, chunk)])

    return k


def _rope_block(x, pos_f):
    half = HD // 2
    k = lax.broadcasted_iota(jnp.int32, (1, half), 1).astype(jnp.float32)
    inv_freq = jnp.exp(-(np.log(ROPE_BASE) / half) * k)
    ang = pos_f * inv_freq
    cos = jnp.cos(ang)
    sin = jnp.sin(ang)
    nh = x.shape[1] // HD
    coscat = jnp.concatenate([cos, cos] * nh, axis=1)
    sincat = jnp.concatenate([-sin, sin] * nh, axis=1)
    swapped = jnp.concatenate(
        sum(([x[:, c + half:c + HD], x[:, c:c + half]]
             for c in range(0, x.shape[1], HD)), []), axis=1)
    return x * coscat + swapped * sincat


def _qkv_routed_body(e_ref, h_ref, wv_ref, wl_ref, bv_ref, pos_ref, out_ref):
    j = pl.program_id(0)
    i = pl.program_id(1)
    bt = out_ref.shape[0]
    bn = out_ref.shape[1]
    e = e_ref[i]
    rows = h_ref[pl.ds(i * bt, bt), :]
    acc = lax.cond(
        e == 1,
        lambda: jnp.dot(rows, wv_ref[...],
                        preferred_element_type=jnp.float32),
        lambda: jnp.dot(rows, wl_ref[...],
                        preferred_element_type=jnp.float32))
    acc = acc + e.astype(jnp.float32) * bv_ref[...]
    pos_f = pos_ref[pl.ds(i * bt, bt), :].astype(jnp.float32)
    roped = _rope_block(acc, pos_f)
    out_ref[...] = jnp.where(j < (N_HEADS + N_KV) * HD // bn, roped,
                             acc).astype(jnp.bfloat16)


def _attn_body(q_ref, k_ref, v_ref, o_ref, *, bq, bkv):
    qi = pl.program_id(1)
    scale = 1.0 / np.sqrt(HD)
    q = (q_ref[...].astype(jnp.float32) * scale).astype(jnp.bfloat16)

    def chunk(jj, carry, masked):
        acc, m, l = carry
        kj = k_ref[pl.ds(jj * bkv, bkv), :]
        vj = v_ref[pl.ds(jj * bkv, bkv), :]
        s = lax.dot_general(q, kj, (((1,), (1,)), ((), ())),
                            preferred_element_type=jnp.float32)
        if masked:
            row_l = lax.broadcasted_iota(jnp.int32, (bq, bkv), 0)
            col_l = lax.broadcasted_iota(jnp.int32, (bq, bkv), 1)
            s = jnp.where(col_l <= row_l, s, -1e30)
        m_new = jnp.maximum(m, jnp.max(s, axis=1, keepdims=True))
        p = jnp.exp(s - m_new)
        alpha = jnp.exp(m - m_new)
        l_new = l * alpha + jnp.sum(p, axis=1, keepdims=True)
        acc_new = acc * alpha + jnp.dot(p.astype(jnp.bfloat16), vj,
                                        preferred_element_type=jnp.float32)
        return acc_new, m_new, l_new

    acc0 = jnp.zeros((bq, HD), jnp.float32)
    m0 = jnp.full((bq, 1), -1e30, jnp.float32)
    l0 = jnp.zeros((bq, 1), jnp.float32)
    carry = lax.fori_loop(0, qi, lambda jj, c: chunk(jj, c, False),
                          (acc0, m0, l0))
    acc, m, l = chunk(qi, carry, True)
    o_ref[...] = (acc / l).astype(jnp.bfloat16)


def _dense_routed_body(e_ref, c_ref, wv_ref, wl_ref, out_ref):
    i = pl.program_id(1)
    bt = out_ref.shape[0]
    e = e_ref[i]
    rows = c_ref[pl.ds(i * bt, bt), :]
    out_ref[...] = lax.cond(
        e == 1,
        lambda: jnp.dot(rows, wv_ref[...],
                        preferred_element_type=jnp.float32),
        lambda: jnp.dot(rows, wl_ref[...],
                        preferred_element_type=jnp.float32))


def kernel(hidden_states, positions, vision_token_mask, Wv_qkv, bv_qkv,
           Wl_qkv, Wv_dense, Wl_dense):
    t, h = hidden_states.shape
    qkv = Wv_qkv.shape[1]
    d_out = Wv_dense.shape[1]
    tp = t + 2 * BT
    nb = tp // BT
    mask_i = vision_token_mask.astype(jnp.int32)
    pos_i = positions.astype(jnp.int32)
    bv2d = bv_qkv.reshape(1, qkv)

    def _pack(x):
        n, d = x.shape
        return lax.bitcast_convert_type(x.reshape(n, d // 2, 2), jnp.int32)

    def _unpack(x):
        n, d2 = x.shape
        return lax.bitcast_convert_type(x, jnp.bfloat16).reshape(n, 2 * d2)

    h_pk = _pack(hidden_states.astype(jnp.bfloat16))
    hidden_g, slot, idx, pos_g, blk_exp = _make_route_gather(t, h, tp)(
        mask_i, pos_i, h_pk)
    posg2d = pos_g.reshape(tp, 1)
    hg_bf = _unpack(hidden_g)
    wv_bf = Wv_qkv.astype(jnp.bfloat16)
    wl_bf = Wl_qkv.astype(jnp.bfloat16)

    nj = qkv // BN
    mixed_g = pl.pallas_call(
        _qkv_routed_body,
        grid_spec=pltpu.PrefetchScalarGridSpec(
            num_scalar_prefetch=1,
            grid=(nj, nb),
            in_specs=[
                pl.BlockSpec((tp, h), lambda j, i, e: (0, 0)),
                pl.BlockSpec((h, BN), lambda j, i, e: (0, j)),
                pl.BlockSpec((h, BN), lambda j, i, e: (0, j)),
                pl.BlockSpec((1, BN), lambda j, i, e: (0, j)),
                pl.BlockSpec((tp, 1), lambda j, i, e: (0, 0)),
            ],
            out_specs=pl.BlockSpec((BT, BN), lambda j, i, e: (i, j)),
        ),
        out_shape=jax.ShapeDtypeStruct((tp, qkv), jnp.bfloat16),
        compiler_params=pltpu.CompilerParams(
            dimension_semantics=("arbitrary", "arbitrary")),
    )(blk_exp, hg_bf, wv_bf, wl_bf, bv2d, posg2d)

    mixed = _unpack(_make_gather(t, qkv // 2, 16, jnp.int32)(
        slot, _pack(mixed_g)))

    nq = t // BQ
    ctx = pl.pallas_call(
        functools.partial(_attn_body, bq=BQ, bkv=BKV),
        grid=(N_HEADS, nq),
        in_specs=[
            pl.BlockSpec((BQ, HD), lambda hh, qi: (qi, hh)),
            pl.BlockSpec((t, HD), lambda hh, qi: (0, N_HEADS + hh // 2)),
            pl.BlockSpec((t, HD), lambda hh, qi: (0, N_HEADS + N_KV + hh // 2)),
        ],
        out_specs=pl.BlockSpec((BQ, HD), lambda hh, qi: (qi, hh)),
        out_shape=jax.ShapeDtypeStruct((t, N_HEADS * HD), jnp.bfloat16),
        compiler_params=pltpu.CompilerParams(
            dimension_semantics=("arbitrary", "arbitrary")),
    )(mixed, mixed, mixed)

    ctx_g = _unpack(_make_gather(tp, N_HEADS * HD // 2, 24, jnp.int32)(
        idx, _pack(ctx)))
    wvd_bf = Wv_dense.astype(jnp.bfloat16)
    wld_bf = Wl_dense.astype(jnp.bfloat16)

    nj2 = d_out // BN
    out_g = pl.pallas_call(
        _dense_routed_body,
        grid_spec=pltpu.PrefetchScalarGridSpec(
            num_scalar_prefetch=1,
            grid=(nj2, nb),
            in_specs=[
                pl.BlockSpec((tp, N_HEADS * HD), lambda j, i, e: (0, 0)),
                pl.BlockSpec((N_HEADS * HD, BN), lambda j, i, e: (0, j)),
                pl.BlockSpec((N_HEADS * HD, BN), lambda j, i, e: (0, j)),
            ],
            out_specs=pl.BlockSpec((BT, BN), lambda j, i, e: (i, j)),
        ),
        out_shape=jax.ShapeDtypeStruct((tp, d_out), jnp.float32),
        compiler_params=pltpu.CompilerParams(
            dimension_semantics=("arbitrary", "arbitrary")),
    )(blk_exp, ctx_g, wvd_bf, wld_bf)

    out = _make_gather(t, d_out, 16)(slot, out_g)
    return out

# --- scband reference (transcript-rebuilt; emitter-appended) ---
"""Pipeline reference for scband-vision-expert-attention-35880156791493 (READ-ONLY COPY).

The authoritative reference and input builder live on the scoring server;
editing this copy changes nothing except your own understanding.
"""

import jax, jax.numpy as jnp
import numpy as np

T = 2048
H = 2048
N_HEADS = 16
N_KV = 8
HD = 128
QKV = (N_HEADS + 2 * N_KV) * HD
ROPE_BASE = 500000.0


def setup_inputs(seed: int = 0):
    key = jax.random.key(seed)
    ks = jax.random.split(key, 8)
    hidden_states = jax.random.normal(ks[0], (T, H), dtype=jnp.float32) * 0.02
    positions = jnp.arange(T, dtype=jnp.int32)
    vision_token_mask = jax.random.randint(ks[1], (T,), 0, 2) == 1
    Wv_qkv = jax.random.normal(ks[2], (H, QKV), dtype=jnp.float32) * 0.02
    bv_qkv = jnp.zeros((QKV,), dtype=jnp.float32)
    Wl_qkv = jax.random.normal(ks[3], (H, QKV), dtype=jnp.float32) * 0.02
    Wv_dense = jax.random.normal(ks[4], (H, H), dtype=jnp.float32) * 0.02
    Wl_dense = jax.random.normal(ks[5], (H, H), dtype=jnp.float32) * 0.02
    return {"hidden_states": hidden_states, "positions": positions,
            "vision_token_mask": vision_token_mask, "Wv_qkv": Wv_qkv,
            "bv_qkv": bv_qkv, "Wl_qkv": Wl_qkv, "Wv_dense": Wv_dense,
            "Wl_dense": Wl_dense}


def _rope(x, positions):
    t = x.shape[0]
    x = x.reshape(t, -1, HD)
    half = HD // 2
    inv_freq = 1.0 / (ROPE_BASE ** (jnp.arange(half, dtype=jnp.float32) / half))
    ang = positions.astype(jnp.float32)[:, None] * inv_freq[None, :]
    cos = jnp.cos(ang)[:, None, :]
    sin = jnp.sin(ang)[:, None, :]
    x1 = x[..., :half]
    x2 = x[..., half:]
    return jnp.concatenate([x1 * cos - x2 * sin, x2 * cos + x1 * sin], axis=-1)


def reference(hidden_states, positions, vision_token_mask, Wv_qkv, bv_qkv,
              Wl_qkv, Wv_dense, Wl_dense):
    mask = vision_token_mask[:, None]
    # expert-routed QKV: vision expert (with bias) vs language expert (no bias)
    v_qkv = hidden_states @ Wv_qkv + bv_qkv
    l_qkv = hidden_states @ Wl_qkv
    mixed = jnp.where(mask, v_qkv, l_qkv)
    # split per stride [n_heads, n_kv, n_kv] * head_dim
    q = mixed[:, : N_HEADS * HD]
    k = mixed[:, N_HEADS * HD: (N_HEADS + N_KV) * HD]
    v = mixed[:, (N_HEADS + N_KV) * HD:]
    q = _rope(q, positions)
    k = _rope(k, positions)
    v = v.reshape(-1, N_KV, HD)
    rep = N_HEADS // N_KV
    k = jnp.repeat(k, rep, axis=1)
    v = jnp.repeat(v, rep, axis=1)
    scale = 1.0 / np.sqrt(HD)
    scores = jnp.einsum("thd,shd->hts", q, k) * scale
    t = q.shape[0]
    causal = jnp.tril(jnp.ones((t, t), dtype=bool))
    scores = jnp.where(causal[None, :, :], scores, -1e30)
    attn = jax.nn.softmax(scores, axis=-1)
    ctx = jnp.einsum("hts,shd->thd", attn, v).reshape(t, N_HEADS * HD)
    out_v = ctx @ Wv_dense
    out_l = ctx @ Wl_dense
    return jnp.where(mask, out_v, out_l)

if __name__ == "__main__":
    import jax
    _d = setup_inputs()
    print(jax.jit(kernel)(*tuple(_d.values())))

</pallas_src>

<mosaic_0001>
#map = affine_map<(d0, d1) -> (0)>
#map1 = affine_map<(d0, d1) -> (0, 0)>
module attributes {stable_mosaic.version = 14 : i64} {
  func.func @k(%arg0: i32, %arg1: i32, %arg2: memref<2048xi32, #tpu.memory_space<hbm>>, %arg3: memref<2304x2048xi32, #tpu.memory_space<hbm>>, %arg4: memref<2048x2048xi32, #tpu.memory_space<hbm>>, %arg5: memref<64xi32, #tpu.memory_space<vmem>>, %arg6: memref<16x2048xi32, #tpu.memory_space<vmem>>, %arg7: memref<16x2048xi32, #tpu.memory_space<vmem>>, %arg8: memref<!tpu.dma_semaphore, #tpu.memory_space<semaphore_mem>>, %arg9: memref<!tpu.dma_semaphore, #tpu.memory_space<semaphore_mem>>) attributes {dimension_semantics = [#tpu.dimension_semantics<core_parallel>, #tpu.dimension_semantics<subcore_parallel>], iteration_bounds = array<i64: 2, 16>, scalar_prefetch = 0 : i64, scratch_operands = 5 : i64, tpu.core_type = #tpu.core_type<sc_vector_subcore>, window_params = [{transform_indices = #map}, {transform_indices = #map1}, {transform_indices = #map1}]} {
    %mul3A = arith.constant 16 : i32
    %mul3A_0 = arith.muli %arg0, %mul3A : i32
    %add3A = arith.addi %mul3A_0, %arg1 : i32
    %mul3A_1 = arith.constant 64 : i32
    %mul3A_2 = arith.muli %add3A, %mul3A_1 : i32
    "tpu.region"() ({
      %run_scoped3A = tpu.sem_alloc : memref<!tpu.dma_semaphore, #tpu.memory_space<semaphore_mem>>
      %dma_start3A_49 = tpu.memref_slice %arg2[%mul3A_2] : memref<2048xi32, #tpu.memory_space<hbm>> -> memref<64xi32, #tpu.memory_space<hbm>>
      %dma_start3A_50 = tpu.memref_slice %arg2[%mul3A_2] : memref<2048xi32, #tpu.memory_space<hbm>> -> memref<64xi32, #tpu.memory_space<hbm>>
      tpu.enqueue_dma source(%dma_start3A_50 : memref<64xi32, #tpu.memory_space<hbm>>) target(%arg5 : memref<64xi32, #tpu.memory_space<vmem>>) target_semaphore(%run_scoped3A : memref<!tpu.dma_semaphore, #tpu.memory_space<semaphore_mem>>)
      %dma_wait3A_51 = tpu.memref_slice %arg2[%mul3A_2] : memref<2048xi32, #tpu.memory_space<hbm>> -> memref<64xi32, #tpu.memory_space<hbm>>
      %dma_wait3A_52 = tpu.memref_slice %arg2[%mul3A_2] : memref<2048xi32, #tpu.memory_space<hbm>> -> memref<64xi32, #tpu.memory_space<hbm>>
      tpu.wait_dma2 semaphore(%run_scoped3A : memref<!tpu.dma_semaphore, #tpu.memory_space<semaphore_mem>>) src(%dma_wait3A_52 : memref<64xi32, #tpu.memory_space<hbm>>) dst(%arg5 : memref<64xi32, #tpu.memory_space<vmem>>)
      tpu.yield
    }) : () -> ()
    %dma_start3A = arith.constant 0 : i32
    %dma_start3A_3 = tpu.memref_slice %arg5[%dma_start3A] : memref<64xi32, #tpu.memory_space<vmem>> -> memref<16xi32, #tpu.memory_space<vmem>>
    %dma_start3A_4 = arith.constant 0 : i32
    %dma_start3A_5 = arith.constant 0 : i32
    %dma_start3A_6 = tpu.memref_slice %arg3[%dma_start3A_4, %dma_start3A_5] : memref<2304x2048xi32, #tpu.memory_space<hbm>> -> memref<2304x2048xi32, #tpu.memory_space<hbm>>
    tpu.enqueue_indirect_dma source(%dma_start3A_6 : memref<2304x2048xi32, #tpu.memory_space<hbm>>) target(%arg6 : memref<16x2048xi32, #tpu.memory_space<vmem>>) offsets(%dma_start3A_3 : memref<16xi32, #tpu.memory_space<vmem>>) semaphore(%arg8 : memref<!tpu.dma_semaphore, #tpu.memory_space<semaphore_mem>>)
    %dma_wait3A = arith.constant 0 : i32
    %dma_wait3A_7 = tpu.memref_slice %arg5[%dma_wait3A] : memref<64xi32, #tpu.memory_space<vmem>> -> memref<16xi32, #tpu.memory_space<vmem>>
    %dma_wait3A_8 = arith.constant 0 : i32
    %dma_wait3A_9 = arith.constant 0 : i32
    %dma_wait3A_10 = tpu.memref_slice %arg3[%dma_wait3A_8, %dma_wait3A_9] : memref<2304x2048xi32, #tpu.memory_space<hbm>> -> memref<2304x2048xi32, #tpu.memory_space<hbm>>
    tpu.wait_indirect_dma semaphore(%arg8 : memref<!tpu.dma_semaphore, #tpu.memory_space<semaphore_mem>>) src(%dma_wait3A_10 : memref<2304x2048xi32, #tpu.memory_space<hbm>>) dst(%arg6 : memref<16x2048xi32, #tpu.memory_space<vmem>>)
    %dma_start3A_11 = arith.constant 16 : i32
    %dma_start3A_12 = tpu.memref_slice %arg5[%dma_start3A_11] : memref<64xi32, #tpu.memory_space<vmem>> -> memref<16xi32, #tpu.memory_space<vmem>>
    %dma_start3A_13 = arith.constant 0 : i32
    %dma_start3A_14 = arith.constant 0 : i32
    %dma_start3A_15 = tpu.memref_slice %arg3[%dma_start3A_13, %dma_start3A_14] : memref<2304x2048xi32, #tpu.memory_space<hbm>> -> memref<2304x2048xi32, #tpu.memory_space<hbm>>
    tpu.enqueue_indirect_dma source(%dma_start3A_15 : memref<2304x2048xi32, #tpu.memory_space<hbm>>) target(%arg7 : memref<16x2048xi32, #tpu.memory_space<vmem>>) offsets(%dma_start3A_12 : memref<16xi32, #tpu.memory_space<vmem>>) semaphore(%arg9 : memref<!tpu.dma_semaphore, #tpu.memory_space<semaphore_mem>>)
    %add3A_16 = arith.constant 0 : i32
    %add3A_17 = arith.addi %mul3A_2, %add3A_16 : i32
    "tpu.region"() ({
      %run_scoped3A = tpu.sem_alloc : memref<!tpu.dma_semaphore, #tpu.memory_space<semaphore_mem>>
      %dma_start3A_49 = arith.constant 0 : i32
      %dma_start3A_50 = tpu.memref_slice %arg4[%add3A_17, %dma_start3A_49] : memref<2048x2048xi32, #tpu.memory_space<hbm>> -> memref<16x2048xi32, #tpu.memory_space<hbm>>
      %dma_start3A_51 = arith.constant 0 : i32
      %dma_start3A_52 = tpu.memref_slice %arg4[%add3A_17, %dma_start3A_51] : memref<2048x2048xi32, #tpu.memory_space<hbm>> -> memref<16x2048xi32, #tpu.memory_space<hbm>>
      tpu.enqueue_dma source(%arg6 : memref<16x2048xi32, #tpu.memory_space<vmem>>) target(%dma_start3A_52 : memref<16x2048xi32, #tpu.memory_space<hbm>>) target_semaphore(%run_scoped3A : memref<!tpu.dma_semaphore, #tpu.memory_space<semaphore_mem>>)
      %dma_wait3A_53 = arith.constant 0 : i32
      %dma_wait3A_54 = tpu.memref_slice %arg4[%add3A_17, %dma_wait3A_53] : memref<2048x2048xi32, #tpu.memory_space<hbm>> -> memref<16x2048xi32, #tpu.memory_space<hbm>>
      %dma_wait3A_55 = arith.constant 0 : i32
      %dma_wait3A_56 = tpu.memref_slice %arg4[%add3A_17, %dma_wait3A_55] : memref<2048x2048xi32, #tpu.memory_space<hbm>> -> memref<16x2048xi32, #tpu.memory_space<hbm>>
      tpu.wait_dma2 semaphore(%run_scoped3A : memref<!tpu.dma_semaphore, #tpu.memory_space<semaphore_mem>>) src(%arg6 : memref<16x2048xi32, #tpu.memory_space<vmem>>) dst(%dma_wait3A_56 : memref<16x2048xi32, #tpu.memory_space<hbm>>)
      tpu.yield
    }) : () -> ()
    %dma_wait3A_18 = arith.constant 16 : i32
    %dma_wait3A_19 = tpu.memref_slice %arg5[%dma_wait3A_18] : memref<64xi32, #tpu.memory_space<vmem>> -> memref<16xi32, #tpu.memory_space<vmem>>
    %dma_wait3A_20 = arith.constant 0 : i32
    %dma_wait3A_21 = arith.constant 0 : i32
    %dma_wait3A_22 = tpu.memref_slice %arg3[%dma_wait3A_20, %dma_wait3A_21] : memref<2304x2048xi32, #tpu.memory_space<hbm>> -> memref<2304x2048xi32, #tpu.memory_space<hbm>>
    tpu.wait_indirect_dma semaphore(%arg9 : memref<!tpu.dma_semaphore, #tpu.memory_space<semaphore_mem>>) src(%dma_wait3A_22 : memref<2304x2048xi32, #tpu.memory_space<hbm>>) dst(%arg7 : memref<16x2048xi32, #tpu.memory_space<vmem>>)
    %dma_start3A_23 = arith.constant 32 : i32
    %dma_start3A_24 = tpu.memref_slice %arg5[%dma_start3A_23] : memref<64xi32, #tpu.memory_space<vmem>> -> memref<16xi32, #tpu.memory_space<vmem>>
    %dma_start3A_25 = arith.constant 0 : i32
    %dma_start3A_26 = arith.constant 0 : i32
    %dma_start3A_27 = tpu.memref_slice %arg3[%dma_start3A_25, %dma_start3A_26] : memref<2304x2048xi32, #tpu.memory_space<hbm>> -> memref<2304x2048xi32, #tpu.memory_space<hbm>>
    tpu.enqueue_indirect_dma source(%dma_start3A_27 : memref<2304x2048xi32, #tpu.memory_space<hbm>>) target(%arg6 : memref<16x2048xi32, #tpu.memory_space<vmem>>) offsets(%dma_start3A_24 : memref<16xi32, #tpu.memory_space<vmem>>) semaphore(%arg8 : memref<!tpu.dma_semaphore, #tpu.memory_space<semaphore_mem>>)
    %add3A_28 = arith.constant 16 : i32
    %add3A_29 = arith.addi %mul3A_2, %add3A_28 : i32
    "tpu.region"() ({
      %run_scoped3A = tpu.sem_alloc : memref<!tpu.dma_semaphore, #tpu.memory_space<semaphore_mem>>
      %dma_start3A_49 = arith.constant 0 : i32
      %dma_start3A_50 = tpu.memref_slice %arg4[%add3A_29, %dma_start3A_49] : memref<2048x2048xi32, #tpu.memory_space<hbm>> -> memref<16x2048xi32, #tpu.memory_space<hbm>>
      %dma_start3A_51 = arith.constant 0 : i32
      %dma_start3A_52 = tpu.memref_slice %arg4[%add3A_29, %dma_start3A_51] : memref<2048x2048xi32, #tpu.memory_space<hbm>> -> memref<16x2048xi32, #tpu.memory_space<hbm>>
      tpu.enqueue_dma source(%arg7 : memref<16x2048xi32, #tpu.memory_space<vmem>>) target(%dma_start3A_52 : memref<16x2048xi32, #tpu.memory_space<hbm>>) target_semaphore(%run_scoped3A : memref<!tpu.dma_semaphore, #tpu.memory_space<semaphore_mem>>)
      %dma_wait3A_53 = arith.constant 0 : i32
      %dma_wait3A_54 = tpu.memref_slice %arg4[%add3A_29, %dma_wait3A_53] : memref<2048x2048xi32, #tpu.memory_space<hbm>> -> memref<16x2048xi32, #tpu.memory_space<hbm>>
      %dma_wait3A_55 = arith.constant 0 : i32
      %dma_wait3A_56 = tpu.memref_slice %arg4[%add3A_29, %dma_wait3A_55] : memref<2048x2048xi32, #tpu.memory_space<hbm>> -> memref<16x2048xi32, #tpu.memory_space<hbm>>
      tpu.wait_dma2 semaphore(%run_scoped3A : memref<!tpu.dma_semaphore, #tpu.memory_space<semaphore_mem>>) src(%arg7 : memref<16x2048xi32, #tpu.memory_space<vmem>>) dst(%dma_wait3A_56 : memref<16x2048xi32, #tpu.memory_space<hbm>>)
      tpu.yield
    }) : () -> ()
    %dma_wait3A_30 = arith.constant 32 : i32
    %dma_wait3A_31 = tpu.memref_slice %arg5[%dma_wait3A_30] : memref<64xi32, #tpu.memory_space<vmem>> -> memref<16xi32, #tpu.memory_space<vmem>>
    %dma_wait3A_32 = arith.constant 0 : i32
    %dma_wait3A_33 = arith.constant 0 : i32
    %dma_wait3A_34 = tpu.memref_slice %arg3[%dma_wait3A_32, %dma_wait3A_33] : memref<2304x2048xi32, #tpu.memory_space<hbm>> -> memref<2304x2048xi32, #tpu.memory_space<hbm>>
    tpu.wait_indirect_dma semaphore(%arg8 : memref<!tpu.dma_semaphore, #tpu.memory_space<semaphore_mem>>) src(%dma_wait3A_34 : memref<2304x2048xi32, #tpu.memory_space<hbm>>) dst(%arg6 : memref<16x2048xi32, #tpu.memory_space<vmem>>)
    %dma_start3A_35 = arith.constant 48 : i32
    %dma_start3A_36 = tpu.memref_slice %arg5[%dma_start3A_35] : memref<64xi32, #tpu.memory_space<vmem>> -> memref<16xi32, #tpu.memory_space<vmem>>
    %dma_start3A_37 = arith.constant 0 : i32
    %dma_start3A_38 = arith.constant 0 : i32
    %dma_start3A_39 = tpu.memref_slice %arg3[%dma_start3A_37, %dma_start3A_38] : memref<2304x2048xi32, #tpu.memory_space<hbm>> -> memref<2304x2048xi32, #tpu.memory_space<hbm>>
    tpu.enqueue_indirect_dma source(%dma_start3A_39 : memref<2304x2048xi32, #tpu.memory_space<hbm>>) target(%arg7 : memref<16x2048xi32, #tpu.memory_space<vmem>>) offsets(%dma_start3A_36 : memref<16xi32, #tpu.memory_space<vmem>>) semaphore(%arg9 : memref<!tpu.dma_semaphore, #tpu.memory_space<semaphore_mem>>)
    %add3A_40 = arith.constant 32 : i32
    %add3A_41 = arith.addi %mul3A_2, %add3A_40 : i32
    "tpu.region"() ({
      %run_scoped3A = tpu.sem_alloc : memref<!tpu.dma_semaphore, #tpu.memory_space<semaphore_mem>>
      %dma_start3A_49 = arith.constant 0 : i32
      %dma_start3A_50 = tpu.memref_slice %arg4[%add3A_41, %dma_start3A_49] : memref<2048x2048xi32, #tpu.memory_space<hbm>> -> memref<16x2048xi32, #tpu.memory_space<hbm>>
      %dma_start3A_51 = arith.constant 0 : i32
      %dma_start3A_52 = tpu.memref_slice %arg4[%add3A_41, %dma_start3A_51] : memref<2048x2048xi32, #tpu.memory_space<hbm>> -> memref<16x2048xi32, #tpu.memory_space<hbm>>
      tpu.enqueue_dma source(%arg6 : memref<16x2048xi32, #tpu.memory_space<vmem>>) target(%dma_start3A_52 : memref<16x2048xi32, #tpu.memory_space<hbm>>) target_semaphore(%run_scoped3A : memref<!tpu.dma_semaphore, #tpu.memory_space<semaphore_mem>>)
      %dma_wait3A_53 = arith.constant 0 : i32
      %dma_wait3A_54 = tpu.memref_slice %arg4[%add3A_41, %dma_wait3A_53] : memref<2048x2048xi32, #tpu.memory_space<hbm>> -> memref<16x2048xi32, #tpu.memory_space<hbm>>
      %dma_wait3A_55 = arith.constant 0 : i32
      %dma_wait3A_56 = tpu.memref_slice %arg4[%add3A_41, %dma_wait3A_55] : memref<2048x2048xi32, #tpu.memory_space<hbm>> -> memref<16x2048xi32, #tpu.memory_space<hbm>>
      tpu.wait_dma2 semaphore(%run_scoped3A : memref<!tpu.dma_semaphore, #tpu.memory_space<semaphore_mem>>) src(%arg6 : memref<16x2048xi32, #tpu.memory_space<vmem>>) dst(%dma_wait3A_56 : memref<16x2048xi32, #tpu.memory_space<hbm>>)
      tpu.yield
    }) : () -> ()
    %dma_wait3A_42 = arith.constant 48 : i32
    %dma_wait3A_43 = tpu.memref_slice %arg5[%dma_wait3A_42] : memref<64xi32, #tpu.memory_space<vmem>> -> memref<16xi32, #tpu.memory_space<vmem>>
    %dma_wait3A_44 = arith.constant 0 : i32
    %dma_wait3A_45 = arith.constant 0 : i32
    %dma_wait3A_46 = tpu.memref_slice %arg3[%dma_wait3A_44, %dma_wait3A_45] : memref<2304x2048xi32, #tpu.memory_space<hbm>> -> memref<2304x2048xi32, #tpu.memory_space<hbm>>
    tpu.wait_indirect_dma semaphore(%arg9 : memref<!tpu.dma_semaphore, #tpu.memory_space<semaphore_mem>>) src(%dma_wait3A_46 : memref<2304x2048xi32, #tpu.memory_space<hbm>>) dst(%arg7 : memref<16x2048xi32, #tpu.memory_space<vmem>>)
    %add3A_47 = arith.constant 48 : i32
    %add3A_48 = arith.addi %mul3A_2, %add3A_47 : i32
    "tpu.region"() ({
      %run_scoped3A = tpu.sem_alloc : memref<!tpu.dma_semaphore, #tpu.memory_space<semaphore_mem>>
      %dma_start3A_49 = arith.constant 0 : i32
      %dma_start3A_50 = tpu.memref_slice %arg4[%add3A_48, %dma_start3A_49] : memref<2048x2048xi32, #tpu.memory_space<hbm>> -> memref<16x2048xi32, #tpu.memory_space<hbm>>
      %dma_start3A_51 = arith.constant 0 : i32
      %dma_start3A_52 = tpu.memref_slice %arg4[%add3A_48, %dma_start3A_51] : memref<2048x2048xi32, #tpu.memory_space<hbm>> -> memref<16x2048xi32, #tpu.memory_space<hbm>>
      tpu.enqueue_dma source(%arg7 : memref<16x2048xi32, #tpu.memory_space<vmem>>) target(%dma_start3A_52 : memref<16x2048xi32, #tpu.memory_space<hbm>>) target_semaphore(%run_scoped3A : memref<!tpu.dma_semaphore, #tpu.memory_space<semaphore_mem>>)
      %dma_wait3A_53 = arith.constant 0 : i32
      %dma_wait3A_54 = tpu.memref_slice %arg4[%add3A_48, %dma_wait3A_53] : memref<2048x2048xi32, #tpu.memory_space<hbm>> -> memref<16x2048xi32, #tpu.memory_space<hbm>>
      %dma_wait3A_55 = arith.constant 0 : i32
      %dma_wait3A_56 = tpu.memref_slice %arg4[%add3A_48, %dma_wait3A_55] : memref<2048x2048xi32, #tpu.memory_space<hbm>> -> memref<16x2048xi32, #tpu.memory_space<hbm>>
      tpu.wait_dma2 semaphore(%run_scoped3A : memref<!tpu.dma_semaphore, #tpu.memory_space<semaphore_mem>>) src(%arg7 : memref<16x2048xi32, #tpu.memory_space<vmem>>) dst(%dma_wait3A_56 : memref<16x2048xi32, #tpu.memory_space<hbm>>)
      tpu.yield
    }) : () -> ()
    return
  }
}

#map = affine_map<(d0, d1) -> (0)>
#map1 = affine_map<(d0, d1) -> (0, 0)>
module attributes {stable_mosaic.version = 14 : i64} {
  func.func @k(%arg0: i32, %arg1: i32, %arg2: memref<2048xi32, #tpu.memory_space<hbm>>, %arg3: memref<2048xi32, #tpu.memory_space<hbm>>, %arg4: memref<2048x1024xi32, #tpu.memory_space<hbm>>, %arg5: memref<2304x1024xi32, #tpu.memory_space<hbm>>, %arg6: memref<2048xi32, #tpu.memory_space<hbm>>, %arg7: memref<2304xi32, #tpu.memory_space<hbm>>, %arg8: memref<2304xi32, #tpu.memory_space<hbm>>, %arg9: memref<32xi32, #tpu.memory_space<hbm>>, %arg10: memref<2048xi32, #tpu.memory_space<vmem>>, %arg11: memref<2048xi32, #tpu.memory_space<vmem>>, %arg12: memref<2048xi32, #tpu.memory_space<vmem>>, %arg13: memref<2048xi32, #tpu.memory_space<vmem>>, %arg14: memref<2304xi32, #tpu.memory_space<vmem>>, %arg15: memref<2048xi32, #tpu.memory_space<vmem>>, %arg16: memref<2304xi32, #tpu.memory_space<vmem>>, %arg17: memref<32xi32, #tpu.memory_space<vmem>>, %arg18: memref<24x1024xi32, #tpu.memory_space<vmem>>, %arg19: memref<24x1024xi32, #tpu.memory_space<vmem>>, %arg20: memref<!tpu.dma_semaphore, #tpu.memory_space<semaphore_mem>>, %arg21: memref<!tpu.dma_semaphore, #tpu.memory_space<semaphore_mem>>) attributes {dimension_semantics = [#tpu.dimension_semantics<core_parallel>, #tpu.dimension_semantics<subcore_parallel>], iteration_bounds = array<i64: 2, 16>, scalar_prefetch = 0 : i64, scratch_operands = 12 : i64, tpu.core_type = #tpu.core_type<sc_vector_subcore>, window_params = [{transform_indices = #map}, {transform_indices = #map}, {transform_indices = #map1}, {transform_indices = #map1}, {transform_indices = #map}, {transform_indices = #map}, {transform_indices = #map}, {transform_indices = #map}]} {
    %mul3A = arith.constant 16 : i32
    %mul3A_0 = arith.muli %arg0, %mul3A : i32
    %add3A = arith.addi %mul3A_0, %arg1 : i32
    "tpu.region"() ({
      %run_scoped3A = tpu.sem_alloc : memref<!tpu.dma_semaphore, #tpu.memory_space<semaphore_mem>>
      tpu.enqueue_dma source(%arg2 : memref<2048xi32, #tpu.memory_space<hbm>>) target(%arg10 : memref<2048xi32, #tpu.memory_space<vmem>>) target_semaphore(%run_scoped3A : memref<!tpu.dma_semaphore, #tpu.memory_space<semaphore_mem>>)
      tpu.wait_dma2 semaphore(%run_scoped3A : memref<!tpu.dma_semaphore, #tpu.memory_space<semaphore_mem>>) src(%arg2 : memref<2048xi32, #tpu.memory_space<hbm>>) dst(%arg10 : memref<2048xi32, #tpu.memory_space<vmem>>)
      tpu.yield
    }) : () -> ()
    "tpu.region"() ({
      %run_scoped3A = tpu.sem_alloc : memref<!tpu.dma_semaphore, #tpu.memory_space<semaphore_mem>>
      tpu.enqueue_dma source(%arg3 : memref<2048xi32, #tpu.memory_space<hbm>>) target(%arg11 : memref<2048xi32, #tpu.memory_space<vmem>>) target_semaphore(%run_scoped3A : memref<!tpu.dma_semaphore, #tpu.memory_space<semaphore_mem>>)
      tpu.wait_dma2 semaphore(%run_scoped3A : memref<!tpu.dma_semaphore, #tpu.memory_space<semaphore_mem>>) src(%arg3 : memref<2048xi32, #tpu.memory_space<hbm>>) dst(%arg11 : memref<2048xi32, #tpu.memory_space<vmem>>)
      tpu.yield
    }) : () -> ()
    %scan3A = arith.constant 0 : i32
    %scan3A_1 = arith.constant 0 : i32
    %scan3A_2 = arith.constant 0 : i32
    %scan3A_3 = arith.constant 128 : i32
    %scan3A_4 = arith.addi %scan3A_2, %scan3A_3 : i32
    %scan3A_5 = arith.constant 1 : i32
    %scan3A_6:2 = scf.for %scan3A_135 = %scan3A_2 to %scan3A_4 step %scan3A_5 iter_args(%scan3A_136 = %scan3A, %scan3A_137 = %scan3A_1) -> (i32, i32)  : i32 {
      %mul3A_138 = arith.constant 16 : i32
      %mul3A_139 = arith.muli %scan3A_135, %mul3A_138 : i32
      %get3A = arith.index_cast %mul3A_139 : i32 to index
      %get3A_140 = tpu.vector_load %arg10[%get3A] {strides = array<i32>} : memref<2048xi32, #tpu.memory_space<vmem>>, vector<16xi32>,
      %sub3A_141 = arith.constant 1 : i32
      %sub3A_142 = vector.broadcast %sub3A_141 : i32 to vector<16xi32>
      %sub3A_143 = arith.subi %sub3A_142, %get3A_140 : vector<16xi32>
      %broadcast_in_dim3A_144 = arith.constant true
      %broadcast_in_dim3A_145 = vector.broadcast %broadcast_in_dim3A_144 : i1 to vector<16xi1>
      %masked_cumsum3A = tpu.scan <sum>, %get3A_140 masked %broadcast_in_dim3A_145 : vector<16xi32>, vector<16xi1> -> vector<16xi32>
      %broadcast_in_dim3A_146 = arith.constant true
      %broadcast_in_dim3A_147 = vector.broadcast %broadcast_in_dim3A_146 : i1 to vector<16xi1>
      %masked_cumsum3A_148 = tpu.scan <sum>, %sub3A_143 masked %broadcast_in_dim3A_147 : vector<16xi32>, vector<16xi1> -> vector<16xi32>
      %add3A_149 = vector.broadcast %scan3A_137 : i32 to vector<16xi32>
      %add3A_150 = arith.addi %add3A_149, %masked_cumsum3A : vector<16xi32>
      %sub3A_151 = arith.subi %add3A_150, %get3A_140 : vector<16xi32>
      %mul3A_152 = arith.constant 16 : i32
      %mul3A_153 = arith.muli %scan3A_135, %mul3A_152 : i32
      %swap3A_154 = arith.index_cast %mul3A_153 : i32 to index
      %swap3A_155 = tpu.vector_load %arg12[%swap3A_154] {strides = array<i32>} : memref<2048xi32, #tpu.memory_space<vmem>>, vector<16xi32>,
      tpu.vector_store %arg12[%swap3A_154], %sub3A_151 {strides = array<i32>} : memref<2048xi32, #tpu.memory_space<vmem>>, vector<16xi32>,
      %add3A_156 = vector.broadcast %scan3A_136 : i32 to vector<16xi32>
      %add3A_157 = arith.addi %add3A_156, %masked_cumsum3A_148 : vector<16xi32>
      %sub3A_158 = arith.subi %add3A_157, %sub3A_143 : vector<16xi32>
      %mul3A_159 = arith.constant 16 : i32
      %mul3A_160 = arith.muli %scan3A_135, %mul3A_159 : i32
      %swap3A_161 = arith.index_cast %mul3A_160 : i32 to index
      %swap3A_162 = tpu.vector_load %arg13[%swap3A_161] {strides = array<i32>} : memref<2048xi32, #tpu.memory_space<vmem>>, vector<16xi32>,
      tpu.vector_store %arg13[%swap3A_161], %sub3A_158 {strides = array<i32>} : memref<2048xi32, #tpu.memory_space<vmem>>, vector<16xi32>,
      %reduce_sum3A = arith.constant true
      %reduce_sum3A_163 = vector.broadcast %reduce_sum3A : i1 to vector<16xi1>
      %reduce_sum3A_164 = tpu.scan <sum>, %sub3A_143 masked %reduce_sum3A_163 : vector<16xi32>, vector<16xi1> -> vector<16xi32>
      %reduce_sum3A_165 = vector.extract %reduce_sum3A_164[15] : i32 from vector<16xi32>
      %add3A_166 = arith.addi %scan3A_136, %reduce_sum3A_165 : i32
      %reduce_sum3A_167 = arith.constant true
      %reduce_sum3A_168 = vector.broadcast %reduce_sum3A_167 : i1 to vector<16xi1>
      %reduce_sum3A_169 = tpu.scan <sum>, %get3A_140 masked %reduce_sum3A_168 : vector<16xi32>, vector<16xi1> -> vector<16xi32>
      %reduce_sum3A_170 = vector.extract %reduce_sum3A_169[15] : i32 from vector<16xi32>
      %add3A_171 = arith.addi %scan3A_137, %reduce_sum3A_170 : i32
      scf.yield %add3A_166, %add3A_171 : i32, i32
    }
    %scan3A_7 = arith.constant 128 : i32
    %add3A_8 = arith.constant 128 : i32
    %add3A_9 = arith.addi %scan3A_6#0, %add3A_8 : i32
    %sub3A = arith.constant 1 : i32
    %sub3A_10 = arith.subi %add3A_9, %sub3A : i32
    %jit3A = arith.constant 128 : i32
    %div3A = arith.divsi %sub3A_10, %jit3A : i32
    %sign3A = arith.constant 0 : i32
    %sign3A_11 = arith.cmpi sgt, %sub3A_10, %sign3A : i32
    %sign3A_12 = arith.extui %sign3A_11 : i1 to i32
    %sign3A_13 = arith.constant 0 : i32
    %sign3A_14 = arith.cmpi slt, %sub3A_10, %sign3A_13 : i32
    %sign3A_15 = arith.extui %sign3A_14 : i1 to i32
    %sign3A_16 = arith.subi %sign3A_12, %sign3A_15 : i32
    %sign3A_17 = arith.constant 0 : i32
    %sign3A_18 = arith.cmpi sgt, %jit3A, %sign3A_17 : i32
    %sign3A_19 = arith.extui %sign3A_18 : i1 to i32
    %sign3A_20 = arith.constant 0 : i32
    %sign3A_21 = arith.cmpi slt, %jit3A, %sign3A_20 : i32
    %sign3A_22 = arith.extui %sign3A_21 : i1 to i32
    %sign3A_23 = arith.subi %sign3A_19, %sign3A_22 : i32
    %ne3A = arith.cmpi ne, %sign3A_16, %sign3A_23 : i32
    %rem3A = arith.remsi %sub3A_10, %jit3A : i32
    %ne3A_24 = arith.constant 0 : i32
    %ne3A_25 = arith.cmpi ne, %rem3A, %ne3A_24 : i32
    %and3A = arith.andi %ne3A, %ne3A_25 : i1
    %sub3A_26 = arith.constant 1 : i32
    %sub3A_27 = arith.subi %div3A, %sub3A_26 : i32
    %select_n3A = arith.select %and3A, %sub3A_27, %div3A : i32
    %mul3A_28 = arith.constant 128 : i32
    %mul3A_29 = arith.muli %select_n3A, %mul3A_28 : i32
    %scan3A_30 = arith.constant 0 : i32
    %scan3A_31 = arith.constant 0 : i32
    %scan3A_32 = arith.constant 144 : i32
    %scan3A_33 = arith.addi %scan3A_31, %scan3A_32 : i32
    %scan3A_34 = arith.constant 1 : i32
    %scan3A_35 = scf.for %scan3A_135 = %scan3A_31 to %scan3A_33 step %scan3A_34 iter_args(%scan3A_136 = %scan3A_30) -> (i32)  : i32 {
      %broadcast_in_dim3A_137 = arith.constant 0 : i32
      %broadcast_in_dim3A_138 = vector.broadcast %broadcast_in_dim3A_137 : i32 to vector<16xi32>
      %mul3A_139 = arith.constant 16 : i32
      %mul3A_140 = arith.muli %scan3A_135, %mul3A_139 : i32
      %swap3A_141 = arith.index_cast %mul3A_140 : i32 to index
      %swap3A_142 = tpu.vector_load %arg14[%swap3A_141] {strides = array<i32>} : memref<2304xi32, #tpu.memory_space<vmem>>, vector<16xi32>,
      tpu.vector_store %arg14[%swap3A_141], %broadcast_in_dim3A_138 {strides = array<i32>} : memref<2304xi32, #tpu.memory_space<vmem>>, vector<16xi32>,
      %scan3A_143 = arith.constant 0 : i32
      scf.yield %scan3A_143 : i32
    }
    %scan3A_36 = arith.constant 144 : i32
    %scan3A_37 = arith.constant 0 : i32
    %scan3A_38 = arith.constant 0 : i32
    %scan3A_39 = arith.constant 128 : i32
    %scan3A_40 = arith.addi %scan3A_38, %scan3A_39 : i32
    %scan3A_41 = arith.constant 1 : i32
    %scan3A_42 = scf.for %scan3A_135 = %scan3A_38 to %scan3A_40 step %scan3A_41 iter_args(%scan3A_136 = %scan3A_37) -> (i32)  : i32 {
      %mul3A_137 = arith.constant 16 : i32
      %mul3A_138 = arith.muli %scan3A_135, %mul3A_137 : i32
      %get3A = arith.index_cast %mul3A_138 : i32 to index
      %get3A_139 = tpu.vector_load %arg10[%get3A] {strides = array<i32>} : memref<2048xi32, #tpu.memory_space<vmem>>, vector<16xi32>,
      %gt3A = arith.constant 0 : i32
      %gt3A_140 = vector.broadcast %gt3A : i32 to vector<16xi32>
      %gt3A_141 = arith.cmpi sgt, %get3A_139, %gt3A_140 : vector<16xi32>
      %mul3A_142 = arith.constant 16 : i32
      %mul3A_143 = arith.muli %scan3A_135, %mul3A_142 : i32
      %get3A_144 = arith.index_cast %mul3A_143 : i32 to index
      %get3A_145 = tpu.vector_load %arg12[%get3A_144] {strides = array<i32>} : memref<2048xi32, #tpu.memory_space<vmem>>, vector<16xi32>,
      %add3A_146 = vector.broadcast %mul3A_29 : i32 to vector<16xi32>
      %add3A_147 = arith.addi %add3A_146, %get3A_145 : vector<16xi32>
      %mul3A_148 = arith.constant 16 : i32
      %mul3A_149 = arith.muli %scan3A_135, %mul3A_148 : i32
      %get3A_150 = arith.index_cast %mul3A_149 : i32 to index
      %get3A_151 = tpu.vector_load %arg13[%get3A_150] {strides = array<i32>} : memref<2048xi32, #tpu.memory_space<vmem>>, vector<16xi32>,
      %select_n3A_152 = arith.select %gt3A_141, %add3A_147, %get3A_151 : vector<16xi1>, vector<16xi32>
      %mul3A_153 = arith.constant 16 : i32
      %mul3A_154 = arith.muli %scan3A_135, %mul3A_153 : i32
      %swap3A_155 = arith.index_cast %mul3A_154 : i32 to index
      %swap3A_156 = tpu.vector_load %arg15[%swap3A_155] {strides = array<i32>} : memref<2048xi32, #tpu.memory_space<vmem>>, vector<16xi32>,
      tpu.vector_store %arg15[%swap3A_155], %select_n3A_152 {strides = array<i32>} : memref<2048xi32, #tpu.memory_space<vmem>>, vector<16xi32>,
      %iota3A_157 = tpu.iota {dimensions = array<i32: 0>} : vector<16xi32>
      %mul3A_158 = arith.constant 16 : i32
      %mul3A_159 = arith.muli %scan3A_135, %mul3A_158 : i32
      %add3A_160 = vector.broadcast %mul3A_159 : i32 to vector<16xi32>
      %add3A_161 = arith.addi %iota3A_157, %add3A_160 : vector<16xi32>
      tpu.vector_store_idx %arg14[%select_n3A_152], %add3A_161 : memref<2304xi32, #tpu.memory_space<vmem>>[vector<16xi32>], vector<16xi32>,
      %scan3A_162 = arith.constant 0 : i32
      scf.yield %scan3A_162 : i32
    }
    %scan3A_43 = arith.constant 128 : i32
    %scan3A_44 = arith.constant 0 : i32
    %scan3A_45 = arith.constant 0 : i32
    %scan3A_46 = arith.constant 144 : i32
    %scan3A_47 = arith.addi %scan3A_45, %scan3A_46 : i32
    %scan3A_48 = arith.constant 1 : i32
    %scan3A_49 = scf.for %scan3A_135 = %scan3A_45 to %scan3A_47 step %scan3A_48 iter_args(%scan3A_136 = %scan3A_44) -> (i32)  : i32 {
      %mul3A_137 = arith.constant 16 : i32
      %mul3A_138 = arith.muli %scan3A_135, %mul3A_137 : i32
      %get3A = arith.index_cast %mul3A_138 : i32 to index
      %get3A_139 = tpu.vector_load %arg14[%get3A] {strides = array<i32>} : memref<2304xi32, #tpu.memory_space<vmem>>, vector<16xi32>,
      %gather3A = tpu.vector_load_idx %arg11[%get3A_139] : memref<2048xi32, #tpu.memory_space<vmem>>[vector<16xi32>], vector<16xi32>,
      %mul3A_140 = arith.constant 16 : i32
      %mul3A_141 = arith.muli %scan3A_135, %mul3A_140 : i32
      %swap3A_142 = arith.index_cast %mul3A_141 : i32 to index
      %swap3A_143 = tpu.vector_load %arg16[%swap3A_142] {strides = array<i32>} : memref<2304xi32, #tpu.memory_space<vmem>>, vector<16xi32>,
      tpu.vector_store %arg16[%swap3A_142], %gather3A {strides = array<i32>} : memref<2304xi32, #tpu.memory_space<vmem>>, vector<16xi32>,
      %scan3A_144 = arith.constant 0 : i32
      scf.yield %scan3A_144 : i32
    }
    %scan3A_50 = arith.constant 144 : i32
    %jit3A_51 = arith.constant 128 : i32
    %div3A_52 = arith.divsi %mul3A_29, %jit3A_51 : i32
    %sign3A_53 = arith.constant 0 : i32
    %sign3A_54 = arith.cmpi sgt, %mul3A_29, %sign3A_53 : i32
    %sign3A_55 = arith.extui %sign3A_54 : i1 to i32
    %sign3A_56 = arith.constant 0 : i32
    %sign3A_57 = arith.cmpi slt, %mul3A_29, %sign3A_56 : i32
    %sign3A_58 = arith.extui %sign3A_57 : i1 to i32
    %sign3A_59 = arith.subi %sign3A_55, %sign3A_58 : i32
    %sign3A_60 = arith.constant 0 : i32
    %sign3A_61 = arith.cmpi sgt, %jit3A_51, %sign3A_60 : i32
    %sign3A_62 = arith.extui %sign3A_61 : i1 to i32
    %sign3A_63 = arith.constant 0 : i32
    %sign3A_64 = arith.cmpi slt, %jit3A_51, %sign3A_63 : i32
    %sign3A_65 = arith.extui %sign3A_64 : i1 to i32
    %sign3A_66 = arith.subi %sign3A_62, %sign3A_65 : i32
    %ne3A_67 = arith.cmpi ne, %sign3A_59, %sign3A_66 : i32
    %rem3A_68 = arith.remsi %mul3A_29, %jit3A_51 : i32
    %ne3A_69 = arith.constant 0 : i32
    %ne3A_70 = arith.cmpi ne, %rem3A_68, %ne3A_69 : i32
    %and3A_71 = arith.andi %ne3A_67, %ne3A_70 : i1
    %sub3A_72 = arith.constant 1 : i32
    %sub3A_73 = arith.subi %div3A_52, %sub3A_72 : i32
    %select_n3A_74 = arith.select %and3A_71, %sub3A_73, %div3A_52 : i32
    %iota3A = tpu.iota {dimensions = array<i32: 0>} : vector<16xi32>
    %add3A_75 = arith.constant 0 : i32
    %add3A_76 = vector.broadcast %add3A_75 : i32 to vector<16xi32>
    %add3A_77 = arith.addi %iota3A, %add3A_76 : vector<16xi32>
    %ge3A = vector.broadcast %select_n3A_74 : i32 to vector<16xi32>
    %ge3A_78 = arith.cmpi sge, %add3A_77, %ge3A : vector<16xi32>
    %jit3A_79 = arith.constant 1 : i32
    %jit3A_80 = arith.constant 0 : i32
    %broadcast_in_dim3A = vector.broadcast %jit3A_79 : i32 to vector<16xi32>
    %broadcast_in_dim3A_81 = vector.broadcast %jit3A_80 : i32 to vector<16xi32>
    %select_n3A_82 = arith.select %ge3A_78, %broadcast_in_dim3A, %broadcast_in_dim3A_81 : vector<16xi1>, vector<16xi32>
    %swap3A = arith.constant 0 : index
    %swap3A_83 = tpu.vector_load %arg17[%swap3A] {strides = array<i32>} : memref<32xi32, #tpu.memory_space<vmem>>, vector<16xi32>,
    tpu.vector_store %arg17[%swap3A], %select_n3A_82 {strides = array<i32>} : memref<32xi32, #tpu.memory_space<vmem>>, vector<16xi32>,
    %iota3A_84 = tpu.iota {dimensions = array<i32: 0>} : vector<16xi32>
    %add3A_85 = arith.constant 16 : i32
    %add3A_86 = vector.broadcast %add3A_85 : i32 to vector<16xi32>
    %add3A_87 = arith.addi %iota3A_84, %add3A_86 : vector<16xi32>
    %ge3A_88 = vector.broadcast %select_n3A_74 : i32 to vector<16xi32>
    %ge3A_89 = arith.cmpi sge, %add3A_87, %ge3A_88 : vector<16xi32>
    %jit3A_90 = arith.constant 1 : i32
    %jit3A_91 = arith.constant 0 : i32
    %broadcast_in_dim3A_92 = vector.broadcast %jit3A_90 : i32 to vector<16xi32>
    %broadcast_in_dim3A_93 = vector.broadcast %jit3A_91 : i32 to vector<16xi32>
    %select_n3A_94 = arith.select %ge3A_89, %broadcast_in_dim3A_92, %broadcast_in_dim3A_93 : vector<16xi1>, vector<16xi32>
    %swap3A_95 = arith.constant 16 : index
    %swap3A_96 = tpu.vector_load %arg17[%swap3A_95] {strides = array<i32>} : memref<32xi32, #tpu.memory_space<vmem>>, vector<16xi32>,
    tpu.vector_store %arg17[%swap3A_95], %select_n3A_94 {strides = array<i32>} : memref<32xi32, #tpu.memory_space<vmem>>, vector<16xi32>,
    %eq3A = arith.constant 0 : i32
    %eq3A_97 = arith.cmpi eq, %add3A, %eq3A : i32
    %convert_element_type3A = arith.extui %eq3A_97 : i1 to i32
    %cond3A = arith.constant 0 : i32
    %cond3A_98 = arith.cmpi ne, %convert_element_type3A, %cond3A : i32
    scf.if %cond3A_98 {
      "tpu.region"() ({
        %run_scoped3A = tpu.sem_alloc : memref<!tpu.dma_semaphore, #tpu.memory_space<semaphore_mem>>
        tpu.enqueue_dma source(%arg15 : memref<2048xi32, #tpu.memory_space<vmem>>) target(%arg6 : memref<2048xi32, #tpu.memory_space<hbm>>) target_semaphore(%run_scoped3A : memref<!tpu.dma_semaphore, #tpu.memory_space<semaphore_mem>>)
        tpu.wait_dma2 semaphore(%run_scoped3A : memref<!tpu.dma_semaphore, #tpu.memory_space<semaphore_mem>>) src(%arg15 : memref<2048xi32, #tpu.memory_space<vmem>>) dst(%arg6 : memref<2048xi32, #tpu.memory_space<hbm>>)
        tpu.yield
      }) : () -> ()
      "tpu.region"() ({
        %run_scoped3A = tpu.sem_alloc : memref<!tpu.dma_semaphore, #tpu.memory_space<semaphore_mem>>
        tpu.enqueue_dma source(%arg14 : memref<2304xi32, #tpu.memory_space<vmem>>) target(%arg7 : memref<2304xi32, #tpu.memory_space<hbm>>) target_semaphore(%run_scoped3A : memref<!tpu.dma_semaphore, #tpu.memory_space<semaphore_mem>>)
        tpu.wait_dma2 semaphore(%run_scoped3A : memref<!tpu.dma_semaphore, #tpu.memory_space<semaphore_mem>>) src(%arg14 : memref<2304xi32, #tpu.memory_space<vmem>>) dst(%arg7 : memref<2304xi32, #tpu.memory_space<hbm>>)
        tpu.yield
      }) : () -> ()
      "tpu.region"() ({
        %run_scoped3A = tpu.sem_alloc : memref<!tpu.dma_semaphore, #tpu.memory_space<semaphore_mem>>
        tpu.enqueue_dma source(%arg16 : memref<2304xi32, #tpu.memory_space<vmem>>) target(%arg8 : memref<2304xi32, #tpu.memory_space<hbm>>) target_semaphore(%run_scoped3A : memref<!tpu.dma_semaphore, #tpu.memory_space<semaphore_mem>>)
        tpu.wait_dma2 semaphore(%run_scoped3A : memref<!tpu.dma_semaphore, #tpu.memory_space<semaphore_mem>>) src(%arg16 : memref<2304xi32, #tpu.memory_space<vmem>>) dst(%arg8 : memref<2304xi32, #tpu.memory_space<hbm>>)
        tpu.yield
      }) : () -> ()
      "tpu.region"() ({
        %run_scoped3A = tpu.sem_alloc : memref<!tpu.dma_semaphore, #tpu.memory_space<semaphore_mem>>
        tpu.enqueue_dma source(%arg17 : memref<32xi32, #tpu.memory_space<vmem>>) target(%arg9 : memref<32xi32, #tpu.memory_space<hbm>>) target_semaphore(%run_scoped3A : memref<!tpu.dma_semaphore, #tpu.memory_space<semaphore_mem>>)
        tpu.wait_dma2 semaphore(%run_scoped3A : memref<!tpu.dma_semaphore, #tpu.memory_space<semaphore_mem>>) src(%arg17 : memref<32xi32, #tpu.memory_space<vmem>>) dst(%arg9 : memref<32xi32, #tpu.memory_space<hbm>>)
        tpu.yield
      }) : () -> ()
    } else {
    }
    %mul3A_99 = arith.constant 72 : i32
    %mul3A_100 = arith.muli %add3A, %mul3A_99 : i32
    %add3A_101 = arith.constant 0 : i32
    %add3A_102 = arith.addi %mul3A_100, %add3A_101 : i32
    %dma_start3A = tpu.memref_slice %arg14[%add3A_102] : memref<2304xi32, #tpu.memory_space<vmem>> -> memref<24xi32, #tpu.memory_space<vmem>>
    %dma_start3A_103 = arith.constant 0 : i32
    %dma_start3A_104 = arith.constant 0 : i32
    %dma_start3A_105 = tpu.memref_slice %arg4[%dma_start3A_103, %dma_start3A_104] : memref<2048x1024xi32, #tpu.memory_space<hbm>> -> memref<2048x1024xi32, #tpu.memory_space<hbm>>
    tpu.enqueue_indirect_dma source(%dma_start3A_105 : memref<2048x1024xi32, #tpu.memory_space<hbm>>) target(%arg18 : memref<24x1024xi32, #tpu.memory_space<vmem>>) offsets(%dma_start3A : memref<24xi32, #tpu.memory_space<vmem>>) semaphore(%arg20 : memref<!tpu.dma_semaphore, #tpu.memory_space<semaphore_mem>>)
    %dma_wait3A = tpu.memref_slice %arg14[%add3A_102] : memref<2304xi32, #tpu.memory_space<vmem>> -> memref<24xi32, #tpu.memory_space<vmem>>
    %dma_wait3A_106 = arith.constant 0 : i32
    %dma_wait3A_107 = arith.constant 0 : i32
    %dma_wait3A_108 = tpu.memref_slice %arg4[%dma_wait3A_106, %dma_wait3A_107] : memref<2048x1024xi32, #tpu.memory_space<hbm>> -> memref<2048x1024xi32, #tpu.memory_space<hbm>>
    tpu.wait_indirect_dma semaphore(%arg20 : memref<!tpu.dma_semaphore, #tpu.memory_space<semaphore_mem>>) src(%dma_wait3A_108 : memref<2048x1024xi32, #tpu.memory_space<hbm>>) dst(%arg18 : memref<24x1024xi32, #tpu.memory_space<vmem>>)
    %add3A_109 = arith.constant 24 : i32
    %add3A_110 = arith.addi %mul3A_100, %add3A_109 : i32
    %dma_start3A_111 = tpu.memref_slice %arg14[%add3A_110] : memref<2304xi32, #tpu.memory_space<vmem>> -> memref<24xi32, #tpu.memory_space<vmem>>
    %dma_start3A_112 = arith.constant 0 : i32
    %dma_start3A_113 = arith.constant 0 : i32
    %dma_start3A_114 = tpu.memref_slice %arg4[%dma_start3A_112, %dma_start3A_113] : memref<2048x1024xi32, #tpu.memory_space<hbm>> -> memref<2048x1024xi32, #tpu.memory_space<hbm>>
    tpu.enqueue_indirect_dma source(%dma_start3A_114 : memref<2048x1024xi32, #tpu.memory_space<hbm>>) target(%arg19 : memref<24x1024xi32, #tpu.memory_space<vmem>>) offsets(%dma_start3A_111 : memref<24xi32, #tpu.memory_space<vmem>>) semaphore(%arg21 : memref<!tpu.dma_semaphore, #tpu.memory_space<semaphore_mem>>)
    %add3A_115 = arith.constant 0 : i32
    %add3A_116 = arith.addi %mul3A_100, %add3A_115 : i32
    "tpu.region"() ({
      %run_scoped3A = tpu.sem_alloc : memref<!tpu.dma_semaphore, #tpu.memory_space<semaphore_mem>>
      %dma_start3A_135 = arith.constant 0 : i32
      %dma_start3A_136 = tpu.memref_slice %arg5[%add3A_116, %dma_start3A_135] : memref<2304x1024xi32, #tpu.memory_space<hbm>> -> memref<24x1024xi32, #tpu.memory_space<hbm>>
      %dma_start3A_137 = arith.constant 0 : i32
      %dma_start3A_138 = tpu.memref_slice %arg5[%add3A_116, %dma_start3A_137] : memref<2304x1024xi32, #tpu.memory_space<hbm>> -> memref<24x1024xi32, #tpu.memory_space<hbm>>
      tpu.enqueue_dma source(%arg18 : memref<24x1024xi32, #tpu.memory_space<vmem>>) target(%dma_start3A_138 : memref<24x1024xi32, #tpu.memory_space<hbm>>) target_semaphore(%run_scoped3A : memref<!tpu.dma_semaphore, #tpu.memory_space<semaphore_mem>>)
      %dma_wait3A_139 = arith.constant 0 : i32
      %dma_wait3A_140 = tpu.memref_slice %arg5[%add3A_116, %dma_wait3A_139] : memref<2304x1024xi32, #tpu.memory_space<hbm>> -> memref<24x1024xi32, #tpu.memory_space<hbm>>
      %dma_wait3A_141 = arith.constant 0 : i32
      %dma_wait3A_142 = tpu.memref_slice %arg5[%add3A_116, %dma_wait3A_141] : memref<2304x1024xi32, #tpu.memory_space<hbm>> -> memref<24x1024xi32, #tpu.memory_space<hbm>>
      tpu.wait_dma2 semaphore(%run_scoped3A : memref<!tpu.dma_semaphore, #tpu.memory_space<semaphore_mem>>) src(%arg18 : memref<24x1024xi32, #tpu.memory_space<vmem>>) dst(%dma_wait3A_142 : memref<24x1024xi32, #tpu.memory_space<hbm>>)
      tpu.yield
    }) : () -> ()
    %dma_wait3A_117 = tpu.memref_slice %arg14[%add3A_110] : memref<2304xi32, #tpu.memory_space<vmem>> -> memref<24xi32, #tpu.memory_space<vmem>>
    %dma_wait3A_118 = arith.constant 0 : i32
    %dma_wait3A_119 = arith.constant 0 : i32
    %dma_wait3A_120 = tpu.memref_slice %arg4[%dma_wait3A_118, %dma_wait3A_119] : memref<2048x1024xi32, #tpu.memory_space<hbm>> -> memref<2048x1024xi32, #tpu.memory_space<hbm>>
    tpu.wait_indirect_dma semaphore(%arg21 : memref<!tpu.dma_semaphore, #tpu.memory_space<semaphore_mem>>) src(%dma_wait3A_120 : memref<2048x1024xi32, #tpu.memory_space<hbm>>) dst(%arg19 : memref<24x1024xi32, #tpu.memory_space<vmem>>)
    %add3A_121 = arith.constant 48 : i32
    %add3A_122 = arith.addi %mul3A_100, %add3A_121 : i32
    %dma_start3A_123 = tpu.memref_slice %arg14[%add3A_122] : memref<2304xi32, #tpu.memory_space<vmem>> -> memref<24xi32, #tpu.memory_space<vmem>>
    %dma_start3A_124 = arith.constant 0 : i32
    %dma_start3A_125 = arith.constant 0 : i32
    %dma_start3A_126 = tpu.memref_slice %arg4[%dma_start3A_124, %dma_start3A_125] : memref<2048x1024xi32, #tpu.memory_space<hbm>> -> memref<2048x1024xi32, #tpu.memory_space<hbm>>
    tpu.enqueue_indirect_dma source(%dma_start3A_126 : memref<2048x1024xi32, #tpu.memory_space<hbm>>) target(%arg18 : memref<24x1024xi32, #tpu.memory_space<vmem>>) offsets(%dma_start3A_123 : memref<24xi32, #tpu.memory_space<vmem>>) semaphore(%arg20 : memref<!tpu.dma_semaphore, #tpu.memory_space<semaphore_mem>>)
    %add3A_127 = arith.constant 24 : i32
    %add3A_128 = arith.addi %mul3A_100, %add3A_127 : i32
    "tpu.region"() ({
      %run_scoped3A = tpu.sem_alloc : memref<!tpu.dma_semaphore, #tpu.memory_space<semaphore_mem>>
      %dma_start3A_135 = arith.constant 0 : i32
      %dma_start3A_136 = tpu.memref_slice %arg5[%add3A_128, %dma_start3A_135] : memref<2304x1024xi32, #tpu.memory_space<hbm>> -> memref<24x1024xi32, #tpu.memory_space<hbm>>
      %dma_start3A_137 = arith.constant 0 : i32
      %dma_start3A_138 = tpu.memref_slice %arg5[%add3A_128, %dma_start3A_137] : memref<2304x1024xi32, #tpu.memory_space<hbm>> -> memref<24x1024xi32, #tpu.memory_space<hbm>>
      tpu.enqueue_dma source(%arg19 : memref<24x1024xi32, #tpu.memory_space<vmem>>) target(%dma_start3A_138 : memref<24x1024xi32, #tpu.memory_space<hbm>>) target_semaphore(%run_scoped3A : memref<!tpu.dma_semaphore, #tpu.memory_space<semaphore_mem>>)
      %dma_wait3A_139 = arith.constant 0 : i32
      %dma_wait3A_140 = tpu.memref_slice %arg5[%add3A_128, %dma_wait3A_139] : memref<2304x1024xi32, #tpu.memory_space<hbm>> -> memref<24x1024xi32, #tpu.memory_space<hbm>>
      %dma_wait3A_141 = arith.constant 0 : i32
      %dma_wait3A_142 = tpu.memref_slice %arg5[%add3A_128, %dma_wait3A_141] : memref<2304x1024xi32, #tpu.memory_space<hbm>> -> memref<24x1024xi32, #tpu.memory_space<hbm>>
      tpu.wait_dma2 semaphore(%run_scoped3A : memref<!tpu.dma_semaphore, #tpu.memory_space<semaphore_mem>>) src(%arg19 : memref<24x1024xi32, #tpu.memory_space<vmem>>) dst(%dma_wait3A_142 : memref<24x1024xi32, #tpu.memory_space<hbm>>)
      tpu.yield
    }) : () -> ()
    %dma_wait3A_129 = tpu.memref_slice %arg14[%add3A_122] : memref<2304xi32, #tpu.memory_space<vmem>> -> memref<24xi32, #tpu.memory_space<vmem>>
    %dma_wait3A_130 = arith.constant 0 : i32
    %dma_wait3A_131 = arith.constant 0 : i32
    %dma_wait3A_132 = tpu.memref_slice %arg4[%dma_wait3A_130, %dma_wait3A_131] : memref<2048x1024xi32, #tpu.memory_space<hbm>> -> memref<2048x1024xi32, #tpu.memory_space<hbm>>
    tpu.wait_indirect_dma semaphore(%arg20 : memref<!tpu.dma_semaphore, #tpu.memory_space<semaphore_mem>>) src(%dma_wait3A_132 : memref<2048x1024xi32, #tpu.memory_space<hbm>>) dst(%arg18 : memref<24x1024xi32, #tpu.memory_space<vmem>>)
    %add3A_133 = arith.constant 48 : i32
    %add3A_134 = arith.addi %mul3A_100, %add3A_133 : i32
    "tpu.region"() ({
      %run_scoped3A = tpu.sem_alloc : memref<!tpu.dma_semaphore, #tpu.memory_space<semaphore_mem>>
      %dma_start3A_135 = arith.constant 0 : i32
      %dma_start3A_136 = tpu.memref_slice %arg5[%add3A_134, %dma_start3A_135] : memref<2304x1024xi32, #tpu.memory_space<hbm>> -> memref<24x1024xi32, #tpu.memory_space<hbm>>
      %dma_start3A_137 = arith.constant 0 : i32
      %dma_start3A_138 = tpu.memref_slice %arg5[%add3A_134, %dma_start3A_137] : memref<2304x1024xi32, #tpu.memory_space<hbm>> -> memref<24x1024xi32, #tpu.memory_space<hbm>>
      tpu.enqueue_dma source(%arg18 : memref<24x1024xi32, #tpu.memory_space<vmem>>) target(%dma_start3A_138 : memref<24x1024xi32, #tpu.memory_space<hbm>>) target_semaphore(%run_scoped3A : memref<!tpu.dma_semaphore, #tpu.memory_space<semaphore_mem>>)
      %dma_wait3A_139 = arith.constant 0 : i32
      %dma_wait3A_140 = tpu.memref_slice %arg5[%add3A_134, %dma_wait3A_139] : memref<2304x1024xi32, #tpu.memory_space<hbm>> -> memref<24x1024xi32, #tpu.memory_space<hbm>>
      %dma_wait3A_141 = arith.constant 0 : i32
      %dma_wait3A_142 = tpu.memref_slice %arg5[%add3A_134, %dma_wait3A_141] : memref<2304x1024xi32, #tpu.memory_space<hbm>> -> memref<24x1024xi32, #tpu.memory_space<hbm>>
      tpu.wait_dma2 semaphore(%run_scoped3A : memref<!tpu.dma_semaphore, #tpu.memory_space<semaphore_mem>>) src(%arg18 : memref<24x1024xi32, #tpu.memory_space<vmem>>) dst(%dma_wait3A_142 : memref<24x1024xi32, #tpu.memory_space<hbm>>)
      tpu.yield
    }) : () -> ()
    return
  }
}

#map = affine_map<(d0, d1) -> (0)>
#map1 = affine_map<(d0, d1) -> (0, 0)>
module attributes {stable_mosaic.version = 14 : i64} {
  func.func @k(%arg0: i32, %arg1: i32, %arg2: memref<2048xi32, #tpu.memory_space<hbm>>, %arg3: memref<2304x2048xf32, #tpu.memory_space<hbm>>, %arg4: memref<2048x2048xf32, #tpu.memory_space<hbm>>, %arg5: memref<64xi32, #tpu.memory_space<vmem>>, %arg6: memref<16x2048xf32, #tpu.memory_space<vmem>>, %arg7: memref<16x2048xf32, #tpu.memory_space<vmem>>, %arg8: memref<!tpu.dma_semaphore, #tpu.memory_space<semaphore_mem>>, %arg9: memref<!tpu.dma_semaphore, #tpu.memory_space<semaphore_mem>>) attributes {dimension_semantics = [#tpu.dimension_semantics<core_parallel>, #tpu.dimension_semantics<subcore_parallel>], iteration_bounds = array<i64: 2, 16>, scalar_prefetch = 0 : i64, scratch_operands = 5 : i64, tpu.core_type = #tpu.core_type<sc_vector_subcore>, window_params = [{transform_indices = #map}, {transform_indices = #map1}, {transform_indices = #map1}]} {
    %mul3A = arith.constant 16 : i32
    %mul3A_0 = arith.muli %arg0, %mul3A : i32
    %add3A = arith.addi %mul3A_0, %arg1 : i32
    %mul3A_1 = arith.constant 64 : i32
    %mul3A_2 = arith.muli %add3A, %mul3A_1 : i32
    "tpu.region"() ({
      %run_scoped3A = tpu.sem_alloc : memref<!tpu.dma_semaphore, #tpu.memory_space<semaphore_mem>>
      %dma_start3A_49 = tpu.memref_slice %arg2[%mul3A_2] : memref<2048xi32, #tpu.memory_space<hbm>> -> memref<64xi32, #tpu.memory_space<hbm>>
      %dma_start3A_50 = tpu.memref_slice %arg2[%mul3A_2] : memref<2048xi32, #tpu.memory_space<hbm>> -> memref<64xi32, #tpu.memory_space<hbm>>
      tpu.enqueue_dma source(%dma_start3A_50 : memref<64xi32, #tpu.memory_space<hbm>>) target(%arg5 : memref<64xi32, #tpu.memory_space<vmem>>) target_semaphore(%run_scoped3A : memref<!tpu.dma_semaphore, #tpu.memory_space<semaphore_mem>>)
      %dma_wait3A_51 = tpu.memref_slice %arg2[%mul3A_2] : memref<2048xi32, #tpu.memory_space<hbm>> -> memref<64xi32, #tpu.memory_space<hbm>>
      %dma_wait3A_52 = tpu.memref_slice %arg2[%mul3A_2] : memref<2048xi32, #tpu.memory_space<hbm>> -> memref<64xi32, #tpu.memory_space<hbm>>
      tpu.wait_dma2 semaphore(%run_scoped3A : memref<!tpu.dma_semaphore, #tpu.memory_space<semaphore_mem>>) src(%dma_wait3A_52 : memref<64xi32, #tpu.memory_space<hbm>>) dst(%arg5 : memref<64xi32, #tpu.memory_space<vmem>>)
      tpu.yield
    }) : () -> ()
    %dma_start3A = arith.constant 0 : i32
    %dma_start3A_3 = tpu.memref_slice %arg5[%dma_start3A] : memref<64xi32, #tpu.memory_space<vmem>> -> memref<16xi32, #tpu.memory_space<vmem>>
    %dma_start3A_4 = arith.constant 0 : i32
    %dma_start3A_5 = arith.constant 0 : i32
    %dma_start3A_6 = tpu.memref_slice %arg3[%dma_start3A_4, %dma_start3A_5] : memref<2304x2048xf32, #tpu.memory_space<hbm>> -> memref<2304x2048xf32, #tpu.memory_space<hbm>>
    tpu.enqueue_indirect_dma source(%dma_start3A_6 : memref<2304x2048xf32, #tpu.memory_space<hbm>>) target(%arg6 : memref<16x2048xf32, #tpu.memory_space<vmem>>) offsets(%dma_start3A_3 : memref<16xi32, #tpu.memory_space<vmem>>) semaphore(%arg8 : memref<!tpu.dma_semaphore, #tpu.memory_space<semaphore_mem>>)
    %dma_wait3A = arith.constant 0 : i32
    %dma_wait3A_7 = tpu.memref_slice %arg5[%dma_wait3A] : memref<64xi32, #tpu.memory_space<vmem>> -> memref<16xi32, #tpu.memory_space<vmem>>
    %dma_wait3A_8 = arith.constant 0 : i32
    %dma_wait3A_9 = arith.constant 0 : i32
    %dma_wait3A_10 = tpu.memref_slice %arg3[%dma_wait3A_8, %dma_wait3A_9] : memref<2304x2048xf32, #tpu.memory_space<hbm>> -> memref<2304x2048xf32, #tpu.memory_space<hbm>>
    tpu.wait_indirect_dma semaphore(%arg8 : memref<!tpu.dma_semaphore, #tpu.memory_space<semaphore_mem>>) src(%dma_wait3A_10 : memref<2304x2048xf32, #tpu.memory_space<hbm>>) dst(%arg6 : memref<16x2048xf32, #tpu.memory_space<vmem>>)
    %dma_start3A_11 = arith.constant 16 : i32
    %dma_start3A_12 = tpu.memref_slice %arg5[%dma_start3A_11] : memref<64xi32, #tpu.memory_space<vmem>> -> memref<16xi32, #tpu.memory_space<vmem>>
    %dma_start3A_13 = arith.constant 0 : i32
    %dma_start3A_14 = arith.constant 0 : i32
    %dma_start3A_15 = tpu.memref_slice %arg3[%dma_start3A_13, %dma_start3A_14] : memref<2304x2048xf32, #tpu.memory_space<hbm>> -> memref<2304x2048xf32, #tpu.memory_space<hbm>>
    tpu.enqueue_indirect_dma source(%dma_start3A_15 : memref<2304x2048xf32, #tpu.memory_space<hbm>>) target(%arg7 : memref<16x2048xf32, #tpu.memory_space<vmem>>) offsets(%dma_start3A_12 : memref<16xi32, #tpu.memory_space<vmem>>) semaphore(%arg9 : memref<!tpu.dma_semaphore, #tpu.memory_space<semaphore_mem>>)
    %add3A_16 = arith.constant 0 : i32
    %add3A_17 = arith.addi %mul3A_2, %add3A_16 : i32
    "tpu.region"() ({
      %run_scoped3A = tpu.sem_alloc : memref<!tpu.dma_semaphore, #tpu.memory_space<semaphore_mem>>
      %dma_start3A_49 = arith.constant 0 : i32
      %dma_start3A_50 = tpu.memref_slice %arg4[%add3A_17, %dma_start3A_49] : memref<2048x2048xf32, #tpu.memory_space<hbm>> -> memref<16x2048xf32, #tpu.memory_space<hbm>>
      %dma_start3A_51 = arith.constant 0 : i32
      %dma_start3A_52 = tpu.memref_slice %arg4[%add3A_17, %dma_start3A_51] : memref<2048x2048xf32, #tpu.memory_space<hbm>> -> memref<16x2048xf32, #tpu.memory_space<hbm>>
      tpu.enqueue_dma source(%arg6 : memref<16x2048xf32, #tpu.memory_space<vmem>>) target(%dma_start3A_52 : memref<16x2048xf32, #tpu.memory_space<hbm>>) target_semaphore(%run_scoped3A : memref<!tpu.dma_semaphore, #tpu.memory_space<semaphore_mem>>)
      %dma_wait3A_53 = arith.constant 0 : i32
      %dma_wait3A_54 = tpu.memref_slice %arg4[%add3A_17, %dma_wait3A_53] : memref<2048x2048xf32, #tpu.memory_space<hbm>> -> memref<16x2048xf32, #tpu.memory_space<hbm>>
      %dma_wait3A_55 = arith.constant 0 : i32
      %dma_wait3A_56 = tpu.memref_slice %arg4[%add3A_17, %dma_wait3A_55] : memref<2048x2048xf32, #tpu.memory_space<hbm>> -> memref<16x2048xf32, #tpu.memory_space<hbm>>
      tpu.wait_dma2 semaphore(%run_scoped3A : memref<!tpu.dma_semaphore, #tpu.memory_space<semaphore_mem>>) src(%arg6 : memref<16x2048xf32, #tpu.memory_space<vmem>>) dst(%dma_wait3A_56 : memref<16x2048xf32, #tpu.memory_space<hbm>>)
      tpu.yield
    }) : () -> ()
    %dma_wait3A_18 = arith.constant 16 : i32
    %dma_wait3A_19 = tpu.memref_slice %arg5[%dma_wait3A_18] : memref<64xi32, #tpu.memory_space<vmem>> -> memref<16xi32, #tpu.memory_space<vmem>>
    %dma_wait3A_20 = arith.constant 0 : i32
    %dma_wait3A_21 = arith.constant 0 : i32
    %dma_wait3A_22 = tpu.memref_slice %arg3[%dma_wait3A_20, %dma_wait3A_21] : memref<2304x2048xf32, #tpu.memory_space<hbm>> -> memref<2304x2048xf32, #tpu.memory_space<hbm>>
    tpu.wait_indirect_dma semaphore(%arg9 : memref<!tpu.dma_semaphore, #tpu.memory_space<semaphore_mem>>) src(%dma_wait3A_22 : memref<2304x2048xf32, #tpu.memory_space<hbm>>) dst(%arg7 : memref<16x2048xf32, #tpu.memory_space<vmem>>)
    %dma_start3A_23 = arith.constant 32 : i32
    %dma_start3A_24 = tpu.memref_slice %arg5[%dma_start3A_23] : memref<64xi32, #tpu.memory_space<vmem>> -> memref<16xi32, #tpu.memory_space<vmem>>
    %dma_start3A_25 = arith.constant 0 : i32
    %dma_start3A_26 = arith.constant 0 : i32
    %dma_start3A_27 = tpu.memref_slice %arg3[%dma_start3A_25, %dma_start3A_26] : memref<2304x2048xf32, #tpu.memory_space<hbm>> -> memref<2304x2048xf32, #tpu.memory_space<hbm>>
    tpu.enqueue_indirect_dma source(%dma_start3A_27 : memref<2304x2048xf32, #tpu.memory_space<hbm>>) target(%arg6 : memref<16x2048xf32, #tpu.memory_space<vmem>>) offsets(%dma_start3A_24 : memref<16xi32, #tpu.memory_space<vmem>>) semaphore(%arg8 : memref<!tpu.dma_semaphore, #tpu.memory_space<semaphore_mem>>)
    %add3A_28 = arith.constant 16 : i32
    %add3A_29 = arith.addi %mul3A_2, %add3A_28 : i32
    "tpu.region"() ({
      %run_scoped3A = tpu.sem_alloc : memref<!tpu.dma_semaphore, #tpu.memory_space<semaphore_mem>>
      %dma_start3A_49 = arith.constant 0 : i32
      %dma_start3A_50 = tpu.memref_slice %arg4[%add3A_29, %dma_start3A_49] : memref<2048x2048xf32, #tpu.memory_space<hbm>> -> memref<16x2048xf32, #tpu.memory_space<hbm>>
      %dma_start3A_51 = arith.constant 0 : i32
      %dma_start3A_52 = tpu.memref_slice %arg4[%add3A_29, %dma_start3A_51] : memref<2048x2048xf32, #tpu.memory_space<hbm>> -> memref<16x2048xf32, #tpu.memory_space<hbm>>
      tpu.enqueue_dma source(%arg7 : memref<16x2048xf32, #tpu.memory_space<vmem>>) target(%dma_start3A_52 : memref<16x2048xf32, #tpu.memory_space<hbm>>) target_semaphore(%run_scoped3A : memref<!tpu.dma_semaphore, #tpu.memory_space<semaphore_mem>>)
      %dma_wait3A_53 = arith.constant 0 : i32
      %dma_wait3A_54 = tpu.memref_slice %arg4[%add3A_29, %dma_wait3A_53] : memref<2048x2048xf32, #tpu.memory_space<hbm>> -> memref<16x2048xf32, #tpu.memory_space<hbm>>
      %dma_wait3A_55 = arith.constant 0 : i32
      %dma_wait3A_56 = tpu.memref_slice %arg4[%add3A_29, %dma_wait3A_55] : memref<2048x2048xf32, #tpu.memory_space<hbm>> -> memref<16x2048xf32, #tpu.memory_space<hbm>>
      tpu.wait_dma2 semaphore(%run_scoped3A : memref<!tpu.dma_semaphore, #tpu.memory_space<semaphore_mem>>) src(%arg7 : memref<16x2048xf32, #tpu.memory_space<vmem>>) dst(%dma_wait3A_56 : memref<16x2048xf32, #tpu.memory_space<hbm>>)
      tpu.yield
    }) : () -> ()
    %dma_wait3A_30 = arith.constant 32 : i32
    %dma_wait3A_31 = tpu.memref_slice %arg5[%dma_wait3A_30] : memref<64xi32, #tpu.memory_space<vmem>> -> memref<16xi32, #tpu.memory_space<vmem>>
    %dma_wait3A_32 = arith.constant 0 : i32
    %dma_wait3A_33 = arith.constant 0 : i32
    %dma_wait3A_34 = tpu.memref_slice %arg3[%dma_wait3A_32, %dma_wait3A_33] : memref<2304x2048xf32, #tpu.memory_space<hbm>> -> memref<2304x2048xf32, #tpu.memory_space<hbm>>
    tpu.wait_indirect_dma semaphore(%arg8 : memref<!tpu.dma_semaphore, #tpu.memory_space<semaphore_mem>>) src(%dma_wait3A_34 : memref<2304x2048xf32, #tpu.memory_space<hbm>>) dst(%arg6 : memref<16x2048xf32, #tpu.memory_space<vmem>>)
    %dma_start3A_35 = arith.constant 48 : i32
    %dma_start3A_36 = tpu.memref_slice %arg5[%dma_start3A_35] : memref<64xi32, #tpu.memory_space<vmem>> -> memref<16xi32, #tpu.memory_space<vmem>>
    %dma_start3A_37 = arith.constant 0 : i32
    %dma_start3A_38 = arith.constant 0 : i32
    %dma_start3A_39 = tpu.memref_slice %arg3[%dma_start3A_37, %dma_start3A_38] : memref<2304x2048xf32, #tpu.memory_space<hbm>> -> memref<2304x2048xf32, #tpu.memory_space<hbm>>
    tpu.enqueue_indirect_dma source(%dma_start3A_39 : memref<2304x2048xf32, #tpu.memory_space<hbm>>) target(%arg7 : memref<16x2048xf32, #tpu.memory_space<vmem>>) offsets(%dma_start3A_36 : memref<16xi32, #tpu.memory_space<vmem>>) semaphore(%arg9 : memref<!tpu.dma_semaphore, #tpu.memory_space<semaphore_mem>>)
    %add3A_40 = arith.constant 32 : i32
    %add3A_41 = arith.addi %mul3A_2, %add3A_40 : i32
    "tpu.region"() ({
      %run_scoped3A = tpu.sem_alloc : memref<!tpu.dma_semaphore, #tpu.memory_space<semaphore_mem>>
      %dma_start3A_49 = arith.constant 0 : i32
      %dma_start3A_50 = tpu.memref_slice %arg4[%add3A_41, %dma_start3A_49] : memref<2048x2048xf32, #tpu.memory_space<hbm>> -> memref<16x2048xf32, #tpu.memory_space<hbm>>
      %dma_start3A_51 = arith.constant 0 : i32
      %dma_start3A_52 = tpu.memref_slice %arg4[%add3A_41, %dma_start3A_51] : memref<2048x2048xf32, #tpu.memory_space<hbm>> -> memref<16x2048xf32, #tpu.memory_space<hbm>>
      tpu.enqueue_dma source(%arg6 : memref<16x2048xf32, #tpu.memory_space<vmem>>) target(%dma_start3A_52 : memref<16x2048xf32, #tpu.memory_space<hbm>>) target_semaphore(%run_scoped3A : memref<!tpu.dma_semaphore, #tpu.memory_space<semaphore_mem>>)
      %dma_wait3A_53 = arith.constant 0 : i32
      %dma_wait3A_54 = tpu.memref_slice %arg4[%add3A_41, %dma_wait3A_53] : memref<2048x2048xf32, #tpu.memory_space<hbm>> -> memref<16x2048xf32, #tpu.memory_space<hbm>>
      %dma_wait3A_55 = arith.constant 0 : i32
      %dma_wait3A_56 = tpu.memref_slice %arg4[%add3A_41, %dma_wait3A_55] : memref<2048x2048xf32, #tpu.memory_space<hbm>> -> memref<16x2048xf32, #tpu.memory_space<hbm>>
      tpu.wait_dma2 semaphore(%run_scoped3A : memref<!tpu.dma_semaphore, #tpu.memory_space<semaphore_mem>>) src(%arg6 : memref<16x2048xf32, #tpu.memory_space<vmem>>) dst(%dma_wait3A_56 : memref<16x2048xf32, #tpu.memory_space<hbm>>)
      tpu.yield
    }) : () -> ()
    %dma_wait3A_42 = arith.constant 48 : i32
    %dma_wait3A_43 = tpu.memref_slice %arg5[%dma_wait3A_42] : memref<64xi32, #tpu.memory_space<vmem>> -> memref<16xi32, #tpu.memory_space<vmem>>
    %dma_wait3A_44 = arith.constant 0 : i32
    %dma_wait3A_45 = arith.constant 0 : i32
    %dma_wait3A_46 = tpu.memref_slice %arg3[%dma_wait3A_44, %dma_wait3A_45] : memref<2304x2048xf32, #tpu.memory_space<hbm>> -> memref<2304x2048xf32, #tpu.memory_space<hbm>>
    tpu.wait_indirect_dma semaphore(%arg9 : memref<!tpu.dma_semaphore, #tpu.memory_space<semaphore_mem>>) src(%dma_wait3A_46 : memref<2304x2048xf32, #tpu.memory_space<hbm>>) dst(%arg7 : memref<16x2048xf32, #tpu.memory_space<vmem>>)
    %add3A_47 = arith.constant 48 : i32
    %add3A_48 = arith.addi %mul3A_2, %add3A_47 : i32
    "tpu.region"() ({
      %run_scoped3A = tpu.sem_alloc : memref<!tpu.dma_semaphore, #tpu.memory_space<semaphore_mem>>
      %dma_start3A_49 = arith.constant 0 : i32
      %dma_start3A_50 = tpu.memref_slice %arg4[%add3A_48, %dma_start3A_49] : memref<2048x2048xf32, #tpu.memory_space<hbm>> -> memref<16x2048xf32, #tpu.memory_space<hbm>>
      %dma_start3A_51 = arith.constant 0 : i32
      %dma_start3A_52 = tpu.memref_slice %arg4[%add3A_48, %dma_start3A_51] : memref<2048x2048xf32, #tpu.memory_space<hbm>> -> memref<16x2048xf32, #tpu.memory_space<hbm>>
      tpu.enqueue_dma source(%arg7 : memref<16x2048xf32, #tpu.memory_space<vmem>>) target(%dma_start3A_52 : memref<16x2048xf32, #tpu.memory_space<hbm>>) target_semaphore(%run_scoped3A : memref<!tpu.dma_semaphore, #tpu.memory_space<semaphore_mem>>)
      %dma_wait3A_53 = arith.constant 0 : i32
      %dma_wait3A_54 = tpu.memref_slice %arg4[%add3A_48, %dma_wait3A_53] : memref<2048x2048xf32, #tpu.memory_space<hbm>> -> memref<16x2048xf32, #tpu.memory_space<hbm>>
      %dma_wait3A_55 = arith.constant 0 : i32
      %dma_wait3A_56 = tpu.memref_slice %arg4[%add3A_48, %dma_wait3A_55] : memref<2048x2048xf32, #tpu.memory_space<hbm>> -> memref<16x2048xf32, #tpu.memory_space<hbm>>
      tpu.wait_dma2 semaphore(%run_scoped3A : memref<!tpu.dma_semaphore, #tpu.memory_space<semaphore_mem>>) src(%arg7 : memref<16x2048xf32, #tpu.memory_space<vmem>>) dst(%dma_wait3A_56 : memref<16x2048xf32, #tpu.memory_space<hbm>>)
      tpu.yield
    }) : () -> ()
    return
  }
}

#map = affine_map<(d0, d1) -> (0)>
#map1 = affine_map<(d0, d1) -> (0, 0)>
module attributes {stable_mosaic.version = 14 : i64} {
  func.func @k(%arg0: i32, %arg1: i32, %arg2: memref<2304xi32, #tpu.memory_space<hbm>>, %arg3: memref<2048x1024xi32, #tpu.memory_space<hbm>>, %arg4: memref<2304x1024xi32, #tpu.memory_space<hbm>>, %arg5: memref<72xi32, #tpu.memory_space<vmem>>, %arg6: memref<24x1024xi32, #tpu.memory_space<vmem>>, %arg7: memref<24x1024xi32, #tpu.memory_space<vmem>>, %arg8: memref<!tpu.dma_semaphore, #tpu.memory_space<semaphore_mem>>, %arg9: memref<!tpu.dma_semaphore, #tpu.memory_space<semaphore_mem>>) attributes {dimension_semantics = [#tpu.dimension_semantics<core_parallel>, #tpu.dimension_semantics<subcore_parallel>], iteration_bounds = array<i64: 2, 16>, scalar_prefetch = 0 : i64, scratch_operands = 5 : i64, tpu.core_type = #tpu.core_type<sc_vector_subcore>, window_params = [{transform_indices = #map}, {transform_indices = #map1}, {transform_indices = #map1}]} {
    %mul3A = arith.constant 16 : i32
    %mul3A_0 = arith.muli %arg0, %mul3A : i32
    %add3A = arith.addi %mul3A_0, %arg1 : i32
    %mul3A_1 = arith.constant 72 : i32
    %mul3A_2 = arith.muli %add3A, %mul3A_1 : i32
    "tpu.region"() ({
      %run_scoped3A = tpu.sem_alloc : memref<!tpu.dma_semaphore, #tpu.memory_space<semaphore_mem>>
      %dma_start3A_37 = tpu.memref_slice %arg2[%mul3A_2] : memref<2304xi32, #tpu.memory_space<hbm>> -> memref<72xi32, #tpu.memory_space<hbm>>
      %dma_start3A_38 = tpu.memref_slice %arg2[%mul3A_2] : memref<2304xi32, #tpu.memory_space<hbm>> -> memref<72xi32, #tpu.memory_space<hbm>>
      tpu.enqueue_dma source(%dma_start3A_38 : memref<72xi32, #tpu.memory_space<hbm>>) target(%arg5 : memref<72xi32, #tpu.memory_space<vmem>>) target_semaphore(%run_scoped3A : memref<!tpu.dma_semaphore, #tpu.memory_space<semaphore_mem>>)
      %dma_wait3A_39 = tpu.memref_slice %arg2[%mul3A_2] : memref<2304xi32, #tpu.memory_space<hbm>> -> memref<72xi32, #tpu.memory_space<hbm>>
      %dma_wait3A_40 = tpu.memref_slice %arg2[%mul3A_2] : memref<2304xi32, #tpu.memory_space<hbm>> -> memref<72xi32, #tpu.memory_space<hbm>>
      tpu.wait_dma2 semaphore(%run_scoped3A : memref<!tpu.dma_semaphore, #tpu.memory_space<semaphore_mem>>) src(%dma_wait3A_40 : memref<72xi32, #tpu.memory_space<hbm>>) dst(%arg5 : memref<72xi32, #tpu.memory_space<vmem>>)
      tpu.yield
    }) : () -> ()
    %dma_start3A = arith.constant 0 : i32
    %dma_start3A_3 = tpu.memref_slice %arg5[%dma_start3A] : memref<72xi32, #tpu.memory_space<vmem>> -> memref<24xi32, #tpu.memory_space<vmem>>
    %dma_start3A_4 = arith.constant 0 : i32
    %dma_start3A_5 = arith.constant 0 : i32
    %dma_start3A_6 = tpu.memref_slice %arg3[%dma_start3A_4, %dma_start3A_5] : memref<2048x1024xi32, #tpu.memory_space<hbm>> -> memref<2048x1024xi32, #tpu.memory_space<hbm>>
    tpu.enqueue_indirect_dma source(%dma_start3A_6 : memref<2048x1024xi32, #tpu.memory_space<hbm>>) target(%arg6 : memref<24x1024xi32, #tpu.memory_space<vmem>>) offsets(%dma_start3A_3 : memref<24xi32, #tpu.memory_space<vmem>>) semaphore(%arg8 : memref<!tpu.dma_semaphore, #tpu.memory_space<semaphore_mem>>)
    %dma_wait3A = arith.constant 0 : i32
    %dma_wait3A_7 = tpu.memref_slice %arg5[%dma_wait3A] : memref<72xi32, #tpu.memory_space<vmem>> -> memref<24xi32, #tpu.memory_space<vmem>>
    %dma_wait3A_8 = arith.constant 0 : i32
    %dma_wait3A_9 = arith.constant 0 : i32
    %dma_wait3A_10 = tpu.memref_slice %arg3[%dma_wait3A_8, %dma_wait3A_9] : memref<2048x1024xi32, #tpu.memory_space<hbm>> -> memref<2048x1024xi32, #tpu.memory_space<hbm>>
    tpu.wait_indirect_dma semaphore(%arg8 : memref<!tpu.dma_semaphore, #tpu.memory_space<semaphore_mem>>) src(%dma_wait3A_10 : memref<2048x1024xi32, #tpu.memory_space<hbm>>) dst(%arg6 : memref<24x1024xi32, #tpu.memory_space<vmem>>)
    %dma_start3A_11 = arith.constant 24 : i32
    %dma_start3A_12 = tpu.memref_slice %arg5[%dma_start3A_11] : memref<72xi32, #tpu.memory_space<vmem>> -> memref<24xi32, #tpu.memory_space<vmem>>
    %dma_start3A_13 = arith.constant 0 : i32
    %dma_start3A_14 = arith.constant 0 : i32
    %dma_start3A_15 = tpu.memref_slice %arg3[%dma_start3A_13, %dma_start3A_14] : memref<2048x1024xi32, #tpu.memory_space<hbm>> -> memref<2048x1024xi32, #tpu.memory_space<hbm>>
    tpu.enqueue_indirect_dma source(%dma_start3A_15 : memref<2048x1024xi32, #tpu.memory_space<hbm>>) target(%arg7 : memref<24x1024xi32, #tpu.memory_space<vmem>>) offsets(%dma_start3A_12 : memref<24xi32, #tpu.memory_space<vmem>>) semaphore(%arg9 : memref<!tpu.dma_semaphore, #tpu.memory_space<semaphore_mem>>)
    %add3A_16 = arith.constant 0 : i32
    %add3A_17 = arith.addi %mul3A_2, %add3A_16 : i32
    "tpu.region"() ({
      %run_scoped3A = tpu.sem_alloc : memref<!tpu.dma_semaphore, #tpu.memory_space<semaphore_mem>>
      %dma_start3A_37 = arith.constant 0 : i32
      %dma_start3A_38 = tpu.memref_slice %arg4[%add3A_17, %dma_start3A_37] : memref<2304x1024xi32, #tpu.memory_space<hbm>> -> memref<24x1024xi32, #tpu.memory_space<hbm>>
      %dma_start3A_39 = arith.constant 0 : i32
      %dma_start3A_40 = tpu.memref_slice %arg4[%add3A_17, %dma_start3A_39] : memref<2304x1024xi32, #tpu.memory_space<hbm>> -> memref<24x1024xi32, #tpu.memory_space<hbm>>
      tpu.enqueue_dma source(%arg6 : memref<24x1024xi32, #tpu.memory_space<vmem>>) target(%dma_start3A_40 : memref<24x1024xi32, #tpu.memory_space<hbm>>) target_semaphore(%run_scoped3A : memref<!tpu.dma_semaphore, #tpu.memory_space<semaphore_mem>>)
      %dma_wait3A_41 = arith.constant 0 : i32
      %dma_wait3A_42 = tpu.memref_slice %arg4[%add3A_17, %dma_wait3A_41] : memref<2304x1024xi32, #tpu.memory_space<hbm>> -> memref<24x1024xi32, #tpu.memory_space<hbm>>
      %dma_wait3A_43 = arith.constant 0 : i32
      %dma_wait3A_44 = tpu.memref_slice %arg4[%add3A_17, %dma_wait3A_43] : memref<2304x1024xi32, #tpu.memory_space<hbm>> -> memref<24x1024xi32, #tpu.memory_space<hbm>>
      tpu.wait_dma2 semaphore(%run_scoped3A : memref<!tpu.dma_semaphore, #tpu.memory_space<semaphore_mem>>) src(%arg6 : memref<24x1024xi32, #tpu.memory_space<vmem>>) dst(%dma_wait3A_44 : memref<24x1024xi32, #tpu.memory_space<hbm>>)
      tpu.yield
    }) : () -> ()
    %dma_wait3A_18 = arith.constant 24 : i32
    %dma_wait3A_19 = tpu.memref_slice %arg5[%dma_wait3A_18] : memref<72xi32, #tpu.memory_space<vmem>> -> memref<24xi32, #tpu.memory_space<vmem>>
    %dma_wait3A_20 = arith.constant 0 : i32
    %dma_wait3A_21 = arith.constant 0 : i32
    %dma_wait3A_22 = tpu.memref_slice %arg3[%dma_wait3A_20, %dma_wait3A_21] : memref<2048x1024xi32, #tpu.memory_space<hbm>> -> memref<2048x1024xi32, #tpu.memory_space<hbm>>
    tpu.wait_indirect_dma semaphore(%arg9 : memref<!tpu.dma_semaphore, #tpu.memory_space<semaphore_mem>>) src(%dma_wait3A_22 : memref<2048x1024xi32, #tpu.memory_space<hbm>>) dst(%arg7 : memref<24x1024xi32, #tpu.memory_space<vmem>>)
    %dma_start3A_23 = arith.constant 48 : i32
    %dma_start3A_24 = tpu.memref_slice %arg5[%dma_start3A_23] : memref<72xi32, #tpu.memory_space<vmem>> -> memref<24xi32, #tpu.memory_space<vmem>>
    %dma_start3A_25 = arith.constant 0 : i32
    %dma_start3A_26 = arith.constant 0 : i32
    %dma_start3A_27 = tpu.memref_slice %arg3[%dma_start3A_25, %dma_start3A_26] : memref<2048x1024xi32, #tpu.memory_space<hbm>> -> memref<2048x1024xi32, #tpu.memory_space<hbm>>
    tpu.enqueue_indirect_dma source(%dma_start3A_27 : memref<2048x1024xi32, #tpu.memory_space<hbm>>) target(%arg6 : memref<24x1024xi32, #tpu.memory_space<vmem>>) offsets(%dma_start3A_24 : memref<24xi32, #tpu.memory_space<vmem>>) semaphore(%arg8 : memref<!tpu.dma_semaphore, #tpu.memory_space<semaphore_mem>>)
    %add3A_28 = arith.constant 24 : i32
    %add3A_29 = arith.addi %mul3A_2, %add3A_28 : i32
    "tpu.region"() ({
      %run_scoped3A = tpu.sem_alloc : memref<!tpu.dma_semaphore, #tpu.memory_space<semaphore_mem>>
      %dma_start3A_37 = arith.constant 0 : i32
      %dma_start3A_38 = tpu.memref_slice %arg4[%add3A_29, %dma_start3A_37] : memref<2304x1024xi32, #tpu.memory_space<hbm>> -> memref<24x1024xi32, #tpu.memory_space<hbm>>
      %dma_start3A_39 = arith.constant 0 : i32
      %dma_start3A_40 = tpu.memref_slice %arg4[%add3A_29, %dma_start3A_39] : memref<2304x1024xi32, #tpu.memory_space<hbm>> -> memref<24x1024xi32, #tpu.memory_space<hbm>>
      tpu.enqueue_dma source(%arg7 : memref<24x1024xi32, #tpu.memory_space<vmem>>) target(%dma_start3A_40 : memref<24x1024xi32, #tpu.memory_space<hbm>>) target_semaphore(%run_scoped3A : memref<!tpu.dma_semaphore, #tpu.memory_space<semaphore_mem>>)
      %dma_wait3A_41 = arith.constant 0 : i32
      %dma_wait3A_42 = tpu.memref_slice %arg4[%add3A_29, %dma_wait3A_41] : memref<2304x1024xi32, #tpu.memory_space<hbm>> -> memref<24x1024xi32, #tpu.memory_space<hbm>>
      %dma_wait3A_43 = arith.constant 0 : i32
      %dma_wait3A_44 = tpu.memref_slice %arg4[%add3A_29, %dma_wait3A_43] : memref<2304x1024xi32, #tpu.memory_space<hbm>> -> memref<24x1024xi32, #tpu.memory_space<hbm>>
      tpu.wait_dma2 semaphore(%run_scoped3A : memref<!tpu.dma_semaphore, #tpu.memory_space<semaphore_mem>>) src(%arg7 : memref<24x1024xi32, #tpu.memory_space<vmem>>) dst(%dma_wait3A_44 : memref<24x1024xi32, #tpu.memory_space<hbm>>)
      tpu.yield
    }) : () -> ()
    %dma_wait3A_30 = arith.constant 48 : i32
    %dma_wait3A_31 = tpu.memref_slice %arg5[%dma_wait3A_30] : memref<72xi32, #tpu.memory_space<vmem>> -> memref<24xi32, #tpu.memory_space<vmem>>
    %dma_wait3A_32 = arith.constant 0 : i32
    %dma_wait3A_33 = arith.constant 0 : i32
    %dma_wait3A_34 = tpu.memref_slice %arg3[%dma_wait3A_32, %dma_wait3A_33] : memref<2048x1024xi32, #tpu.memory_space<hbm>> -> memref<2048x1024xi32, #tpu.memory_space<hbm>>
    tpu.wait_indirect_dma semaphore(%arg8 : memref<!tpu.dma_semaphore, #tpu.memory_space<semaphore_mem>>) src(%dma_wait3A_34 : memref<2048x1024xi32, #tpu.memory_space<hbm>>) dst(%arg6 : memref<24x1024xi32, #tpu.memory_space<vmem>>)
    %add3A_35 = arith.constant 48 : i32
    %add3A_36 = arith.addi %mul3A_2, %add3A_35 : i32
    "tpu.region"() ({
      %run_scoped3A = tpu.sem_alloc : memref<!tpu.dma_semaphore, #tpu.memory_space<semaphore_mem>>
      %dma_start3A_37 = arith.constant 0 : i32
      %dma_start3A_38 = tpu.memref_slice %arg4[%add3A_36, %dma_start3A_37] : memref<2304x1024xi32, #tpu.memory_space<hbm>> -> memref<24x1024xi32, #tpu.memory_space<hbm>>
      %dma_start3A_39 = arith.constant 0 : i32
      %dma_start3A_40 = tpu.memref_slice %arg4[%add3A_36, %dma_start3A_39] : memref<2304x1024xi32, #tpu.memory_space<hbm>> -> memref<24x1024xi32, #tpu.memory_space<hbm>>
      tpu.enqueue_dma source(%arg6 : memref<24x1024xi32, #tpu.memory_space<vmem>>) target(%dma_start3A_40 : memref<24x1024xi32, #tpu.memory_space<hbm>>) target_semaphore(%run_scoped3A : memref<!tpu.dma_semaphore, #tpu.memory_space<semaphore_mem>>)
      %dma_wait3A_41 = arith.constant 0 : i32
      %dma_wait3A_42 = tpu.memref_slice %arg4[%add3A_36, %dma_wait3A_41] : memref<2304x1024xi32, #tpu.memory_space<hbm>> -> memref<24x1024xi32, #tpu.memory_space<hbm>>
      %dma_wait3A_43 = arith.constant 0 : i32
      %dma_wait3A_44 = tpu.memref_slice %arg4[%add3A_36, %dma_wait3A_43] : memref<2304x1024xi32, #tpu.memory_space<hbm>> -> memref<24x1024xi32, #tpu.memory_space<hbm>>
      tpu.wait_dma2 semaphore(%run_scoped3A : memref<!tpu.dma_semaphore, #tpu.memory_space<semaphore_mem>>) src(%arg6 : memref<24x1024xi32, #tpu.memory_space<vmem>>) dst(%dma_wait3A_44 : memref<24x1024xi32, #tpu.memory_space<hbm>>)
      tpu.yield
    }) : () -> ()
    return
  }
}

module attributes {stable_mosaic.version = 14 : i64} {
  func.func @_qkv_routed_body(%arg0: i32, %arg1: i32, %arg2: memref<32xi32, #tpu.memory_space<smem>>, %arg3: memref<2304x2048xbf16, #tpu.memory_space<vmem>>, %arg4: memref<2048x256xbf16, #tpu.memory_space<vmem>>, %arg5: memref<2048x256xbf16, #tpu.memory_space<vmem>>, %arg6: memref<1x256xf32, #tpu.memory_space<vmem>>, %arg7: memref<2304x1xi32, #tpu.memory_space<vmem>>, %arg8: memref<128x256xbf16, #tpu.memory_space<vmem>>) attributes {dimension_semantics = [#tpu.dimension_semantics<arbitrary>, #tpu.dimension_semantics<arbitrary>], iteration_bounds = array<i64: 16, 18>, scalar_prefetch = 1 : i64, scratch_operands = 0 : i64, tpu.core_type = #tpu.core_type<tc>, window_params = [{pipeline_mode = #tpu.pipeline_mode<synchronous>, transform_indices = @transform_0, window_bounds = array<i64: 2304, 2048>}, {transform_indices = @transform_1, window_bounds = array<i64: 2048, 256>}, {transform_indices = @transform_2, window_bounds = array<i64: 2048, 256>}, {transform_indices = @transform_3, window_bounds = array<i64: 1, 256>}, {pipeline_mode = #tpu.pipeline_mode<synchronous>, transform_indices = @transform_4, window_bounds = array<i64: 2304, 1>}, {transform_indices = @transform_5, window_bounds = array<i64: 128, 256>}]} {
    %get3A = arith.index_cast %arg1 : i32 to index
    %get3A_0 = memref.load %arg2[%get3A] : memref<32xi32, #tpu.memory_space<smem>>
    %mul3A = arith.constant 128 : i32
    %mul3A_1 = arith.muli %arg1, %mul3A : i32
    %get3A_2 = arith.index_cast %mul3A_1 : i32 to index
    %get3A_3 = arith.constant 0 : index
    %get3A_4 = vector.load %arg3[%get3A_2, %get3A_3] : memref<2304x2048xbf16, #tpu.memory_space<vmem>>, vector<128x2048xbf16>
    %eq3A = arith.constant 1 : i32
    %eq3A_5 = arith.cmpi eq, %get3A_0, %eq3A : i32
    %convert_element_type3A = arith.extui %eq3A_5 : i1 to i32
    %cond3A = arith.constant 0 : i32
    %cond3A_6 = arith.cmpi ne, %convert_element_type3A, %cond3A : i32
    %cond3A_7 = scf.if %cond3A_6 -> (vector<128x256xf32>) {
      %get3A_42 = arith.constant 0 : index
      %get3A_43 = arith.constant 0 : index
      %get3A_44 = vector.load %arg4[%get3A_42, %get3A_43] : memref<2048x256xbf16, #tpu.memory_space<vmem>>, vector<2048x256xbf16>
      %dot_general3A = arith.constant dense<0.000000e+00> : vector<128x256xf32>
      %dot_general3A_45 = tpu.matmul %get3A_4, %get3A_44, %dot_general3A {dimension_numbers = #tpu.dot_dimension_numbers<[1], [0], [0], [1], [0, 0, 1, 1], [], []>, transpose_lhs_hint = false} : vector<128x2048xbf16>, vector<2048x256xbf16>, vector<128x256xf32> -> vector<128x256xf32>
      scf.yield %dot_general3A_45 : vector<128x256xf32>
    } else {
      %get3A_42 = arith.constant 0 : index
      %get3A_43 = arith.constant 0 : index
      %get3A_44 = vector.load %arg5[%get3A_42, %get3A_43] : memref<2048x256xbf16, #tpu.memory_space<vmem>>, vector<2048x256xbf16>
      %dot_general3A = arith.constant dense<0.000000e+00> : vector<128x256xf32>
      %dot_general3A_45 = tpu.matmul %get3A_4, %get3A_44, %dot_general3A {dimension_numbers = #tpu.dot_dimension_numbers<[1], [0], [0], [1], [0, 0, 1, 1], [], []>, transpose_lhs_hint = false} : vector<128x2048xbf16>, vector<2048x256xbf16>, vector<128x256xf32> -> vector<128x256xf32>
      scf.yield %dot_general3A_45 : vector<128x256xf32>
    }
    %convert_element_type3A_8 = arith.sitofp %get3A_0 : i32 to f32
    %get3A_9 = arith.constant 0 : index
    %get3A_10 = arith.constant 0 : index
    %get3A_11 = vector.load %arg6[%get3A_9, %get3A_10] : memref<1x256xf32, #tpu.memory_space<vmem>>, vector<1x256xf32>
    %mul3A_12 = vector.broadcast %convert_element_type3A_8 : f32 to vector<1x256xf32>
    %mul3A_13 = arith.mulf %mul3A_12, %get3A_11 : vector<1x256xf32>
    %add3A = vector.broadcast %mul3A_13 : vector<1x256xf32> to vector<128x256xf32>
    %add3A_14 = arith.addf %cond3A_7, %add3A : vector<128x256xf32>
    %mul3A_15 = arith.constant 128 : i32
    %mul3A_16 = arith.muli %arg1, %mul3A_15 : i32
    %get3A_17 = arith.index_cast %mul3A_16 : i32 to index
    %get3A_18 = arith.constant 0 : index
    %get3A_19 = vector.load %arg7[%get3A_17, %get3A_18] : memref<2304x1xi32, #tpu.memory_space<vmem>>, vector<128x1xi32>
    %convert_element_type3A_20 = arith.sitofp %get3A_19 : vector<128x1xi32> to vector<128x1xf32>
    %iota3A = tpu.iota {dimensions = array<i32: 1>} : vector<1x64xi32>
    %convert_element_type3A_21 = arith.sitofp %iota3A : vector<1x64xi32> to vector<1x64xf32>
    %mul3A_22 = arith.constant -0.205036923 : f32
    %mul3A_23 = vector.broadcast %mul3A_22 : f32 to vector<1x64xf32>
    %mul3A_24 = arith.mulf %mul3A_23, %convert_element_type3A_21 : vector<1x64xf32>
    %exp3A = math.exp %mul3A_24 : vector<1x64xf32>
    %mul3A_25 = vector.broadcast %convert_element_type3A_20 : vector<128x1xf32> to vector<128x64xf32>
    %mul3A_26 = vector.broadcast %exp3A : vector<1x64xf32> to vector<128x64xf32>
    %mul3A_27 = arith.mulf %mul3A_25, %mul3A_26 : vector<128x64xf32>
    %cos3A = math.cos %mul3A_27 : vector<128x64xf32>
    %sin3A = math.sin %mul3A_27 : vector<128x64xf32>
    %concatenate3A = tpu.concatenate %cos3A, %cos3A, %cos3A, %cos3A in 1 : vector<128x64xf32>, vector<128x64xf32>, vector<128x64xf32>, vector<128x64xf32> -> vector<128x256xf32>
    %neg3A = arith.constant 0.000000e+00 : f32
    %neg3A_28 = vector.broadcast %neg3A : f32 to vector<128x64xf32>
    %neg3A_29 = arith.subf %neg3A_28, %sin3A : vector<128x64xf32>
    %concatenate3A_30 = tpu.concatenate %neg3A_29, %sin3A, %neg3A_29, %sin3A in 1 : vector<128x64xf32>, vector<128x64xf32>, vector<128x64xf32>, vector<128x64xf32> -> vector<128x256xf32>
    %slice3A = vector.extract_strided_slice %add3A_14 {offsets = [0, 64], sizes = [128, 64], strides = [1, 1]} : vector<128x256xf32> to vector<128x64xf32>
    %slice3A_31 = vector.extract_strided_slice %add3A_14 {offsets = [0, 0], sizes = [128, 64], strides = [1, 1]} : vector<128x256xf32> to vector<128x64xf32>
    %slice3A_32 = vector.extract_strided_slice %add3A_14 {offsets = [0, 192], sizes = [128, 64], strides = [1, 1]} : vector<128x256xf32> to vector<128x64xf32>
    %slice3A_33 = vector.extract_strided_slice %add3A_14 {offsets = [0, 128], sizes = [128, 64], strides = [1, 1]} : vector<128x256xf32> to vector<128x64xf32>
    %concatenate3A_34 = tpu.concatenate %slice3A, %slice3A_31, %slice3A_32, %slice3A_33 in 1 : vector<128x64xf32>, vector<128x64xf32>, vector<128x64xf32>, vector<128x64xf32> -> vector<128x256xf32>
    %mul3A_35 = arith.mulf %add3A_14, %concatenate3A : vector<128x256xf32>
    %mul3A_36 = arith.mulf %concatenate3A_34, %concatenate3A_30 : vector<128x256xf32>
    %add3A_37 = arith.addf %mul3A_35, %mul3A_36 : vector<128x256xf32>
    %lt3A = arith.constant 12 : i32
    %lt3A_38 = arith.cmpi slt, %arg0, %lt3A : i32
    %select_n3A = arith.select %lt3A_38, %add3A_37, %add3A_14 : vector<128x256xf32>
    %convert_element_type3A_39 = arith.truncf %select_n3A : vector<128x256xf32> to vector<128x256xbf16>
    %swap3A = arith.constant 0 : index
    %swap3A_40 = arith.constant 0 : index
    %swap3A_41 = vector.load %arg8[%swap3A, %swap3A_40] : memref<128x256xbf16, #tpu.memory_space<vmem>>, vector<128x256xbf16>
    tpu.vector_store %arg8[%swap3A, %swap3A_40], %convert_element_type3A_39 {strides = array<i32>} : memref<128x256xbf16, #tpu.memory_space<vmem>>, vector<128x256xbf16>,
    return
  }
  func.func @transform_0(%arg0: i32, %arg1: i32, %arg2: memref<32xi32, #tpu.memory_space<smem>>) -> (i32, i32) {
    %c0_i32 = arith.constant 0 : i32
    %c0_i32_0 = arith.constant 0 : i32
    %c0_i32_1 = arith.constant 0 : i32
    return %c0_i32, %c0_i32_0 : i32, i32
  }
  func.func @transform_1(%arg0: i32, %arg1: i32, %arg2: memref<32xi32, #tpu.memory_space<smem>>) -> (i32, i32) {
    %c0_i32 = arith.constant 0 : i32
    %c0_i32_0 = arith.constant 0 : i32
    return %c0_i32, %arg0 : i32, i32
  }
  func.func @transform_2(%arg0: i32, %arg1: i32, %arg2: memref<32xi32, #tpu.memory_space<smem>>) -> (i32, i32) {
    %c0_i32 = arith.constant 0 : i32
    %c0_i32_0 = arith.constant 0 : i32
    return %c0_i32, %arg0 : i32, i32
  }
  func.func @transform_3(%arg0: i32, %arg1: i32, %arg2: memref<32xi32, #tpu.memory_space<smem>>) -> (i32, i32) {
    %c0_i32 = arith.constant 0 : i32
    %c0_i32_0 = arith.constant 0 : i32
    return %c0_i32, %arg0 : i32, i32
  }
  func.func @transform_4(%arg0: i32, %arg1: i32, %arg2: memref<32xi32, #tpu.memory_space<smem>>) -> (i32, i32) {
    %c0_i32 = arith.constant 0 : i32
    %c0_i32_0 = arith.constant 0 : i32
    %c0_i32_1 = arith.constant 0 : i32
    return %c0_i32, %c0_i32_0 : i32, i32
  }
  func.func @transform_5(%arg0: i32, %arg1: i32, %arg2: memref<32xi32, #tpu.memory_space<smem>>) -> (i32, i32) {
    %c0_i32 = arith.constant 0 : i32
    return %arg1, %arg0 : i32, i32
  }
}

module attributes {stable_mosaic.version = 14 : i64} {
  func.func @_attn_body(%arg0: i32, %arg1: i32, %arg2: memref<256x128xbf16, #tpu.memory_space<vmem>>, %arg3: memref<2048x128xbf16, #tpu.memory_space<vmem>>, %arg4: memref<2048x128xbf16, #tpu.memory_space<vmem>>, %arg5: memref<256x128xbf16, #tpu.memory_space<vmem>>) attributes {dimension_semantics = [#tpu.dimension_semantics<arbitrary>, #tpu.dimension_semantics<arbitrary>], iteration_bounds = array<i64: 16, 8>, scalar_prefetch = 0 : i64, scratch_operands = 0 : i64, tpu.core_type = #tpu.core_type<tc>, window_params = [{transform_indices = @transform_0, window_bounds = array<i64: 256, 128>}, {transform_indices = @transform_1, window_bounds = array<i64: 2048, 128>}, {transform_indices = @transform_2, window_bounds = array<i64: 2048, 128>}, {transform_indices = @transform_3, window_bounds = array<i64: 256, 128>}]} {
    %get3A = arith.constant 0 : index
    %get3A_0 = arith.constant 0 : index
    %get3A_1 = vector.load %arg2[%get3A, %get3A_0] : memref<256x128xbf16, #tpu.memory_space<vmem>>, vector<256x128xbf16>
    %convert_element_type3A = arith.extf %get3A_1 : vector<256x128xbf16> to vector<256x128xf32>
    %mul3A = arith.constant 0.0883883461 : f32
    %mul3A_2 = vector.broadcast %mul3A : f32 to vector<256x128xf32>
    %mul3A_3 = arith.mulf %convert_element_type3A, %mul3A_2 : vector<256x128xf32>
    %convert_element_type3A_4 = arith.truncf %mul3A_3 : vector<256x128xf32> to vector<256x128xbf16>
    %broadcast_in_dim3A = arith.constant 0.000000e+00 : f32
    %broadcast_in_dim3A_5 = vector.broadcast %broadcast_in_dim3A : f32 to vector<256x128xf32>
    %broadcast_in_dim3A_6 = arith.constant -1.000000e+30 : f32
    %broadcast_in_dim3A_7 = vector.broadcast %broadcast_in_dim3A_6 : f32 to vector<256x1xf32>
    %broadcast_in_dim3A_8 = arith.constant 0.000000e+00 : f32
    %broadcast_in_dim3A_9 = vector.broadcast %broadcast_in_dim3A_8 : f32 to vector<256x1xf32>
    %while3A = arith.constant 0 : i32
    %while3A_10 = arith.subi %arg1, %while3A : i32
    %while3A_11 = arith.addi %while3A, %while3A_10 : i32
    %while3A_12 = arith.constant 1 : i32
    %while3A_13 = arith.divsi %while3A_10, %while3A_12 : i32
    %while3A_14 = arith.muli %while3A_13, %while3A_12 : i32
    %while3A_15 = arith.addi %while3A, %while3A_14 : i32
    %while3A_16 = arith.constant 1 : i32
    %while3A_17:3 = scf.for %while3A_51 = %while3A to %while3A_15 step %while3A_16 iter_args(%while3A_52 = %broadcast_in_dim3A_5, %while3A_53 = %broadcast_in_dim3A_7, %while3A_54 = %broadcast_in_dim3A_9) -> (vector<256x128xf32>, vector<256x1xf32>, vector<256x1xf32>)  : i32 {
      %mul3A_55 = arith.constant 256 : i32
      %mul3A_56 = arith.muli %while3A_51, %mul3A_55 : i32
      %get3A_57 = arith.index_cast %mul3A_56 : i32 to index
      %get3A_58 = arith.constant 0 : index
      %get3A_59 = vector.load %arg3[%get3A_57, %get3A_58] : memref<2048x128xbf16, #tpu.memory_space<vmem>>, vector<256x128xbf16>
      %mul3A_60 = arith.constant 256 : i32
      %mul3A_61 = arith.muli %while3A_51, %mul3A_60 : i32
      %get3A_62 = arith.index_cast %mul3A_61 : i32 to index
      %get3A_63 = arith.constant 0 : index
      %get3A_64 = vector.load %arg4[%get3A_62, %get3A_63] : memref<2048x128xbf16, #tpu.memory_space<vmem>>, vector<256x128xbf16>
      %dot_general3A_65 = arith.constant dense<0.000000e+00> : vector<256x256xf32>
      %dot_general3A_66 = tpu.matmul %convert_element_type3A_4, %get3A_59, %dot_general3A_65 {dimension_numbers = #tpu.dot_dimension_numbers<[1], [1], [0], [0], [0, 0, 1, 0], [], []>, transpose_lhs_hint = false} : vector<256x128xbf16>, vector<256x128xbf16>, vector<256x256xf32> -> vector<256x256xf32>
      %reduce_max3A_67 = arith.constant dense<0xFF800000> : vector<256xf32>
      %reduce_max3A_68 = vector.multi_reduction <maximumf>, %dot_general3A_66, %reduce_max3A_67 [1] : vector<256x256xf32> to vector<256xf32>
      %broadcast_in_dim3A_69 = vector.shape_cast %reduce_max3A_68 : vector<256xf32> to vector<256x1xf32>
      %max3A_70 = arith.maximumf %while3A_53, %broadcast_in_dim3A_69 : vector<256x1xf32>
      %sub3A_71 = vector.broadcast %max3A_70 : vector<256x1xf32> to vector<256x256xf32>
      %sub3A_72 = arith.subf %dot_general3A_66, %sub3A_71 : vector<256x256xf32>
      %exp3A_73 = math.exp %sub3A_72 : vector<256x256xf32>
      %sub3A_74 = arith.subf %while3A_53, %max3A_70 : vector<256x1xf32>
      %exp3A_75 = math.exp %sub3A_74 : vector<256x1xf32>
      %mul3A_76 = arith.mulf %while3A_54, %exp3A_75 : vector<256x1xf32>
      %reduce_sum3A_77 = arith.constant dense<0.000000e+00> : vector<256xf32>
      %reduce_sum3A_78 = vector.multi_reduction <add>, %exp3A_73, %reduce_sum3A_77 [1] : vector<256x256xf32> to vector<256xf32>
      %broadcast_in_dim3A_79 = vector.shape_cast %reduce_sum3A_78 : vector<256xf32> to vector<256x1xf32>
      %add3A_80 = arith.addf %mul3A_76, %broadcast_in_dim3A_79 : vector<256x1xf32>
      %mul3A_81 = vector.broadcast %exp3A_75 : vector<256x1xf32> to vector<256x128xf32>
      %mul3A_82 = arith.mulf %while3A_52, %mul3A_81 : vector<256x128xf32>
      %convert_element_type3A_83 = arith.truncf %exp3A_73 : vector<256x256xf32> to vector<256x256xbf16>
      %dot_general3A_84 = arith.constant dense<0.000000e+00> : vector<256x128xf32>
      %dot_general3A_85 = tpu.matmul %convert_element_type3A_83, %get3A_64, %dot_general3A_84 {dimension_numbers = #tpu.dot_dimension_numbers<[1], [0], [0], [1], [0, 0, 1, 1], [], []>, transpose_lhs_hint = false} : vector<256x256xbf16>, vector<256x128xbf16>, vector<256x128xf32> -> vector<256x128xf32>
      %add3A_86 = arith.addf %mul3A_82, %dot_general3A_85 : vector<256x128xf32>
      scf.yield %add3A_86, %max3A_70, %add3A_80 : vector<256x128xf32>, vector<256x1xf32>, vector<256x1xf32>
    }
    %while3A_18 = arith.constant 1 : i32
    %while3A_19:3 = scf.for %while3A_51 = %while3A_15 to %while3A_11 step %while3A_18 iter_args(%while3A_52 = %while3A_17#0, %while3A_53 = %while3A_17#1, %while3A_54 = %while3A_17#2) -> (vector<256x128xf32>, vector<256x1xf32>, vector<256x1xf32>)  : i32 {
      %mul3A_55 = arith.constant 256 : i32
      %mul3A_56 = arith.muli %while3A_51, %mul3A_55 : i32
      %get3A_57 = arith.index_cast %mul3A_56 : i32 to index
      %get3A_58 = arith.constant 0 : index
      %get3A_59 = vector.load %arg3[%get3A_57, %get3A_58] : memref<2048x128xbf16, #tpu.memory_space<vmem>>, vector<256x128xbf16>
      %mul3A_60 = arith.constant 256 : i32
      %mul3A_61 = arith.muli %while3A_51, %mul3A_60 : i32
      %get3A_62 = arith.index_cast %mul3A_61 : i32 to index
      %get3A_63 = arith.constant 0 : index
      %get3A_64 = vector.load %arg4[%get3A_62, %get3A_63] : memref<2048x128xbf16, #tpu.memory_space<vmem>>, vector<256x128xbf16>
      %dot_general3A_65 = arith.constant dense<0.000000e+00> : vector<256x256xf32>
      %dot_general3A_66 = tpu.matmul %convert_element_type3A_4, %get3A_59, %dot_general3A_65 {dimension_numbers = #tpu.dot_dimension_numbers<[1], [1], [0], [0], [0, 0, 1, 0], [], []>, transpose_lhs_hint = false} : vector<256x128xbf16>, vector<256x128xbf16>, vector<256x256xf32> -> vector<256x256xf32>
      %reduce_max3A_67 = arith.constant dense<0xFF800000> : vector<256xf32>
      %reduce_max3A_68 = vector.multi_reduction <maximumf>, %dot_general3A_66, %reduce_max3A_67 [1] : vector<256x256xf32> to vector<256xf32>
      %broadcast_in_dim3A_69 = vector.shape_cast %reduce_max3A_68 : vector<256xf32> to vector<256x1xf32>
      %max3A_70 = arith.maximumf %while3A_53, %broadcast_in_dim3A_69 : vector<256x1xf32>
      %sub3A_71 = vector.broadcast %max3A_70 : vector<256x1xf32> to vector<256x256xf32>
      %sub3A_72 = arith.subf %dot_general3A_66, %sub3A_71 : vector<256x256xf32>
      %exp3A_73 = math.exp %sub3A_72 : vector<256x256xf32>
      %sub3A_74 = arith.subf %while3A_53, %max3A_70 : vector<256x1xf32>
      %exp3A_75 = math.exp %sub3A_74 : vector<256x1xf32>
      %mul3A_76 = arith.mulf %while3A_54, %exp3A_75 : vector<256x1xf32>
      %reduce_sum3A_77 = arith.constant dense<0.000000e+00> : vector<256xf32>
      %reduce_sum3A_78 = vector.multi_reduction <add>, %exp3A_73, %reduce_sum3A_77 [1] : vector<256x256xf32> to vector<256xf32>
      %broadcast_in_dim3A_79 = vector.shape_cast %reduce_sum3A_78 : vector<256xf32> to vector<256x1xf32>
      %add3A_80 = arith.addf %mul3A_76, %broadcast_in_dim3A_79 : vector<256x1xf32>
      %mul3A_81 = vector.broadcast %exp3A_75 : vector<256x1xf32> to vector<256x128xf32>
      %mul3A_82 = arith.mulf %while3A_52, %mul3A_81 : vector<256x128xf32>
      %convert_element_type3A_83 = arith.truncf %exp3A_73 : vector<256x256xf32> to vector<256x256xbf16>
      %dot_general3A_84 = arith.constant dense<0.000000e+00> : vector<256x128xf32>
      %dot_general3A_85 = tpu.matmul %convert_element_type3A_83, %get3A_64, %dot_general3A_84 {dimension_numbers = #tpu.dot_dimension_numbers<[1], [0], [0], [1], [0, 0, 1, 1], [], []>, transpose_lhs_hint = false} : vector<256x256xbf16>, vector<256x128xbf16>, vector<256x128xf32> -> vector<256x128xf32>
      %add3A_86 = arith.addf %mul3A_82, %dot_general3A_85 : vector<256x128xf32>
      scf.yield %add3A_86, %max3A_70, %add3A_80 : vector<256x128xf32>, vector<256x1xf32>, vector<256x1xf32>
    }
    %mul3A_20 = arith.constant 256 : i32
    %mul3A_21 = arith.muli %arg1, %mul3A_20 : i32
    %get3A_22 = arith.index_cast %mul3A_21 : i32 to index
    %get3A_23 = arith.constant 0 : index
    %get3A_24 = vector.load %arg3[%get3A_22, %get3A_23] : memref<2048x128xbf16, #tpu.memory_space<vmem>>, vector<256x128xbf16>
    %mul3A_25 = arith.constant 256 : i32
    %mul3A_26 = arith.muli %arg1, %mul3A_25 : i32
    %get3A_27 = arith.index_cast %mul3A_26 : i32 to index
    %get3A_28 = arith.constant 0 : index
    %get3A_29 = vector.load %arg4[%get3A_27, %get3A_28] : memref<2048x128xbf16, #tpu.memory_space<vmem>>, vector<256x128xbf16>
    %dot_general3A = arith.constant dense<0.000000e+00> : vector<256x256xf32>
    %dot_general3A_30 = tpu.matmul %convert_element_type3A_4, %get3A_24, %dot_general3A {dimension_numbers = #tpu.dot_dimension_numbers<[1], [1], [0], [0], [0, 0, 1, 0], [], []>, transpose_lhs_hint = false} : vector<256x128xbf16>, vector<256x128xbf16>, vector<256x256xf32> -> vector<256x256xf32>
    %iota3A = tpu.iota {dimensions = array<i32: 0>} : vector<256x256xi32>
    %iota3A_31 = tpu.iota {dimensions = array<i32: 1>} : vector<256x256xi32>
    %le3A = arith.cmpi sle, %iota3A_31, %iota3A : vector<256x256xi32>
    %jit3A = arith.constant -1.000000e+30 : f32
    %broadcast_in_dim3A_32 = vector.broadcast %jit3A : f32 to vector<256x256xf32>
    %select_n3A = arith.select %le3A, %dot_general3A_30, %broadcast_in_dim3A_32 : vector<256x256xi1>, vector<256x256xf32>
    %reduce_max3A = arith.constant dense<0xFF800000> : vector<256xf32>
    %reduce_max3A_33 = vector.multi_reduction <maximumf>, %select_n3A, %reduce_max3A [1] : vector<256x256xf32> to vector<256xf32>
    %broadcast_in_dim3A_34 = vector.shape_cast %reduce_max3A_33 : vector<256xf32> to vector<256x1xf32>
    %max3A = arith.maximumf %while3A_19#1, %broadcast_in_dim3A_34 : vector<256x1xf32>
    %sub3A = vector.broadcast %max3A : vector<256x1xf32> to vector<256x256xf32>
    %sub3A_35 = arith.subf %select_n3A, %sub3A : vector<256x256xf32>
    %exp3A = math.exp %sub3A_35 : vector<256x256xf32>
    %sub3A_36 = arith.subf %while3A_19#1, %max3A : vector<256x1xf32>
    %exp3A_37 = math.exp %sub3A_36 : vector<256x1xf32>
    %mul3A_38 = arith.mulf %while3A_19#2, %exp3A_37 : vector<256x1xf32>
    %reduce_sum3A = arith.constant dense<0.000000e+00> : vector<256xf32>
    %reduce_sum3A_39 = vector.multi_reduction <add>, %exp3A, %reduce_sum3A [1] : vector<256x256xf32> to vector<256xf32>
    %broadcast_in_dim3A_40 = vector.shape_cast %reduce_sum3A_39 : vector<256xf32> to vector<256x1xf32>
    %add3A = arith.addf %mul3A_38, %broadcast_in_dim3A_40 : vector<256x1xf32>
    %mul3A_41 = vector.broadcast %exp3A_37 : vector<256x1xf32> to vector<256x128xf32>
    %mul3A_42 = arith.mulf %while3A_19#0, %mul3A_41 : vector<256x128xf32>
    %convert_element_type3A_43 = arith.truncf %exp3A : vector<256x256xf32> to vector<256x256xbf16>
    %dot_general3A_44 = arith.constant dense<0.000000e+00> : vector<256x128xf32>
    %dot_general3A_45 = tpu.matmul %convert_element_type3A_43, %get3A_29, %dot_general3A_44 {dimension_numbers = #tpu.dot_dimension_numbers<[1], [0], [0], [1], [0, 0, 1, 1], [], []>, transpose_lhs_hint = false} : vector<256x256xbf16>, vector<256x128xbf16>, vector<256x128xf32> -> vector<256x128xf32>
    %add3A_46 = arith.addf %mul3A_42, %dot_general3A_45 : vector<256x128xf32>
    %div3A = vector.broadcast %add3A : vector<256x1xf32> to vector<256x128xf32>
    %div3A_47 = arith.divf %add3A_46, %div3A : vector<256x128xf32>
    %convert_element_type3A_48 = arith.truncf %div3A_47 : vector<256x128xf32> to vector<256x128xbf16>
    %swap3A = arith.constant 0 : index
    %swap3A_49 = arith.constant 0 : index
    %swap3A_50 = vector.load %arg5[%swap3A, %swap3A_49] : memref<256x128xbf16, #tpu.memory_space<vmem>>, vector<256x128xbf16>
    tpu.vector_store %arg5[%swap3A, %swap3A_49], %convert_element_type3A_48 {strides = array<i32>} : memref<256x128xbf16, #tpu.memory_space<vmem>>, vector<256x128xbf16>,
    return
  }
  func.func @transform_0(%arg0: i32, %arg1: i32) -> (i32, i32) {
    %c0_i32 = arith.constant 0 : i32
    return %arg1, %arg0 : i32, i32
  }
  func.func @transform_1(%arg0: i32, %arg1: i32) -> (i32, i32) {
    %jit3A = arith.constant 2 : i32
    %div3A = arith.divsi %arg0, %jit3A : i32
    %sign3A = arith.constant 0 : i32
    %sign3A_0 = arith.cmpi sgt, %arg0, %sign3A : i32
    %sign3A_1 = arith.extui %sign3A_0 : i1 to i32
    %sign3A_2 = arith.constant 0 : i32
    %sign3A_3 = arith.cmpi slt, %arg0, %sign3A_2 : i32
    %sign3A_4 = arith.extui %sign3A_3 : i1 to i32
    %sign3A_5 = arith.subi %sign3A_1, %sign3A_4 : i32
    %sign3A_6 = arith.constant 0 : i32
    %sign3A_7 = arith.cmpi sgt, %jit3A, %sign3A_6 : i32
    %sign3A_8 = arith.extui %sign3A_7 : i1 to i32
    %sign3A_9 = arith.constant 0 : i32
    %sign3A_10 = arith.cmpi slt, %jit3A, %sign3A_9 : i32
    %sign3A_11 = arith.extui %sign3A_10 : i1 to i32
    %sign3A_12 = arith.subi %sign3A_8, %sign3A_11 : i32
    %ne3A = arith.cmpi ne, %sign3A_5, %sign3A_12 : i32
    %rem3A = arith.remsi %arg0, %jit3A : i32
    %ne3A_13 = arith.constant 0 : i32
    %ne3A_14 = arith.cmpi ne, %rem3A, %ne3A_13 : i32
    %and3A = arith.andi %ne3A, %ne3A_14 : i1
    %sub3A = arith.constant 1 : i32
    %sub3A_15 = arith.subi %div3A, %sub3A : i32
    %select_n3A = arith.select %and3A, %sub3A_15, %div3A : i32
    %add3A = arith.constant 16 : i32
    %add3A_16 = arith.addi %add3A, %select_n3A : i32
    %c0_i32 = arith.constant 0 : i32
    %c0_i32_17 = arith.constant 0 : i32
    return %c0_i32, %add3A_16 : i32, i32
  }
  func.func @transform_2(%arg0: i32, %arg1: i32) -> (i32, i32) {
    %jit3A = arith.constant 2 : i32
    %div3A = arith.divsi %arg0, %jit3A : i32
    %sign3A = arith.constant 0 : i32
    %sign3A_0 = arith.cmpi sgt, %arg0, %sign3A : i32
    %sign3A_1 = arith.extui %sign3A_0 : i1 to i32
    %sign3A_2 = arith.constant 0 : i32
    %sign3A_3 = arith.cmpi slt, %arg0, %sign3A_2 : i32
    %sign3A_4 = arith.extui %sign3A_3 : i1 to i32
    %sign3A_5 = arith.subi %sign3A_1, %sign3A_4 : i32
    %sign3A_6 = arith.constant 0 : i32
    %sign3A_7 = arith.cmpi sgt, %jit3A, %sign3A_6 : i32
    %sign3A_8 = arith.extui %sign3A_7 : i1 to i32
    %sign3A_9 = arith.constant 0 : i32
    %sign3A_10 = arith.cmpi slt, %jit3A, %sign3A_9 : i32
    %sign3A_11 = arith.extui %sign3A_10 : i1 to i32
    %sign3A_12 = arith.subi %sign3A_8, %sign3A_11 : i32
    %ne3A = arith.cmpi ne, %sign3A_5, %sign3A_12 : i32
    %rem3A = arith.remsi %arg0, %jit3A : i32
    %ne3A_13 = arith.constant 0 : i32
    %ne3A_14 = arith.cmpi ne, %rem3A, %ne3A_13 : i32
    %and3A = arith.andi %ne3A, %ne3A_14 : i1
    %sub3A = arith.constant 1 : i32
    %sub3A_15 = arith.subi %div3A, %sub3A : i32
    %select_n3A = arith.select %and3A, %sub3A_15, %div3A : i32
    %add3A = arith.constant 24 : i32
    %add3A_16 = arith.addi %add3A, %select_n3A : i32
    %c0_i32 = arith.constant 0 : i32
    %c0_i32_17 = arith.constant 0 : i32
    return %c0_i32, %add3A_16 : i32, i32
  }
  func.func @transform_3(%arg0: i32, %arg1: i32) -> (i32, i32) {
    %c0_i32 = arith.constant 0 : i32
    return %arg1, %arg0 : i32, i32
  }
}

module attributes {stable_mosaic.version = 14 : i64} {
  func.func @_dense_routed_body(%arg0: i32, %arg1: i32, %arg2: memref<32xi32, #tpu.memory_space<smem>>, %arg3: memref<2304x2048xbf16, #tpu.memory_space<vmem>>, %arg4: memref<2048x256xbf16, #tpu.memory_space<vmem>>, %arg5: memref<2048x256xbf16, #tpu.memory_space<vmem>>, %arg6: memref<128x256xf32, #tpu.memory_space<vmem>>) attributes {dimension_semantics = [#tpu.dimension_semantics<arbitrary>, #tpu.dimension_semantics<arbitrary>], iteration_bounds = array<i64: 8, 18>, scalar_prefetch = 1 : i64, scratch_operands = 0 : i64, tpu.core_type = #tpu.core_type<tc>, window_params = [{pipeline_mode = #tpu.pipeline_mode<synchronous>, transform_indices = @transform_0, window_bounds = array<i64: 2304, 2048>}, {transform_indices = @transform_1, window_bounds = array<i64: 2048, 256>}, {transform_indices = @transform_2, window_bounds = array<i64: 2048, 256>}, {transform_indices = @transform_3, window_bounds = array<i64: 128, 256>}]} {
    %get3A = arith.index_cast %arg1 : i32 to index
    %get3A_0 = memref.load %arg2[%get3A] : memref<32xi32, #tpu.memory_space<smem>>
    %mul3A = arith.constant 128 : i32
    %mul3A_1 = arith.muli %arg1, %mul3A : i32
    %get3A_2 = arith.index_cast %mul3A_1 : i32 to index
    %get3A_3 = arith.constant 0 : index
    %get3A_4 = vector.load %arg3[%get3A_2, %get3A_3] : memref<2304x2048xbf16, #tpu.memory_space<vmem>>, vector<128x2048xbf16>
    %eq3A = arith.constant 1 : i32
    %eq3A_5 = arith.cmpi eq, %get3A_0, %eq3A : i32
    %convert_element_type3A = arith.extui %eq3A_5 : i1 to i32
    %cond3A = arith.constant 0 : i32
    %cond3A_6 = arith.cmpi ne, %convert_element_type3A, %cond3A : i32
    %cond3A_7 = scf.if %cond3A_6 -> (vector<128x256xf32>) {
      %get3A_10 = arith.constant 0 : index
      %get3A_11 = arith.constant 0 : index
      %get3A_12 = vector.load %arg4[%get3A_10, %get3A_11] : memref<2048x256xbf16, #tpu.memory_space<vmem>>, vector<2048x256xbf16>
      %dot_general3A = arith.constant dense<0.000000e+00> : vector<128x256xf32>
      %dot_general3A_13 = tpu.matmul %get3A_4, %get3A_12, %dot_general3A {dimension_numbers = #tpu.dot_dimension_numbers<[1], [0], [0], [1], [0, 0, 1, 1], [], []>, transpose_lhs_hint = false} : vector<128x2048xbf16>, vector<2048x256xbf16>, vector<128x256xf32> -> vector<128x256xf32>
      scf.yield %dot_general3A_13 : vector<128x256xf32>
    } else {
      %get3A_10 = arith.constant 0 : index
      %get3A_11 = arith.constant 0 : index
      %get3A_12 = vector.load %arg5[%get3A_10, %get3A_11] : memref<2048x256xbf16, #tpu.memory_space<vmem>>, vector<2048x256xbf16>
      %dot_general3A = arith.constant dense<0.000000e+00> : vector<128x256xf32>
      %dot_general3A_13 = tpu.matmul %get3A_4, %get3A_12, %dot_general3A {dimension_numbers = #tpu.dot_dimension_numbers<[1], [0], [0], [1], [0, 0, 1, 1], [], []>, transpose_lhs_hint = false} : vector<128x2048xbf16>, vector<2048x256xbf16>, vector<128x256xf32> -> vector<128x256xf32>
      scf.yield %dot_general3A_13 : vector<128x256xf32>
    }
    %swap3A = arith.constant 0 : index
    %swap3A_8 = arith.constant 0 : index
    %swap3A_9 = vector.load %arg6[%swap3A, %swap3A_8] : memref<128x256xf32, #tpu.memory_space<vmem>>, vector<128x256xf32>
    tpu.vector_store %arg6[%swap3A, %swap3A_8], %cond3A_7 {strides = array<i32>} : memref<128x256xf32, #tpu.memory_space<vmem>>, vector<128x256xf32>,
    return
  }
  func.func @transform_0(%arg0: i32, %arg1: i32, %arg2: memref<32xi32, #tpu.memory_space<smem>>) -> (i32, i32) {
    %c0_i32 = arith.constant 0 : i32
    %c0_i32_0 = arith.constant 0 : i32
    %c0_i32_1 = arith.constant 0 : i32
    return %c0_i32, %c0_i32_0 : i32, i32
  }
  func.func @transform_1(%arg0: i32, %arg1: i32, %arg2: memref<32xi32, #tpu.memory_space<smem>>) -> (i32, i32) {
    %c0_i32 = arith.constant 0 : i32
    %c0_i32_0 = arith.constant 0 : i32
    return %c0_i32, %arg0 : i32, i32
  }
  func.func @transform_2(%arg0: i32, %arg1: i32, %arg2: memref<32xi32, #tpu.memory_space<smem>>) -> (i32, i32) {
    %c0_i32 = arith.constant 0 : i32
    %c0_i32_0 = arith.constant 0 : i32
    return %c0_i32, %arg0 : i32, i32
  }
  func.func @transform_3(%arg0: i32, %arg1: i32, %arg2: memref<32xi32, #tpu.memory_space<smem>>) -> (i32, i32) {
    %c0_i32 = arith.constant 0 : i32
    return %arg1, %arg0 : i32, i32
  }
}

</mosaic_0001>

<sc_bundles>
// kernel: kernel.12.cloned.1.call-start
scs
__scs_entry_jumppad:
0x0: {  	(pc) =	sbr.rel $0x88, $3  }
0x1: {  	(tag) =	ssettag $0x0;
	lr =	simm.s32 $0x1  }
0x2: {  	[smem:$0x3F99] =	sst lr;
	_ =	strace $0xD0000000  }
0x3: {  	_ = 	snop  }
0x4: {  	_ = 	snop  }
0x5: {  	_ = 	snop  }
0x6: {  	_ = 	snop  }
0x7: {  	_ = 	snop  }
__scs_overlays_trampoline_lowered:
0x8: {  	[smem:$0x3FA8] =	sst s0  }
0x9: {  	[smem:$0x3FA9] =	sst s1  }
0xa: {  	[smem:$0x3FAA] =	sst s2  }
0xb: {  	[smem:$0x3FAB] =	sst s3  }
0xc: {  	[smem:$0x3FAC] =	sst s4  }
0xd: {  	[smem:$0x3FAD] =	sst s5  }
0xe: {  	[smem:$0x3FAE] =	sst s6  }
0xf: {  	[smem:$0x3FAF] =	sst s7  }
0x10: {  	[smem:$0x3FB0] =	sst s8  }
0x11: {  	[smem:$0x3FB1] =	sst s9;
	s0 =	simm.s32 @!p0 $0x0  }
0x12: {  	s1 =	sld [smem:$0x3F97];
	s0 =	simm.s32 @p0 $0x1  }
0x13: {  	[smem:$0x3FB2] =	sst s0;
	s0 =	simm.s32 @!p1 $0x0  }
0x14: {  	s2 =	sld [smem:$0x3F96];
	s0 =	simm.s32 @p1 $0x1  }
0x15: {  	[smem:$0x3FB3] =	sst s0;
	s0 =	simm.s32 @!p2 $0x0  }
0x16: {  	s3 =	sld [smem:$0x3FDB];
	s0 =	simm.s32 @p2 $0x1  }
0x17: {  	s4 =	simm.s32 $0x1BF5;
	[smem:$0x3FB5] =	sst s0  }
0x18: {  	s0 =	sld [smem:$0x3F98];
	_ =	swait.ge [sflag:s4], $0x0  }
0x19: {  	s7 =	sld [smem:$0x3F99]  }
0x1a: {  	s8 =	sadd.s32 $0xFFFFE003, lr  }
0x1b: {  	s9 =	sadd.s32 $0xFFFFFEF7, lr;
	s5 =	simm.s32 $0xFFFFFFFF;
	p2 =	slt.u32 s8, $0xFFFFF086  }
0x1c: {  	p1 =	slt.u32 s9, $0xF7A;
	s5 =	simm.s32 @!p2 $0x0  }
0x1d: {  	s5 =	simm.s32 @p1 $0x1;
	p0 =	seq.s32 s7, s2  }
0x1e: {  	s7 =	smul.u32 @!p0 $0xF7A, s2;
	p2 =	seq.s32 @!p0 s5, $0x0  }
0x1f: {  	s9 =	smul.u32 $0xF7A, s1;
	s8 =	simm.s32 @!p0 $0x1BF5;
	p2 =	por !p2, p0  }
0x20: {  	[sflag:s8] =	ssyncset.s32 @!p0 $0xFFFFF086;
	s6 =	sadd.s32 @!p0 s3, s7;
	s7 =	simm.s32 @!p0 $0x108  }
0x21: {  	s3 =	sadd.s32 s3, s9;
	s6 =	sadd.s32 @!p0 $0x88, s6;
	s7 =	simm.s32 @p2 $0x1082  }
0x22: {  	[simem:s7], [sflag:s8] =	dma.local @!p0 [hbm:s6], $0xF7A  }
0x23: {  	s9 =	sor.u32 $0xD0000000, s2;
	s6 =	simm.s32 $0x108;
	_ =	swait.ge @!p0 [sflag:s8], $0x0  }
0x24: {  	s3 =	sadd.s32 $0x88, s3;
	s6 =	simm.s32 @!p1 $0x1082;
	[sflag:s4] =	ssyncset.s32 $0xFFFFF086  }
0x25: {  	[simem:s6], [sflag:s4] =	dma.local [hbm:s3], $0xF7A  }
0x26: {  	[smem:$0x3F99] =	sst s1;
	(tag) =	ssettag s2;
	_ =	strace s9  }
0x27: {  	s1 =	sld [smem:$0x3FA9]  }
0x28: {  	s2 =	sld [smem:$0x3FAA]  }
0x29: {  	s4 =	sld [smem:$0x3FAC]  }
0x2a: {  	p0 =	seq.s32 s5, $0x0;
	s5 =	sld [smem:$0x3FAD]  }
0x2b: {  	s6 =	sld [smem:$0x3FAE]  }
0x2c: {  	s7 =	sld [smem:$0x3FAF]  }
0x2d: {  	s3 =	simm.s32 $0x108;
	s8 =	sld [smem:$0x3FB0]  }
0x2e: {  	s3 =	simm.s32 @!p0 $0x1082;
	s9 =	sld [smem:$0x3FB1]  }
0x2f: {  	lr =	sadd.s32 s0, s3;
	s0 =	sld [smem:$0x3FA8]  }
0x30: {  	s3 =	sld [smem:$0x3FAB]  }
0x31: {  	[smem:$0x3FB4] =	sst s10  }
0x32: {  	s10 =	sld [smem:$0x3FB2];
	_ =	sdelay $0x3  }
0x33: {  	p0 =	seq.s32 s10, $0x1;
	s10 =	sld [smem:$0x3FB4];
	_ =	sdelay $0x3  }
0x34: {  	[smem:$0x3FB4] =	sst s10  }
0x35: {  	s10 =	sld [smem:$0x3FB3];
	_ =	sdelay $0x3  }
0x36: {  	p1 =	seq.s32 s10, $0x1;
	s10 =	sld [smem:$0x3FB4];
	_ =	sdelay $0x3  }
0x37: {  	[smem:$0x3FB4] =	sst s10  }
0x38: {  	s10 =	sld [smem:$0x3FB5]  }
0x39: {  	_ = 	snop;
	(pc) =	sbr.ind lr, $3  }
0x3a: {  	_ = 	snop  }
0x3b: {  	_ = 	snop  }
0x3c: {  	p2 =	seq.s32 s10, $0x1;
	s10 =	sld [smem:$0x3FB4]  }
0x3d: {  	_ =	shalt  }
0x3e: {  	_ =	shalt  }
0x3f: {  	_ =	shalt  }
0x40: {  	_ =	shalt  }
0x41: {  	_ =	shalt  }
0x42: {  	_ =	shalt  }
0x43: {  	_ =	shalt  }
0x44: {  	_ =	shalt  }
0x45: {  	_ =	shalt  }
0x46: {  	_ =	shalt  }
0x47: {  	_ =	shalt  }
0x48: {  	_ =	shalt  }
0x49: {  	_ =	shalt  }
0x4a: {  	_ =	shalt  }
0x4b: {  	_ =	shalt  }
0x4c: {  	_ =	shalt  }
0x4d: {  	_ =	shalt  }
0x4e: {  	_ =	shalt  }
0x4f: {  	_ =	shalt  }
0x50: {  	_ =	shalt  }
0x51: {  	_ =	shalt  }
0x52: {  	_ =	shalt  }
0x53: {  	_ =	shalt  }
0x54: {  	_ =	shalt  }
0x55: {  	_ =	shalt  }
0x56: {  	_ =	shalt  }
0x57: {  	_ =	shalt  }
0x58: {  	_ =	shalt  }
0x59: {  	_ =	shalt  }
0x5a: {  	_ =	shalt  }
0x5b: {  	_ =	shalt  }
0x5c: {  	_ =	shalt  }
0x5d: {  	_ =	shalt  }
0x5e: {  	_ =	shalt  }
0x5f: {  	_ =	shalt  }
0x60: {  	_ =	shalt  }
0x61: {  	_ =	shalt  }
0x62: {  	_ =	shalt  }
0x63: {  	_ =	shalt  }
0x64: {  	_ =	shalt  }
0x65: {  	_ =	shalt  }
0x66: {  	_ =	shalt  }
0x67: {  	_ =	shalt  }
0x68: {  	_ =	shalt  }
0x69: {  	_ =	shalt  }
0x6a: {  	_ =	shalt  }
0x6b: {  	_ =	shalt  }
0x6c: {  	_ =	shalt  }
0x6d: {  	_ =	shalt  }
0x6e: {  	_ =	shalt  }
0x6f: {  	_ =	shalt  }
0x70: {  	_ =	shalt  }
0x71: {  	_ =	shalt  }
0x72: {  	_ =	shalt  }
0x73: {  	_ =	shalt  }
0x74: {  	_ =	shalt  }
0x75: {  	_ =	shalt  }
0x76: {  	_ =	shalt  }
0x77: {  	_ =	shalt  }
0x78: {  	_ =	shalt  }
0x79: {  	_ =	shalt  }
0x7a: {  	_ =	shalt  }
0x7b: {  	_ =	shalt  }
0x7c: {  	_ =	shalt  }
0x7d: {  	_ =	shalt  }
0x7e: {  	_ =	shalt  }
0x7f: {  	_ =	shalt  }
0x80: {  	_ =	shalt  }
0x81: {  	_ =	shalt  }
0x82: {  	_ =	shalt  }
0x83: {  	_ =	shalt  }
0x84: {  	_ =	shalt  }
0x85: {  	_ =	shalt  }
0x86: {  	_ =	shalt  }
0x87: {  	_ =	shalt  }
.Lfunc_end0:
.L_simem_size_0:
called_computation.3_lowered:
.L_overlay_start_0:
0x88: {  	s2 =	sld [smem:$0x3FD9]  }
0x89: {  	s3 =	sld [smem:$0x3FFE];
	_ =	sdelay $0x1  }
0x8a: {  	s1 =	srdreg.scid  }
0x8b: {  	s0 =	sand.u32 $0x1, s1  }
0x8c: {  	s16 =	sshll.u32 s0, $0xA;
	s2 =	sadd.s32 s3, s2  }
0x8d: {  	s2 =	sadd.s32 s2, s16  }
0x8e: {  	[smem:$0x3FC0] =	sst s2  }
0x8f: {  	_ = 	snop  }
0x90: {  	(tm) =	ssettm $0x1  }
0x91: {  	s17 =	sld [smem:$0x3FFB];
	_ =	sdelay $0x3  }
0x92: {  	_ =	strace s17  }
0x93: {  	s2 =	sld [smem:$0x3FFC];
	_ =	sdelay $0x3  }
0x94: {  	_ =	strace s2  }
0x95: {  	s2 =	sld [smem:$0x3FFD];
	_ =	sdelay $0x3  }
0x96: {  	_ =	strace s2  }
0x97: {  	_ =	strace $0x8FFFFFFF  }
0x98: {  	s18 =	sld [smem:$0x3FDB];
	_ =	sdelay $0x1  }
0x99: {  	s19 =	simm.s32 $_scs_section_size  }
0x9a: {  	s4 =	simm.s32 $_size__tile_overlayer_lowered;
	s5 =	simm.s32 $_tile_overlayer_lowered  }
0x9b: {  	s22 =	simm.s32 $0x1BFF;
	s21 =	sshll.u32 s5, $0x1;
	s2 =	sadd.s32 s19, s18  }
0x9c: {  	s6 =	simm.s32 $0x0;
	s20 =	sshll.u32 s4, $0x1;
	s4 =	sadd.s32 s21, s2  }
0x9d: {  	[timem:s6], [sflag:s22] =	dma.local [hbm:s4], s20  }
0x9e: {  	_ =	swait.ge [sflag:s22], s20  }
0x9f: {  	s3 =	ssub.s32 $0x0, s20;
	[sflag:s22] =	ssyncset.done $0x0  }
0xa0: {  	[sflag:s22] =	ssyncadd.s32 s3;
	_ =	sdelay $0x1  }
0xa1: {  	s23 =	simm.s32 $0x1B8B  }
0xa2: {  	_ =	swait.ge [sflag:s23], $0x1  }
0xa3: {  	[sflag:s23] =	ssyncset.done $0x0  }
0xa4: {  	s25 =	simm.s32 $0x1B8E;
	s24 =	sld [smem:$0x3FFE];
	[sflag:s23] =	ssyncadd.s32 $0xFFFFFFFF  }
0xa5: {  	s26 =	simm.s32 $execute0_lowered;
	[smem:$0x3FD2] =	sst s25  }
0xa6: {  	s4 =	sshll.u32 s26, $0x1;
	_ =	strace $0x8000004C;
	[dreg:$0x1] =	wrdreg $0xFFFFFFFF  }
0xa7: {  	s28 =	simm.s32 $_size_execute0_lowered;
	s2 =	sadd.s32 s2, s4;
	[dreg:$0x0] =	wrdreg $0x0  }
0xa8: {  	s4 =	sshll.u32 s28, $0x1;
	[dreg:$0x2] =	wrdreg s2  }
0xa9: {  	[dreg:$0x3] =	wrdreg s4  }
0xaa: {  	[dreg:$0x4] =	wrdreg $0xC0  }
0xab: {  	_ =	task [dreg:s6], $0x5FFFF  }
0xac: {  	[dreg:$0x1] =	wrdreg $0xFFFFFFFF  }
0xad: {  	[dreg:$0x0] =	wrdreg $0x60  }
0xae: {  	[dreg:$0x2] =	wrdreg s24  }
0xaf: {  	[dreg:$0x3] =	wrdreg $0x9  }
0xb0: {  	_ =	task.clear_ibuf [dreg:s6], $0x4FFFF;
	_ =	strace $0x9000004C  }
0xb1: {  	s29 =	simm.s32 $0x9;
	_ =	strace $0x8000004E  }
0xb2: {  	_ =	swait.ge [sflag:s29], $0x1  }
0xb3: {  	[sflag:s29] =	ssyncadd.s32 $0xFFFFFFFF  }
0xb4: {  	_ =	strace $0x9000004E  }
0xb5: {  	_ =	sfence  }
0xb6: {  	s30 =	sld [smem:$0x0];
	_ =	sdelay $0x2  }
0xb7: {  	s31 =	sshll.u32 s1, $0xD;
	s1 =	sshrl.u32 s1, $0x2  }
0xb8: {  	s3 =	sand.u32 $0x4000, s31;
	s1 =	sadd.s32 s1, s30  }
0xb9: {  	s0 =	sor.u32 s3, s0;
	s1 =	sshll.u32 s1, $0x11  }
0xba: {  	s0 =	sor.u32 s1, s0  }
0xbb: {  	s0 =	sadd.s32 $0x8F2B, s0  }
0xbc: {  	[sflag:s0] =	ssyncadd.remote.s32 $0x1  }
0xbd: {  	_ =	sfence.sel $0xFFFF  }
0xbe: {  	[dreg:$0x0] =	wrdreg $0xFFFFFFFF;
	(pc) =	sbr.abs _section_cstart, $3  }
0xbf: {  	[dreg:$0x1] =	wrdreg $0xFFFFFFFF  }
0xc0: {  	_ =	task.clear_ibuf [dreg:s6], $0x2FFFF;
	_ =	strace $0x9FFFFFFF  }
0xc1: {  	(tm) =	ssettm $0x7FFFFFFF  }
tec
execute0_lowered:
.L_overlay_start_1:
0x0: {  	(tag) =	ssettag $0x1  }
0x1: {  	s0 =	rddreg [dreg:$0x0];
	s1 =	srdreg.scid  }
0x2: {  	s4 =	stileid.u32;
	s2 =	simm.s32 $0x0;
	s12 =	simm.s32 $0x3  }
0x3: {  	s28 =	simm.s32 $0x2;
	s31 =	simm.s32 $0x80;
	s13 =	simm.s32 $0x880  }
0x4: {  	s14 =	simm.s32 $0x1880;
	s15 =	simm.s32 $0x2080;
	s16 =	simm.s32 $0x2880  }
0x5: {  	s17 =	simm.s32 $0x3080;
	s18 =	simm.s32 $0x3880;
	s19 =	simm.s32 $0x4080  }
0x6: {  	s20 =	simm.s32 $0x4880;
	s21 =	simm.s32 $0x5080;
	s22 =	simm.s32 $0x5880  }
0x7: {  	s23 =	simm.s32 $0x6080;
	s24 =	simm.s32 $0x6880;
	s25 =	simm.s32 $0x7080  }
0x8: {  	s30 =	simm.s32 $0x8080;
	s1 =	sand.u32 $0x1, s1;
	s4 =	sshll.u32 s4, $0x6  }
0x9: {  	[smem:$0x7FF] =	sst s2;
	s6 =	sadd.s32 $0x11D700, s0;
	s3 =	sshll.u32 s1, $0xA  }
0xa: {  	_ =	strace $0x8000004D;
	s1 =	ssub.s32 $0x2, s1;
	s3 =	sor.u32 s4, s3  }
0xb: {  	s26 =	sshrl.u32 s1, $0x1;
	s4 =	sshrl.u32 s3, $0x3;
	s5 =	sshll.u32 s3, $0x8  }
0xc: {  	s3 =	sadd.s32 $0x11D400, s0;
	s1 =	ssub.s32 s1, s26;
	s4 =	sadd.s32 s4, s0  }
0xd: {  	s9 =	sadd.s32 s5, s0;
	s5 =	sadd.s32 $0x11D600, s0;
	s29 =	sadd.s32 $0x8D000, s4  }
0xe: {  	s4 =	sadd.s32 $0x11D500, s0;
	s7 =	sadd.s32 $0x4800, s9;
	[dreg:$0x2] =	wrdreg s29  }
0xf: {  	s8 =	sadd.s32 $0x5800, s9;
	s10 =	sadd.s32 $0x6800, s9;
	[dreg:$0x3] =	wrdreg s7  }
0x10: {  	v2 =	vlaneseq.u32;
	s11 =	sadd.s32 $0x7800, s9;
	s9 =	sadd.s32 $0x11DA00, s0;
	[dreg:$0x4] =	wrdreg s8  }
0x11: {  	vm0 =	vmmov $0xffff;
	v1 =	vshrl.u32 v2, $0x3;
	s7 =	sadd.s32 $0x11D800, s0;
	s8 =	sadd.s32 $0x11D900, s0;
	[dreg:$0x5] =	wrdreg s10  }
0x12: {  	v0 =	vand.u32 $0x7, v2;
	v2 =	vor.u32 $0x8, v2;
	v1 =	vmul.u32 $0x8, v1;
	s10 =	sadd.s32 $0x11DB00, s0;
	[dreg:$0x6] =	wrdreg s11;
	s11 =	smax.u32 s1, $0x1  }
.LBB2_1:
0x13: {  	s29 =	rddreg [dreg:$0x2]  }
0x14: {  	[tilespmem:s2], [sflag:$0x3] =	stream.linear.gather [hbm4b:s29+s2], $0x40, $0x38;
	[tilespmem:$0x10080] =	vst v63  }
0x15: {  	_ =	swait.ge [sflag:s12], $0x40  }
0x16: {  	[sflag:s12] =	ssyncset.done $0x0  }
0x17: {  	[sflag:s12] =	ssyncadd.s32 $0xFFFFFFC0  }
0x18: {  	v3 =	vld [tilespmem:$0x0];
	_ =	sdelay $0x4  }
0x19: {  	v4 =	vshll.u32 v3, $0x4  }
0x1a: {  	v3 =	vand.u32 $0x7, v3;
	v4 =	vand.u32 $0xFFFFFF80, v4  }
0x1b: {  	v3 =	vor.u32 v3, v4  }
0x1c: {  	v4 =	vperm.xlane v3, v0;
	_ =	sdelay $0x1  }
0x1d: {  	v4 =	vadd.s32 v1, v4;
	_ =	sdelay $0x4  }
0x1e: {  	[tilespmem:s31], [sflag:$0x1] =	stream.indirect_vreg.gather [hbm4b:s3+s2], $0x80, v4, vm0, $0xb8;
	[tilespmem:$0x10080] =	vst v63  }
0x1f: {  	_ = 	snop  }
0x20: {  	[tilespmem:s13], [sflag:$0x1] =	stream.indirect_vreg.gather [hbm4b:s4+s2], $0x80, v4, vm0, $0xb8;
	[tilespmem:$0x10080] =	vst v63  }
0x21: {  	s1 =	simm.s32 $0x1080  }
0x22: {  	[tilespmem:s1], [sflag:$0x1] =	stream.indirect_vreg.gather [hbm4b:s5+s2], $0x80, v4, vm0, $0xb8;
	[tilespmem:$0x10080] =	vst v63  }
0x23: {  	_ = 	snop  }
0x24: {  	[tilespmem:s14], [sflag:$0x1] =	stream.indirect_vreg.gather [hbm4b:s6+s2], $0x80, v4, vm0, $0xb8;
	[tilespmem:$0x10080] =	vst v63  }
0x25: {  	_ = 	snop  }
0x26: {  	[tilespmem:s15], [sflag:$0x1] =	stream.indirect_vreg.gather [hbm4b:s7+s2], $0x80, v4, vm0, $0xb8;
	[tilespmem:$0x10080] =	vst v63  }
0x27: {  	v3 =	vperm.xlane v3, v2  }
0x28: {  	[tilespmem:s16], [sflag:$0x1] =	stream.indirect_vreg.gather [hbm4b:s8+s2], $0x80, v4, vm0, $0xb8;
	[tilespmem:$0x10080] =	vst v63  }
0x29: {  	v3 =	vadd.s32 v1, v3  }
0x2a: {  	[tilespmem:s17], [sflag:$0x1] =	stream.indirect_vreg.gather [hbm4b:s9+s2], $0x80, v4, vm0, $0xb8;
	[tilespmem:$0x10080] =	vst v63  }
0x2b: {  	_ = 	snop  }
0x2c: {  	[tilespmem:s18], [sflag:$0x1] =	stream.indirect_vreg.gather [hbm4b:s10+s2], $0x80, v4, vm0, $0xb8;
	[tilespmem:$0x10080] =	vst v63  }
0x2d: {  	_ = 	snop  }
0x2e: {  	[tilespmem:s19], [sflag:$0x1] =	stream.indirect_vreg.gather [hbm4b:s3+s2], $0x80, v3, vm0, $0xb8;
	[tilespmem:$0x10080] =	vst v63  }
0x2f: {  	_ = 	snop  }
0x30: {  	[tilespmem:s20], [sflag:$0x1] =	stream.indirect_vreg.gather [hbm4b:s4+s2], $0x80, v3, vm0, $0xb8;
	[tilespmem:$0x10080] =	vst v63  }
0x31: {  	_ = 	snop  }
0x32: {  	[tilespmem:s21], [sflag:$0x1] =	stream.indirect_vreg.gather [hbm4b:s5+s2], $0x80, v3, vm0, $0xb8;
	[tilespmem:$0x10080] =	vst v63  }
0x33: {  	_ = 	snop  }
0x34: {  	[tilespmem:s22], [sflag:$0x1] =	stream.indirect_vreg.gather [hbm4b:s6+s2], $0x80, v3, vm0, $0xb8;
	[tilespmem:$0x10080] =	vst v63  }
0x35: {  	_ = 	snop  }
0x36: {  	[tilespmem:s23], [sflag:$0x1] =	stream.indirect_vreg.gather [hbm4b:s7+s2], $0x80, v3, vm0, $0xb8;
	[tilespmem:$0x10080] =	vst v63  }
0x37: {  	_ = 	snop  }
0x38: {  	[tilespmem:s24], [sflag:$0x1] =	stream.indirect_vreg.gather [hbm4b:s8+s2], $0x80, v3, vm0, $0xb8;
	[tilespmem:$0x10080] =	vst v63  }
0x39: {  	_ = 	snop  }
0x3a: {  	[tilespmem:s25], [sflag:$0x1] =	stream.indirect_vreg.gather [hbm4b:s9+s2], $0x80, v3, vm0, $0xb8;
	[tilespmem:$0x10080] =	vst v63  }
0x3b: {  	s0 =	simm.s32 $0x7880  }
0x3c: {  	[tilespmem:s0], [sflag:$0x1] =	stream.indirect_vreg.gather [hbm4b:s10+s2], $0x80, v3, vm0, $0xb8;
	[tilespmem:$0x10080] =	vst v63  }
0x3d: {  	s0 =	simm.s32 $0x1  }
0x3e: {  	_ =	swait.ge [sflag:s0], $0x8000  }
0x3f: {  	[sflag:s0] =	ssyncset.done $0x0  }
0x40: {  	[sflag:s0] =	ssyncadd.s32 $0xFFFF8000  }
0x41: {  	v3 =	vld [tilespmem:$0x10];
	_ =	sdelay $0x4  }
0x42: {  	v61 =	vshll.u32 v3, $0x4  }
0x43: {  	v3 =	vand.u32 $0x7, v3;
	v4 =	vand.u32 $0xFFFFFF80, v61  }
0x44: {  	v3 =	vor.u32 v3, v4  }
0x45: {  	v4 =	vperm.xlane v3, v0;
	_ =	sdelay $0x1  }
0x46: {  	v4 =	vadd.s32 v1, v4;
	_ =	sdelay $0x4  }
0x47: {  	[tilespmem:s30], [sflag:$0x2] =	stream.indirect_vreg.gather [hbm4b:s3+s2], $0x80, v4, vm0, $0xb8;
	[tilespmem:$0x10080] =	vst v63  }
0x48: {  	s26 =	simm.s32 $0x8880  }
0x49: {  	[tilespmem:s26], [sflag:$0x2] =	stream.indirect_vreg.gather [hbm4b:s4+s2], $0x80, v4, vm0, $0xb8;
	[tilespmem:$0x10080] =	vst v63  }
0x4a: {  	s26 =	simm.s32 $0x9080  }
0x4b: {  	[tilespmem:s26], [sflag:$0x2] =	stream.indirect_vreg.gather [hbm4b:s5+s2], $0x80, v4, vm0, $0xb8;
	[tilespmem:$0x10080] =	vst v63  }
0x4c: {  	s26 =	simm.s32 $0x9880  }
0x4d: {  	[tilespmem:s26], [sflag:$0x2] =	stream.indirect_vreg.gather [hbm4b:s6+s2], $0x80, v4, vm0, $0xb8;
	[tilespmem:$0x10080] =	vst v63  }
0x4e: {  	s26 =	simm.s32 $0xA080  }
0x4f: {  	[tilespmem:s26], [sflag:$0x2] =	stream.indirect_vreg.gather [hbm4b:s7+s2], $0x80, v4, vm0, $0xb8;
	[tilespmem:$0x10080] =	vst v63  }
0x50: {  	v3 =	vperm.xlane v3, v2;
	s26 =	simm.s32 $0xA880  }
0x51: {  	[tilespmem:s26], [sflag:$0x2] =	stream.indirect_vreg.gather [hbm4b:s8+s2], $0x80, v4, vm0, $0xb8;
	[tilespmem:$0x10080] =	vst v63  }
0x52: {  	v3 =	vadd.s32 v1, v3;
	s26 =	simm.s32 $0xB080  }
0x53: {  	[tilespmem:s26], [sflag:$0x2] =	stream.indirect_vreg.gather [hbm4b:s9+s2], $0x80, v4, vm0, $0xb8;
	[tilespmem:$0x10080] =	vst v63  }
0x54: {  	s26 =	simm.s32 $0xB880  }
0x55: {  	[tilespmem:s26], [sflag:$0x2] =	stream.indirect_vreg.gather [hbm4b:s10+s2], $0x80, v4, vm0, $0xb8;
	[tilespmem:$0x10080] =	vst v63  }
0x56: {  	s26 =	simm.s32 $0xC080  }
0x57: {  	[tilespmem:s26], [sflag:$0x2] =	stream.indirect_vreg.gather [hbm4b:s3+s2], $0x80, v3, vm0, $0xb8;
	[tilespmem:$0x10080] =	vst v63  }
0x58: {  	s26 =	simm.s32 $0xC880  }
0x59: {  	[tilespmem:s26], [sflag:$0x2] =	stream.indirect_vreg.gather [hbm4b:s4+s2], $0x80, v3, vm0, $0xb8;
	[tilespmem:$0x10080] =	vst v63  }
0x5a: {  	s26 =	simm.s32 $0xD080  }
0x5b: {  	[tilespmem:s26], [sflag:$0x2] =	stream.indirect_vreg.gather [hbm4b:s5+s2], $0x80, v3, vm0, $0xb8;
	[tilespmem:$0x10080] =	vst v63  }
0x5c: {  	s26 =	simm.s32 $0xD880  }
0x5d: {  	[tilespmem:s26], [sflag:$0x2] =	stream.indirect_vreg.gather [hbm4b:s6+s2], $0x80, v3, vm0, $0xb8;
	[tilespmem:$0x10080] =	vst v63  }
0x5e: {  	s26 =	simm.s32 $0xE080  }
0x5f: {  	[tilespmem:s26], [sflag:$0x2] =	stream.indirect_vreg.gather [hbm4b:s7+s2], $0x80, v3, vm0, $0xb8;
	[tilespmem:$0x10080] =	vst v63  }
0x60: {  	s26 =	simm.s32 $0xE880  }
0x61: {  	[tilespmem:s26], [sflag:$0x2] =	stream.indirect_vreg.gather [hbm4b:s8+s2], $0x80, v3, vm0, $0xb8;
	[tilespmem:$0x10080] =	vst v63  }
0x62: {  	s26 =	simm.s32 $0xF080  }
0x63: {  	[tilespmem:s26], [sflag:$0x2] =	stream.indirect_vreg.gather [hbm4b:s9+s2], $0x80, v3, vm0, $0xb8;
	[tilespmem:$0x10080] =	vst v63  }
0x64: {  	s26 =	simm.s32 $0xF880  }
0x65: {  	[tilespmem:s26], [sflag:$0x2] =	stream.indirect_vreg.gather [hbm4b:s10+s2], $0x80, v3, vm0, $0xb8;
	[tilespmem:$0x10080] =	vst v63  }
0x66: {  	s29 =	rddreg [dreg:$0x3]  }
0x67: {  	[hbm4b:s29+s2] =	stream.linear.scatter [tilespmem:s31], [sflag:$0x3], $0x8000, $0x38;
	[tilespmem:$0x10080] =	vst v63  }
0x68: {  	_ =	swait.ge [sflag:s12], $0x8000  }
0x69: {  	[sflag:s12] =	ssyncset.done $0x0  }
0x6a: {  	[sflag:s12] =	ssyncadd.s32 $0xFFFF8000  }
0x6b: {  	_ =	swait.ge [sflag:s28], $0x8000  }
0x6c: {  	[sflag:s28] =	ssyncset.done $0x0  }
0x6d: {  	[sflag:s28] =	ssyncadd.s32 $0xFFFF8000  }
0x6e: {  	v3 =	vld [tilespmem:$0x20];
	_ =	sdelay $0x4  }
0x6f: {  	v62 =	vshll.u32 v3, $0x4  }
0x70: {  	v3 =	vand.u32 $0x7, v3;
	v4 =	vand.u32 $0xFFFFFF80, v62  }
0x71: {  	v3 =	vor.u32 v3, v4  }
0x72: {  	v4 =	vperm.xlane v3, v0;
	_ =	sdelay $0x1  }
0x73: {  	v4 =	vadd.s32 v1, v4;
	_ =	sdelay $0x4  }
0x74: {  	[tilespmem:s31], [sflag:$0x1] =	stream.indirect_vreg.gather [hbm4b:s3+s2], $0x80, v4, vm0, $0xb8;
	[tilespmem:$0x10080] =	vst v63  }
0x75: {  	_ = 	snop  }
0x76: {  	[tilespmem:s13], [sflag:$0x1] =	stream.indirect_vreg.gather [hbm4b:s4+s2], $0x80, v4, vm0, $0xb8;
	[tilespmem:$0x10080] =	vst v63  }
0x77: {  	_ = 	snop  }
0x78: {  	[tilespmem:s1], [sflag:$0x1] =	stream.indirect_vreg.gather [hbm4b:s5+s2], $0x80, v4, vm0, $0xb8;
	[tilespmem:$0x10080] =	vst v63  }
0x79: {  	_ = 	snop  }
0x7a: {  	[tilespmem:s14], [sflag:$0x1] =	stream.indirect_vreg.gather [hbm4b:s6+s2], $0x80, v4, vm0, $0xb8;
	[tilespmem:$0x10080] =	vst v63  }
0x7b: {  	_ = 	snop  }
0x7c: {  	[tilespmem:s15], [sflag:$0x1] =	stream.indirect_vreg.gather [hbm4b:s7+s2], $0x80, v4, vm0, $0xb8;
	[tilespmem:$0x10080] =	vst v63  }
0x7d: {  	v3 =	vperm.xlane v3, v2  }
0x7e: {  	[tilespmem:s16], [sflag:$0x1] =	stream.indirect_vreg.gather [hbm4b:s8+s2], $0x80, v4, vm0, $0xb8;
	[tilespmem:$0x10080] =	vst v63  }
0x7f: {  	v3 =	vadd.s32 v1, v3  }
0x80: {  	[tilespmem:s17], [sflag:$0x1] =	stream.indirect_vreg.gather [hbm4b:s9+s2], $0x80, v4, vm0, $0xb8;
	[tilespmem:$0x10080] =	vst v63  }
0x81: {  	_ = 	snop  }
0x82: {  	[tilespmem:s18], [sflag:$0x1] =	stream.indirect_vreg.gather [hbm4b:s10+s2], $0x80, v4, vm0, $0xb8;
	[tilespmem:$0x10080] =	vst v63  }
0x83: {  	_ = 	snop  }
0x84: {  	[tilespmem:s19], [sflag:$0x1] =	stream.indirect_vreg.gather [hbm4b:s3+s2], $0x80, v3, vm0, $0xb8;
	[tilespmem:$0x10080] =	vst v63  }
0x85: {  	_ = 	snop  }
0x86: {  	[tilespmem:s20], [sflag:$0x1] =	stream.indirect_vreg.gather [hbm4b:s4+s2], $0x80, v3, vm0, $0xb8;
	[tilespmem:$0x10080] =	vst v63  }
0x87: {  	_ = 	snop  }
0x88: {  	[tilespmem:s21], [sflag:$0x1] =	stream.indirect_vreg.gather [hbm4b:s5+s2], $0x80, v3, vm0, $0xb8;
	[tilespmem:$0x10080] =	vst v63  }
0x89: {  	_ = 	snop  }
0x8a: {  	[tilespmem:s22], [sflag:$0x1] =	stream.indirect_vreg.gather [hbm4b:s6+s2], $0x80, v3, vm0, $0xb8;
	[tilespmem:$0x10080] =	vst v63  }
0x8b: {  	_ = 	snop  }
0x8c: {  	[tilespmem:s23], [sflag:$0x1] =	stream.indirect_vreg.gather [hbm4b:s7+s2], $0x80, v3, vm0, $0xb8;
	[tilespmem:$0x10080] =	vst v63  }
0x8d: {  	_ = 	snop  }
0x8e: {  	[tilespmem:s24], [sflag:$0x1] =	stream.indirect_vreg.gather [hbm4b:s8+s2], $0x80, v3, vm0, $0xb8;
	[tilespmem:$0x10080] =	vst v63  }
0x8f: {  	_ = 	snop  }
0x90: {  	[tilespmem:s25], [sflag:$0x1] =	stream.indirect_vreg.gather [hbm4b:s9+s2], $0x80, v3, vm0, $0xb8;
	[tilespmem:$0x10080] =	vst v63  }
0x91: {  	s1 =	simm.s32 $0x7880  }
0x92: {  	[tilespmem:s1], [sflag:$0x1] =	stream.indirect_vreg.gather [hbm4b:s10+s2], $0x80, v3, vm0, $0xb8;
	[tilespmem:$0x10080] =	vst v63  }
0x93: {  	s29 =	rddreg [dreg:$0x4]  }
0x94: {  	[hbm4b:s29+s2] =	stream.linear.scatter [tilespmem:s30], [sflag:$0x3], $0x8000, $0x38;
	[tilespmem:$0x10080] =	vst v63  }
0x95: {  	_ =	swait.ge [sflag:s12], $0x8000  }
0x96: {  	[sflag:s12] =	ssyncset.done $0x0  }
0x97: {  	[sflag:s12] =	ssyncadd.s32 $0xFFFF8000  }
0x98: {  	_ =	swait.ge [sflag:s0], $0x8000  }
0x99: {  	[sflag:s0] =	ssyncset.done $0x0  }
0x9a: {  	[sflag:s0] =	ssyncadd.s32 $0xFFFF8000  }
0x9b: {  	v3 =	vld [tilespmem:$0x30];
	_ =	sdelay $0x4  }
0x9c: {  	v63 =	vshll.u32 v3, $0x4  }
0x9d: {  	v3 =	vand.u32 $0x7, v3;
	v4 =	vand.u32 $0xFFFFFF80, v63  }
0x9e: {  	v3 =	vor.u32 v3, v4  }
0x9f: {  	v4 =	vperm.xlane v3, v0;
	_ =	sdelay $0x1  }
0xa0: {  	v4 =	vadd.s32 v1, v4;
	_ =	sdelay $0x4  }
0xa1: {  	[tilespmem:s30], [sflag:$0x2] =	stream.indirect_vreg.gather [hbm4b:s3+s2], $0x80, v4, vm0, $0xb8;
	[tilespmem:$0x10080] =	vst v63  }
0xa2: {  	s1 =	simm.s32 $0x8880  }
0xa3: {  	[tilespmem:s1], [sflag:$0x2] =	stream.indirect_vreg.gather [hbm4b:s4+s2], $0x80, v4, vm0, $0xb8;
	[tilespmem:$0x10080] =	vst v63  }
0xa4: {  	s29 =	simm.s32 $0x9080  }
0xa5: {  	[tilespmem:s29], [sflag:$0x2] =	stream.indirect_vreg.gather [hbm4b:s5+s2], $0x80, v4, vm0, $0xb8;
	[tilespmem:$0x10080] =	vst v63  }
0xa6: {  	s1 =	simm.s32 $0x9880  }
0xa7: {  	[tilespmem:s1], [sflag:$0x2] =	stream.indirect_vreg.gather [hbm4b:s6+s2], $0x80, v4, vm0, $0xb8;
	[tilespmem:$0x10080] =	vst v63  }
0xa8: {  	s29 =	simm.s32 $0xA080  }
0xa9: {  	[tilespmem:s29], [sflag:$0x2] =	stream.indirect_vreg.gather [hbm4b:s7+s2], $0x80, v4, vm0, $0xb8;
	[tilespmem:$0x10080] =	vst v63  }
0xaa: {  	v3 =	vperm.xlane v3, v2;
	s1 =	simm.s32 $0xA880  }
0xab: {  	[tilespmem:s1], [sflag:$0x2] =	stream.indirect_vreg.gather [hbm4b:s8+s2], $0x80, v4, vm0, $0xb8;
	[tilespmem:$0x10080] =	vst v63  }
0xac: {  	v3 =	vadd.s32 v1, v3;
	s29 =	simm.s32 $0xB080  }
0xad: {  	[tilespmem:s29], [sflag:$0x2] =	stream.indirect_vreg.gather [hbm4b:s9+s2], $0x80, v4, vm0, $0xb8;
	[tilespmem:$0x10080] =	vst v63  }
0xae: {  	s1 =	simm.s32 $0xB880  }
0xaf: {  	[tilespmem:s1], [sflag:$0x2] =	stream.indirect_vreg.gather [hbm4b:s10+s2], $0x80, v4, vm0, $0xb8;
	[tilespmem:$0x10080] =	vst v63  }
0xb0: {  	s29 =	simm.s32 $0xC080  }
0xb1: {  	[tilespmem:s29], [sflag:$0x2] =	stream.indirect_vreg.gather [hbm4b:s3+s2], $0x80, v3, vm0, $0xb8;
	[tilespmem:$0x10080] =	vst v63  }
0xb2: {  	s1 =	simm.s32 $0xC880  }
0xb3: {  	[tilespmem:s1], [sflag:$0x2] =	stream.indirect_vreg.gather [hbm4b:s4+s2], $0x80, v3, vm0, $0xb8;
	[tilespmem:$0x10080] =	vst v63  }
0xb4: {  	s29 =	simm.s32 $0xD080  }
0xb5: {  	[tilespmem:s29], [sflag:$0x2] =	stream.indirect_vreg.gather [hbm4b:s5+s2], $0x80, v3, vm0, $0xb8;
	[tilespmem:$0x10080] =	vst v63  }
0xb6: {  	s1 =	simm.s32 $0xD880  }
0xb7: {  	[tilespmem:s1], [sflag:$0x2] =	stream.indirect_vreg.gather [hbm4b:s6+s2], $0x80, v3, vm0, $0xb8;
	[tilespmem:$0x10080] =	vst v63  }
0xb8: {  	s29 =	simm.s32 $0xE080  }
0xb9: {  	[tilespmem:s29], [sflag:$0x2] =	stream.indirect_vreg.gather [hbm4b:s7+s2], $0x80, v3, vm0, $0xb8;
	[tilespmem:$0x10080] =	vst v63  }
0xba: {  	s1 =	simm.s32 $0xE880  }
0xbb: {  	[tilespmem:s1], [sflag:$0x2] =	stream.indirect_vreg.gather [hbm4b:s8+s2], $0x80, v3, vm0, $0xb8;
	[tilespmem:$0x10080] =	vst v63  }
0xbc: {  	s29 =	simm.s32 $0xF080  }
0xbd: {  	[tilespmem:s29], [sflag:$0x2] =	stream.indirect_vreg.gather [hbm4b:s9+s2], $0x80, v3, vm0, $0xb8;
	[tilespmem:$0x10080] =	vst v63  }
0xbe: {  	s26 =	simm.s32 $0xF880  }
0xbf: {  	[tilespmem:s26], [sflag:$0x2] =	stream.indirect_vreg.gather [hbm4b:s10+s2], $0x80, v3, vm0, $0xb8;
	[tilespmem:$0x10080] =	vst v63  }
0xc0: {  	s1 =	rddreg [dreg:$0x5]  }
0xc1: {  	[hbm4b:s1+s2] =	stream.linear.scatter [tilespmem:s31], [sflag:$0x3], $0x8000, $0x38;
	[tilespmem:$0x10080] =	vst v63  }
0xc2: {  	_ =	swait.ge [sflag:s12], $0x8000  }
0xc3: {  	[sflag:s12] =	ssyncset.done $0x0  }
0xc4: {  	[sflag:s12] =	ssyncadd.s32 $0xFFFF8000  }
0xc5: {  	_ =	swait.ge [sflag:s28], $0x8000  }
0xc6: {  	p0 =	sne.s32 s11, $0x1;
	[sflag:s28] =	ssyncset.done $0x0  }
.Ltmp0:
0xc7: {  	s26 =	rddreg [dreg:$0x6];
	[sflag:s28] =	ssyncadd.s32 $0xFFFF8000;
	(pc) =	sbr.rel @p0 .LBB2_1-.Ltmp0, $4  }
0xc8: {  	[hbm4b:s26+s2] =	stream.linear.scatter [tilespmem:s30], [sflag:$0x3], $0x8000, $0x38;
	[tilespmem:$0x10080] =	vst v63  }
0xc9: {  	_ =	swait.ge [sflag:s12], $0x8000  }
0xca: {  	[sflag:s12] =	ssyncset.done $0x0  }
0xcb: {  	s11 =	sadd.s32 $0xFFFFFFFF, s11;
	[sflag:s12] =	ssyncadd.s32 $0xFFFF8000  }
0xcc: {  	_ =	sfence.sel $0x180000  }
0xcd: {  	[bflag:$0x0] =	sbarrier.arrive $0xFFFF  }
0xce: {  	_ =	strace $0x9000004D  }
0xcf: {  	s0 =	stileid.u32;
	[bflag:$0x2] =	sbarrier.arrive $0xFFFF  }
0xd0: {  	p0 =	sne.s32 s0, $0x0;
	s0 =	rddreg [dreg:$0x1]  }
0xd1: {  	s0 =	sadd.s32 @!p0 $0x100000, s0  }
0xd2: {  	[sflag:s0] =	ssyncadd.tile.s32 @!p0 $0x1;
	_ =	shalt  }
.Lfunc_end2:
_tile_overlayer_lowered:
.L_overlay_start_2:
0xd3: {  	(tag) =	ssettag $0x2  }
0xd4: {  	s0 =	rddreg [dreg:$0x0];
	s2 =	stileid.u32  }
0xd5: {  	s1 =	rddreg [dreg:$0x1];
	p0 =	sne.s32 s2, $0x0  }
0xd6: {  	s3 =	rddreg [dreg:$0x2];
	[bflag:$0x3] =	sbarrier.arrive $0xFFFF;
	s2 =	simm.s32 @!p0 $0x1C03  }
0xd7: {  	[timem:s3], [sflag:s2] =	dma.local @!p0 [hbm:s0], s1  }
0xd8: {  	s0 =	simm.s32 @!p0 $0x3  }
0xd9: {  	_ =	swait.ge @!p0 [sflag:s0], s1  }
0xda: {  	s1 =	ssub.s32 @!p0 $0x0, s1;
	[sflag:s0] =	ssyncset.done @!p0 $0x0  }
0xdb: {  	[sflag:s0] =	ssyncadd.s32 @!p0 s1  }
0xdc: {  	[bflag:$0x3] =	sbarrier.arrive $0xFFFF  }
0xdd: {  	_ =	shalt  }

// kernel: kernel.15.cloned.1.call-start
scs
__scs_entry_jumppad:
0x0: {  	(pc) =	sbr.rel $0x88, $3  }
0x1: {  	(tag) =	ssettag $0x0;
	lr =	simm.s32 $0x1  }
0x2: {  	[smem:$0x3F99] =	sst lr;
	_ =	strace $0xD0000000  }
0x3: {  	_ = 	snop  }
0x4: {  	_ = 	snop  }
0x5: {  	_ = 	snop  }
0x6: {  	_ = 	snop  }
0x7: {  	_ = 	snop  }
__scs_overlays_trampoline_lowered:
0x8: {  	[smem:$0x3FA8] =	sst s0  }
0x9: {  	[smem:$0x3FA9] =	sst s1  }
0xa: {  	[smem:$0x3FAA] =	sst s2  }
0xb: {  	[smem:$0x3FAB] =	sst s3  }
0xc: {  	[smem:$0x3FAC] =	sst s4  }
0xd: {  	[smem:$0x3FAD] =	sst s5  }
0xe: {  	[smem:$0x3FAE] =	sst s6  }
0xf: {  	[smem:$0x3FAF] =	sst s7  }
0x10: {  	[smem:$0x3FB0] =	sst s8  }
0x11: {  	[smem:$0x3FB1] =	sst s9;
	s0 =	simm.s32 @!p0 $0x0  }
0x12: {  	s1 =	sld [smem:$0x3F97];
	s0 =	simm.s32 @p0 $0x1  }
0x13: {  	[smem:$0x3FB2] =	sst s0;
	s0 =	simm.s32 @!p1 $0x0  }
0x14: {  	s2 =	sld [smem:$0x3F96];
	s0 =	simm.s32 @p1 $0x1  }
0x15: {  	[smem:$0x3FB3] =	sst s0;
	s0 =	simm.s32 @!p2 $0x0  }
0x16: {  	s3 =	sld [smem:$0x3FDB];
	s0 =	simm.s32 @p2 $0x1  }
0x17: {  	s4 =	simm.s32 $0x1BF5;
	[smem:$0x3FB5] =	sst s0  }
0x18: {  	s0 =	sld [smem:$0x3F98];
	_ =	swait.ge [sflag:s4], $0x0  }
0x19: {  	s7 =	sld [smem:$0x3F99]  }
0x1a: {  	s8 =	sadd.s32 $0xFFFFE003, lr  }
0x1b: {  	s9 =	sadd.s32 $0xFFFFFEF7, lr;
	s5 =	simm.s32 $0xFFFFFFFF;
	p2 =	slt.u32 s8, $0xFFFFF086  }
0x1c: {  	p1 =	slt.u32 s9, $0xF7A;
	s5 =	simm.s32 @!p2 $0x0  }
0x1d: {  	s5 =	simm.s32 @p1 $0x1;
	p0 =	seq.s32 s7, s2  }
0x1e: {  	s7 =	smul.u32 @!p0 $0xF7A, s2;
	p2 =	seq.s32 @!p0 s5, $0x0  }
0x1f: {  	s9 =	smul.u32 $0xF7A, s1;
	s8 =	simm.s32 @!p0 $0x1BF5;
	p2 =	por !p2, p0  }
0x20: {  	[sflag:s8] =	ssyncset.s32 @!p0 $0xFFFFF086;
	s6 =	sadd.s32 @!p0 s3, s7;
	s7 =	simm.s32 @!p0 $0x108  }
0x21: {  	s3 =	sadd.s32 s3, s9;
	s6 =	sadd.s32 @!p0 $0x88, s6;
	s7 =	simm.s32 @p2 $0x1082  }
0x22: {  	[simem:s7], [sflag:s8] =	dma.local @!p0 [hbm:s6], $0xF7A  }
0x23: {  	s9 =	sor.u32 $0xD0000000, s2;
	s6 =	simm.s32 $0x108;
	_ =	swait.ge @!p0 [sflag:s8], $0x0  }
0x24: {  	s3 =	sadd.s32 $0x88, s3;
	s6 =	simm.s32 @!p1 $0x1082;
	[sflag:s4] =	ssyncset.s32 $0xFFFFF086  }
0x25: {  	[simem:s6], [sflag:s4] =	dma.local [hbm:s3], $0xF7A  }
0x26: {  	[smem:$0x3F99] =	sst s1;
	(tag) =	ssettag s2;
	_ =	strace s9  }
0x27: {  	s1 =	sld [smem:$0x3FA9]  }
0x28: {  	s2 =	sld [smem:$0x3FAA]  }
0x29: {  	s4 =	sld [smem:$0x3FAC]  }
0x2a: {  	p0 =	seq.s32 s5, $0x0;
	s5 =	sld [smem:$0x3FAD]  }
0x2b: {  	s6 =	sld [smem:$0x3FAE]  }
0x2c: {  	s7 =	sld [smem:$0x3FAF]  }
0x2d: {  	s3 =	simm.s32 $0x108;
	s8 =	sld [smem:$0x3FB0]  }
0x2e: {  	s3 =	simm.s32 @!p0 $0x1082;
	s9 =	sld [smem:$0x3FB1]  }
0x2f: {  	lr =	sadd.s32 s0, s3;
	s0 =	sld [smem:$0x3FA8]  }
0x30: {  	s3 =	sld [smem:$0x3FAB]  }
0x31: {  	[smem:$0x3FB4] =	sst s10  }
0x32: {  	s10 =	sld [smem:$0x3FB2];
	_ =	sdelay $0x3  }
0x33: {  	p0 =	seq.s32 s10, $0x1;
	s10 =	sld [smem:$0x3FB4];
	_ =	sdelay $0x3  }
0x34: {  	[smem:$0x3FB4] =	sst s10  }
0x35: {  	s10 =	sld [smem:$0x3FB3];
	_ =	sdelay $0x3  }
0x36: {  	p1 =	seq.s32 s10, $0x1;
	s10 =	sld [smem:$0x3FB4];
	_ =	sdelay $0x3  }
0x37: {  	[smem:$0x3FB4] =	sst s10  }
0x38: {  	s10 =	sld [smem:$0x3FB5]  }
0x39: {  	_ = 	snop;
	(pc) =	sbr.ind lr, $3  }
0x3a: {  	_ = 	snop  }
0x3b: {  	_ = 	snop  }
0x3c: {  	p2 =	seq.s32 s10, $0x1;
	s10 =	sld [smem:$0x3FB4]  }
0x3d: {  	_ =	shalt  }
0x3e: {  	_ =	shalt  }
0x3f: {  	_ =	shalt  }
0x40: {  	_ =	shalt  }
0x41: {  	_ =	shalt  }
0x42: {  	_ =	shalt  }
0x43: {  	_ =	shalt  }
0x44: {  	_ =	shalt  }
0x45: {  	_ =	shalt  }
0x46: {  	_ =	shalt  }
0x47: {  	_ =	shalt  }
0x48: {  	_ =	shalt  }
0x49: {  	_ =	shalt  }
0x4a: {  	_ =	shalt  }
0x4b: {  	_ =	shalt  }
0x4c: {  	_ =	shalt  }
0x4d: {  	_ =	shalt  }
0x4e: {  	_ =	shalt  }
0x4f: {  	_ =	shalt  }
0x50: {  	_ =	shalt  }
0x51: {  	_ =	shalt  }
0x52: {  	_ =	shalt  }
0x53: {  	_ =	shalt  }
0x54: {  	_ =	shalt  }
0x55: {  	_ =	shalt  }
0x56: {  	_ =	shalt  }
0x57: {  	_ =	shalt  }
0x58: {  	_ =	shalt  }
0x59: {  	_ =	shalt  }
0x5a: {  	_ =	shalt  }
0x5b: {  	_ =	shalt  }
0x5c: {  	_ =	shalt  }
0x5d: {  	_ =	shalt  }
0x5e: {  	_ =	shalt  }
0x5f: {  	_ =	shalt  }
0x60: {  	_ =	shalt  }
0x61: {  	_ =	shalt  }
0x62: {  	_ =	shalt  }
0x63: {  	_ =	shalt  }
0x64: {  	_ =	shalt  }
0x65: {  	_ =	shalt  }
0x66: {  	_ =	shalt  }
0x67: {  	_ =	shalt  }
0x68: {  	_ =	shalt  }
0x69: {  	_ =	shalt  }
0x6a: {  	_ =	shalt  }
0x6b: {  	_ =	shalt  }
0x6c: {  	_ =	shalt  }
0x6d: {  	_ =	shalt  }
0x6e: {  	_ =	shalt  }
0x6f: {  	_ =	shalt  }
0x70: {  	_ =	shalt  }
0x71: {  	_ =	shalt  }
0x72: {  	_ =	shalt  }
0x73: {  	_ =	shalt  }
0x74: {  	_ =	shalt  }
0x75: {  	_ =	shalt  }
0x76: {  	_ =	shalt  }
0x77: {  	_ =	shalt  }
0x78: {  	_ =	shalt  }
0x79: {  	_ =	shalt  }
0x7a: {  	_ =	shalt  }
0x7b: {  	_ =	shalt  }
0x7c: {  	_ =	shalt  }
0x7d: {  	_ =	shalt  }
0x7e: {  	_ =	shalt  }
0x7f: {  	_ =	shalt  }
0x80: {  	_ =	shalt  }
0x81: {  	_ =	shalt  }
0x82: {  	_ =	shalt  }
0x83: {  	_ =	shalt  }
0x84: {  	_ =	shalt  }
0x85: {  	_ =	shalt  }
0x86: {  	_ =	shalt  }
0x87: {  	_ =	shalt  }
.Lfunc_end0:
.L_simem_size_0:
called_computation.4_lowered:
.L_overlay_start_0:
0x88: {  	s2 =	sld [smem:$0x3FD9]  }
0x89: {  	s3 =	sld [smem:$0x3FFE];
	_ =	sdelay $0x1  }
0x8a: {  	s1 =	srdreg.scid  }
0x8b: {  	s0 =	sand.u32 $0x1, s1  }
0x8c: {  	s17 =	sshll.u32 s0, $0xA;
	s2 =	sadd.s32 s3, s2  }
0x8d: {  	s2 =	sadd.s32 s2, s17  }
0x8e: {  	[smem:$0x3FC0] =	sst s2  }
0x8f: {  	_ = 	snop  }
0x90: {  	s2 =	sld [smem:$0x3FD0];
	(tm) =	ssettm $0x1  }
0x91: {  	s18 =	sld [smem:$0x3FFB];
	_ =	sdelay $0x3  }
0x92: {  	_ =	strace s18  }
0x93: {  	s3 =	sld [smem:$0x3FFC];
	_ =	sdelay $0x3  }
0x94: {  	_ =	strace s3  }
0x95: {  	s3 =	sld [smem:$0x3FFD];
	_ =	sdelay $0x3  }
0x96: {  	_ =	strace s3  }
0x97: {  	_ =	strace $0x8FFFFFFF  }
0x98: {  	s19 =	sld [smem:$0x3FDB];
	_ =	sdelay $0x1  }
0x99: {  	s4 =	simm.s32 $_scs_section_size  }
0x9a: {  	s5 =	simm.s32 $_size__tile_overlayer_lowered;
	s6 =	simm.s32 $_tile_overlayer_lowered  }
0x9b: {  	s22 =	simm.s32 $0x1BFF;
	s21 =	sshll.u32 s6, $0x1;
	s3 =	sadd.s32 s4, s19  }
0x9c: {  	s7 =	simm.s32 $0x0;
	s20 =	sshll.u32 s5, $0x1;
	s5 =	sadd.s32 s21, s3  }
0x9d: {  	[timem:s7], [sflag:s22] =	dma.local [hbm:s5], s20  }
0x9e: {  	_ =	swait.ge [sflag:s22], s20  }
0x9f: {  	s4 =	ssub.s32 $0x0, s20;
	[sflag:s22] =	ssyncset.done $0x0  }
0xa0: {  	[sflag:s22] =	ssyncadd.s32 s4;
	_ =	sdelay $0x1  }
0xa1: {  	s23 =	simm.s32 $0x1B8B  }
0xa2: {  	_ =	swait.ge [sflag:s23], $0x1  }
0xa3: {  	[sflag:s23] =	ssyncset.done $0x0  }
0xa4: {  	s25 =	simm.s32 $0x1B8E;
	s24 =	sld [smem:$0x3FFE];
	[sflag:s23] =	ssyncadd.s32 $0xFFFFFFFF  }
0xa5: {  	s26 =	simm.s32 $execute0_lowered;
	[smem:$0x3FD2] =	sst s25  }
0xa6: {  	s5 =	sshll.u32 s26, $0x1;
	_ =	strace $0x80000052;
	[dreg:$0x1] =	wrdreg $0xFFFFFFFF  }
0xa7: {  	s28 =	simm.s32 $_size_execute0_lowered;
	s3 =	sadd.s32 s3, s5;
	[dreg:$0x0] =	wrdreg $0x0  }
0xa8: {  	s5 =	sshll.u32 s28, $0x1;
	[dreg:$0x2] =	wrdreg s3  }
0xa9: {  	[dreg:$0x3] =	wrdreg s5  }
0xaa: {  	[dreg:$0x4] =	wrdreg $0xC0  }
0xab: {  	_ =	task [dreg:s7], $0x5FFFF  }
0xac: {  	[dreg:$0x1] =	wrdreg $0xFFFFFFFF  }
0xad: {  	[dreg:$0x0] =	wrdreg $0x60  }
0xae: {  	[dreg:$0x2] =	wrdreg s24  }
0xaf: {  	[dreg:$0x3] =	wrdreg s2  }
0xb0: {  	[dreg:$0x4] =	wrdreg $0x9  }
0xb1: {  	_ =	task.clear_ibuf [dreg:s7], $0x5FFFF;
	_ =	strace $0x90000052  }
0xb2: {  	s29 =	simm.s32 $0x9;
	_ =	strace $0x80000054  }
0xb3: {  	_ =	swait.ge [sflag:s29], $0x1  }
0xb4: {  	[sflag:s29] =	ssyncadd.s32 $0xFFFFFFFF  }
0xb5: {  	_ =	strace $0x90000054  }
0xb6: {  	_ =	sfence  }
0xb7: {  	s30 =	sld [smem:$0x0];
	_ =	sdelay $0x2  }
0xb8: {  	s31 =	sshll.u32 s1, $0xD;
	s1 =	sshrl.u32 s1, $0x2  }
0xb9: {  	s3 =	sand.u32 $0x4000, s31;
	s1 =	sadd.s32 s1, s30  }
0xba: {  	s0 =	sor.u32 s3, s0;
	s1 =	sshll.u32 s1, $0x11  }
0xbb: {  	s0 =	sor.u32 s1, s0  }
0xbc: {  	s0 =	sadd.s32 $0x8F2B, s0  }
0xbd: {  	[sflag:s0] =	ssyncadd.remote.s32 $0x1  }
0xbe: {  	_ =	sfence.sel $0xFFFF  }
0xbf: {  	[dreg:$0x0] =	wrdreg $0xFFFFFFFF;
	(pc) =	sbr.abs _section_cstart, $3  }
0xc0: {  	[dreg:$0x1] =	wrdreg $0xFFFFFFFF  }
0xc1: {  	_ =	task.clear_ibuf [dreg:s7], $0x2FFFF;
	_ =	strace $0x9FFFFFFF  }
0xc2: {  	(tm) =	ssettm $0x7FFFFFFF  }
0xc3: {  	_ =	shalt  }
tec
execute0_lowered:
.L_overlay_start_1:
0x0: {  	(tag) =	ssettag $0x1  }
0x1: {  	s0 =	srdreg.scid;
	s4 =	rddreg [dreg:$0x0]  }
0x2: {  	s2 =	rddreg [dreg:$0x1];
	s1 =	stileid.u32  }
0x3: {  	s3 =	simm.s32 $0x0;
	s9 =	simm.s32 $0x80;
	s10 =	simm.s32 $0x880  }
0x4: {  	s11 =	simm.s32 $0x1080;
	s12 =	simm.s32 $0x1880;
	s13 =	simm.s32 $0x2080  }
0x5: {  	s14 =	simm.s32 $0x2880;
	s15 =	simm.s32 $0x3080;
	s16 =	simm.s32 $0x3880  }
0x6: {  	s17 =	simm.s32 $0x4080;
	s18 =	simm.s32 $0x4880;
	s24 =	simm.s32 $0x6880  }
0x7: {  	s19 =	simm.s32 $0x5080;
	s25 =	simm.s32 $0x7080;
	s20 =	simm.s32 $0x5880  }
0x8: {  	s26 =	simm.s32 $0x7880;
	s21 =	simm.s32 $0x1;
	s28 =	simm.s32 $0xA080  }
0x9: {  	s29 =	simm.s32 $0xA880;
	s30 =	simm.s32 $0xB080;
	[smem:$0x7FF] =	sst s3  }
0xa: {  	s0 =	sand.u32 $0x1, s0;
	_ =	strace $0x80000053;
	[dreg:$0x7] =	wrdreg s24  }
0xb: {  	s31 =	simm.s32 $0xB880;
	s5 =	sshll.u32 s0, $0x4;
	[dreg:$0x8] =	wrdreg s25  }
0xc: {  	s0 =	ssub.s32 $0x2, s0;
	[dreg:$0x9] =	wrdreg s26;
	s5 =	sor.u32 s1, s5  }
0xd: {  	s24 =	simm.s32 $0x8880;
	s25 =	simm.s32 $0x9080;
	s6 =	smul.u32 $0x9, s5  }
0xe: {  	s26 =	simm.s32 $0x9880;
	s8 =	sshrl.u32 s0, $0x1;
	s7 =	smul.u32 $0x12000, s5  }
0xf: {  	s5 =	smul.u32 $0x2400, s5;
	s0 =	ssub.s32 s0, s8;
	s6 =	sadd.s32 s6, s4  }
0x10: {  	s8 =	simm.s32 $0x3;
	s4 =	sadd.s32 $0x4800, s4;
	s6 =	sadd.s32 $0x8CC00, s6  }
0x11: {  	s7 =	sshrl.u32 s7, $0x3;
	s5 =	sadd.s32 s4, s5;
	[dreg:$0x3] =	wrdreg s6  }
0x12: {  	s22 =	sadd.s32 s4, s7;
	s4 =	sadd.s32 $0x100, s2;
	[dreg:$0x4] =	wrdreg s5  }
0x13: {  	v2 =	vlaneseq.u32;
	s7 =	sadd.s32 $0xC00, s22;
	s5 =	sadd.s32 $0x200, s2;
	s23 =	sadd.s32 $0x1800, s22  }
0x14: {  	vm0 =	vmmov $0xffff;
	v1 =	vshrl.u32 v2, $0x3;
	s6 =	sadd.s32 $0x300, s2;
	s22 =	simm.s32 $0x6080;
	[dreg:$0x5] =	wrdreg s7  }
0x15: {  	v0 =	vand.u32 $0x7, v2;
	v2 =	vor.u32 $0x8, v2;
	v1 =	vmul.u32 $0x8, v1;
	[dreg:$0x6] =	wrdreg s23;
	s7 =	smax.u32 s0, $0x1;
	s0 =	simm.s32 $0x2  }
.LBB2_1:
0x16: {  	s1 =	rddreg [dreg:$0x3]  }
0x17: {  	[tilespmem:s3], [sflag:$0x3] =	stream.linear.gather [hbm4b:s1+s3], $0x48, $0x38;
	[tilespmem:$0xC080] =	vst v63  }
0x18: {  	_ =	swait.ge [sflag:s8], $0x48  }
0x19: {  	[sflag:s8] =	ssyncset.done $0x0  }
0x1a: {  	[sflag:s8] =	ssyncadd.s32 $0xFFFFFFB8  }
0x1b: {  	v3 =	vld [tilespmem:$0x0];
	_ =	sdelay $0x4  }
0x1c: {  	v4 =	vshll.u32 v3, $0x3  }
0x1d: {  	v3 =	vand.u32 $0x7, v3;
	v4 =	vand.u32 $0xFFFFFFC0, v4  }
0x1e: {  	v3 =	vor.u32 v3, v4  }
0x1f: {  	v4 =	vperm.xlane v3, v0;
	_ =	sdelay $0x1  }
0x20: {  	v4 =	vadd.s32 v1, v4;
	_ =	sdelay $0x4  }
0x21: {  	[tilespmem:s9], [sflag:$0x1] =	stream.indirect_vreg.gather [hbm4b:s2+s3], $0x80, v4, vm0, $0xb8;
	[tilespmem:$0xC080] =	vst v63  }
0x22: {  	v3 =	vperm.xlane v3, v2  }
0x23: {  	[tilespmem:s10], [sflag:$0x1] =	stream.indirect_vreg.gather [hbm4b:s4+s3], $0x80, v4, vm0, $0xb8;
	[tilespmem:$0xC080] =	vst v63  }
0x24: {  	v3 =	vadd.s32 v1, v3  }
0x25: {  	[tilespmem:s11], [sflag:$0x1] =	stream.indirect_vreg.gather [hbm4b:s5+s3], $0x80, v4, vm0, $0xb8;
	[tilespmem:$0xC080] =	vst v63  }
0x26: {  	_ = 	snop  }
0x27: {  	[tilespmem:s12], [sflag:$0x1] =	stream.indirect_vreg.gather [hbm4b:s6+s3], $0x80, v4, vm0, $0xb8;
	[tilespmem:$0xC080] =	vst v63  }
0x28: {  	_ = 	snop  }
0x29: {  	[tilespmem:s13], [sflag:$0x1] =	stream.indirect_vreg.gather [hbm4b:s2+s3], $0x80, v3, vm0, $0xb8;
	[tilespmem:$0xC080] =	vst v63  }
0x2a: {  	_ = 	snop  }
0x2b: {  	[tilespmem:s14], [sflag:$0x1] =	stream.indirect_vreg.gather [hbm4b:s4+s3], $0x80, v3, vm0, $0xb8;
	[tilespmem:$0xC080] =	vst v63  }
0x2c: {  	_ = 	snop  }
0x2d: {  	[tilespmem:s15], [sflag:$0x1] =	stream.indirect_vreg.gather [hbm4b:s5+s3], $0x80, v3, vm0, $0xb8;
	[tilespmem:$0xC080] =	vst v63  }
0x2e: {  	_ = 	snop  }
0x2f: {  	[tilespmem:s16], [sflag:$0x1] =	stream.indirect_vreg.gather [hbm4b:s6+s3], $0x80, v3, vm0, $0xb8;
	[tilespmem:$0xC080] =	vst v63  }
0x30: {  	v3 =	vld.msk [tilespmem:$0x10], $0xff;
	_ =	sdelay $0x4  }
0x31: {  	v59 =	vshll.u32 v3, $0x3  }
0x32: {  	v3 =	vand.u32 $0x7, v3;
	v4 =	vand.u32 $0xFFFFFFC0, v59  }
0x33: {  	v3 =	vor.u32 v3, v4  }
0x34: {  	v3 =	vperm.xlane v3, v0;
	_ =	sdelay $0x1  }
0x35: {  	v3 =	vadd.s32 v1, v3;
	_ =	sdelay $0x4  }
0x36: {  	[tilespmem:s17], [sflag:$0x1] =	stream.indirect_vreg.gather [hbm4b:s2+s3], $0x80, v3, vm0, $0xb8;
	[tilespmem:$0xC080] =	vst v63  }
0x37: {  	_ = 	snop  }
0x38: {  	[tilespmem:s18], [sflag:$0x1] =	stream.indirect_vreg.gather [hbm4b:s4+s3], $0x80, v3, vm0, $0xb8;
	[tilespmem:$0xC080] =	vst v63  }
0x39: {  	_ = 	snop  }
0x3a: {  	[tilespmem:s19], [sflag:$0x1] =	stream.indirect_vreg.gather [hbm4b:s5+s3], $0x80, v3, vm0, $0xb8;
	[tilespmem:$0xC080] =	vst v63  }
0x3b: {  	_ = 	snop  }
0x3c: {  	[tilespmem:s20], [sflag:$0x1] =	stream.indirect_vreg.gather [hbm4b:s6+s3], $0x80, v3, vm0, $0xb8;
	[tilespmem:$0xC080] =	vst v63  }
0x3d: {  	_ =	swait.ge [sflag:s21], $0x6000  }
0x3e: {  	[sflag:s21] =	ssyncset.done $0x0  }
0x3f: {  	[sflag:s21] =	ssyncadd.s32 $0xFFFFA000  }
0x40: {  	v3 =	vld [tilespmem:$0x18];
	_ =	sdelay $0x4  }
0x41: {  	v60 =	vshll.u32 v3, $0x3  }
0x42: {  	v3 =	vand.u32 $0x7, v3;
	v4 =	vand.u32 $0xFFFFFFC0, v60  }
0x43: {  	v3 =	vor.u32 v3, v4  }
0x44: {  	v4 =	vperm.xlane v3, v0;
	_ =	sdelay $0x1  }
0x45: {  	v4 =	vadd.s32 v1, v4;
	_ =	sdelay $0x4  }
0x46: {  	[tilespmem:s22], [sflag:$0x2] =	stream.indirect_vreg.gather [hbm4b:s2+s3], $0x80, v4, vm0, $0xb8;
	[tilespmem:$0xC080] =	vst v63  }
0x47: {  	s1 =	rddreg [dreg:$0x7];
	v3 =	vperm.xlane v3, v2  }
0x48: {  	[tilespmem:s1], [sflag:$0x2] =	stream.indirect_vreg.gather [hbm4b:s4+s3], $0x80, v4, vm0, $0xb8;
	[tilespmem:$0xC080] =	vst v63  }
0x49: {  	s23 =	rddreg [dreg:$0x8];
	v3 =	vadd.s32 v1, v3  }
0x4a: {  	[tilespmem:s23], [sflag:$0x2] =	stream.indirect_vreg.gather [hbm4b:s5+s3], $0x80, v4, vm0, $0xb8;
	[tilespmem:$0xC080] =	vst v63  }
0x4b: {  	s1 =	rddreg [dreg:$0x9]  }
0x4c: {  	[tilespmem:s1], [sflag:$0x2] =	stream.indirect_vreg.gather [hbm4b:s6+s3], $0x80, v4, vm0, $0xb8;
	[tilespmem:$0xC080] =	vst v63  }
0x4d: {  	s23 =	simm.s32 $0x8080  }
0x4e: {  	[tilespmem:s23], [sflag:$0x2] =	stream.indirect_vreg.gather [hbm4b:s2+s3], $0x80, v3, vm0, $0xb8;
	[tilespmem:$0xC080] =	vst v63  }
0x4f: {  	_ = 	snop  }
0x50: {  	[tilespmem:s24], [sflag:$0x2] =	stream.indirect_vreg.gather [hbm4b:s4+s3], $0x80, v3, vm0, $0xb8;
	[tilespmem:$0xC080] =	vst v63  }
0x51: {  	_ = 	snop  }
0x52: {  	[tilespmem:s25], [sflag:$0x2] =	stream.indirect_vreg.gather [hbm4b:s5+s3], $0x80, v3, vm0, $0xb8;
	[tilespmem:$0xC080] =	vst v63  }
0x53: {  	_ = 	snop  }
0x54: {  	[tilespmem:s26], [sflag:$0x2] =	stream.indirect_vreg.gather [hbm4b:s6+s3], $0x80, v3, vm0, $0xb8;
	[tilespmem:$0xC080] =	vst v63  }
0x55: {  	v3 =	vld.msk [tilespmem:$0x28], $0xff;
	_ =	sdelay $0x4  }
0x56: {  	v61 =	vshll.u32 v3, $0x3  }
0x57: {  	v3 =	vand.u32 $0x7, v3;
	v4 =	vand.u32 $0xFFFFFFC0, v61  }
0x58: {  	v3 =	vor.u32 v3, v4  }
0x59: {  	v3 =	vperm.xlane v3, v0;
	_ =	sdelay $0x1  }
0x5a: {  	v3 =	vadd.s32 v1, v3;
	_ =	sdelay $0x4  }
0x5b: {  	[tilespmem:s28], [sflag:$0x2] =	stream.indirect_vreg.gather [hbm4b:s2+s3], $0x80, v3, vm0, $0xb8;
	[tilespmem:$0xC080] =	vst v63  }
0x5c: {  	_ = 	snop  }
0x5d: {  	[tilespmem:s29], [sflag:$0x2] =	stream.indirect_vreg.gather [hbm4b:s4+s3], $0x80, v3, vm0, $0xb8;
	[tilespmem:$0xC080] =	vst v63  }
0x5e: {  	_ = 	snop  }
0x5f: {  	[tilespmem:s30], [sflag:$0x2] =	stream.indirect_vreg.gather [hbm4b:s5+s3], $0x80, v3, vm0, $0xb8;
	[tilespmem:$0xC080] =	vst v63  }
0x60: {  	_ = 	snop  }
0x61: {  	[tilespmem:s31], [sflag:$0x2] =	stream.indirect_vreg.gather [hbm4b:s6+s3], $0x80, v3, vm0, $0xb8;
	[tilespmem:$0xC080] =	vst v63  }
0x62: {  	s23 =	rddreg [dreg:$0x4]  }
0x63: {  	[hbm4b:s23+s3] =	stream.linear.scatter [tilespmem:s9], [sflag:$0x3], $0x6000, $0x38;
	[tilespmem:$0xC080] =	vst v63  }
0x64: {  	_ =	swait.ge [sflag:s8], $0x6000  }
0x65: {  	[sflag:s8] =	ssyncset.done $0x0  }
0x66: {  	[sflag:s8] =	ssyncadd.s32 $0xFFFFA000  }
0x67: {  	_ =	swait.ge [sflag:s0], $0x6000  }
0x68: {  	[sflag:s0] =	ssyncset.done $0x0  }
0x69: {  	[sflag:s0] =	ssyncadd.s32 $0xFFFFA000  }
0x6a: {  	v3 =	vld [tilespmem:$0x30];
	_ =	sdelay $0x4  }
0x6b: {  	v62 =	vshll.u32 v3, $0x3  }
0x6c: {  	v3 =	vand.u32 $0x7, v3;
	v4 =	vand.u32 $0xFFFFFFC0, v62  }
0x6d: {  	v3 =	vor.u32 v3, v4  }
0x6e: {  	v4 =	vperm.xlane v3, v0;
	_ =	sdelay $0x1  }
0x6f: {  	v4 =	vadd.s32 v1, v4;
	_ =	sdelay $0x4  }
0x70: {  	[tilespmem:s9], [sflag:$0x1] =	stream.indirect_vreg.gather [hbm4b:s2+s3], $0x80, v4, vm0, $0xb8;
	[tilespmem:$0xC080] =	vst v63  }
0x71: {  	v3 =	vperm.xlane v3, v2  }
0x72: {  	[tilespmem:s10], [sflag:$0x1] =	stream.indirect_vreg.gather [hbm4b:s4+s3], $0x80, v4, vm0, $0xb8;
	[tilespmem:$0xC080] =	vst v63  }
0x73: {  	v3 =	vadd.s32 v1, v3  }
0x74: {  	[tilespmem:s11], [sflag:$0x1] =	stream.indirect_vreg.gather [hbm4b:s5+s3], $0x80, v4, vm0, $0xb8;
	[tilespmem:$0xC080] =	vst v63  }
0x75: {  	_ = 	snop  }
0x76: {  	[tilespmem:s12], [sflag:$0x1] =	stream.indirect_vreg.gather [hbm4b:s6+s3], $0x80, v4, vm0, $0xb8;
	[tilespmem:$0xC080] =	vst v63  }
0x77: {  	_ = 	snop  }
0x78: {  	[tilespmem:s13], [sflag:$0x1] =	stream.indirect_vreg.gather [hbm4b:s2+s3], $0x80, v3, vm0, $0xb8;
	[tilespmem:$0xC080] =	vst v63  }
0x79: {  	_ = 	snop  }
0x7a: {  	[tilespmem:s14], [sflag:$0x1] =	stream.indirect_vreg.gather [hbm4b:s4+s3], $0x80, v3, vm0, $0xb8;
	[tilespmem:$0xC080] =	vst v63  }
0x7b: {  	_ = 	snop  }
0x7c: {  	[tilespmem:s15], [sflag:$0x1] =	stream.indirect_vreg.gather [hbm4b:s5+s3], $0x80, v3, vm0, $0xb8;
	[tilespmem:$0xC080] =	vst v63  }
0x7d: {  	_ = 	snop  }
0x7e: {  	[tilespmem:s16], [sflag:$0x1] =	stream.indirect_vreg.gather [hbm4b:s6+s3], $0x80, v3, vm0, $0xb8;
	[tilespmem:$0xC080] =	vst v63  }
0x7f: {  	v3 =	vld.msk [tilespmem:$0x40], $0xff;
	_ =	sdelay $0x4  }
0x80: {  	v63 =	vshll.u32 v3, $0x3  }
0x81: {  	v3 =	vand.u32 $0x7, v3;
	v4 =	vand.u32 $0xFFFFFFC0, v63  }
0x82: {  	v3 =	vor.u32 v3, v4  }
0x83: {  	v3 =	vperm.xlane v3, v0;
	_ =	sdelay $0x1  }
0x84: {  	v3 =	vadd.s32 v1, v3;
	_ =	sdelay $0x4  }
0x85: {  	[tilespmem:s17], [sflag:$0x1] =	stream.indirect_vreg.gather [hbm4b:s2+s3], $0x80, v3, vm0, $0xb8;
	[tilespmem:$0xC080] =	vst v63  }
0x86: {  	_ = 	snop  }
0x87: {  	[tilespmem:s18], [sflag:$0x1] =	stream.indirect_vreg.gather [hbm4b:s4+s3], $0x80, v3, vm0, $0xb8;
	[tilespmem:$0xC080] =	vst v63  }
0x88: {  	_ = 	snop  }
0x89: {  	[tilespmem:s19], [sflag:$0x1] =	stream.indirect_vreg.gather [hbm4b:s5+s3], $0x80, v3, vm0, $0xb8;
	[tilespmem:$0xC080] =	vst v63  }
0x8a: {  	_ = 	snop  }
0x8b: {  	[tilespmem:s20], [sflag:$0x1] =	stream.indirect_vreg.gather [hbm4b:s6+s3], $0x80, v3, vm0, $0xb8;
	[tilespmem:$0xC080] =	vst v63  }
0x8c: {  	s23 =	rddreg [dreg:$0x5]  }
0x8d: {  	[hbm4b:s23+s3] =	stream.linear.scatter [tilespmem:s22], [sflag:$0x3], $0x6000, $0x38;
	[tilespmem:$0xC080] =	vst v63  }
0x8e: {  	_ =	swait.ge [sflag:s8], $0x6000  }
0x8f: {  	[sflag:s8] =	ssyncset.done $0x0  }
0x90: {  	[sflag:s8] =	ssyncadd.s32 $0xFFFFA000  }
0x91: {  	_ =	swait.ge [sflag:s21], $0x6000  }
0x92: {  	p0 =	sne.s32 s7, $0x1;
	[sflag:s21] =	ssyncset.done $0x0  }
.Ltmp0:
0x93: {  	s23 =	rddreg [dreg:$0x6];
	[sflag:s21] =	ssyncadd.s32 $0xFFFFA000;
	(pc) =	sbr.rel @p0 .LBB2_1-.Ltmp0, $4  }
0x94: {  	[hbm4b:s23+s3] =	stream.linear.scatter [tilespmem:s9], [sflag:$0x3], $0x6000, $0x38;
	[tilespmem:$0xC080] =	vst v63  }
0x95: {  	_ =	swait.ge [sflag:s8], $0x6000  }
0x96: {  	[sflag:s8] =	ssyncset.done $0x0  }
0x97: {  	s7 =	sadd.s32 $0xFFFFFFFF, s7;
	[sflag:s8] =	ssyncadd.s32 $0xFFFFA000  }
0x98: {  	_ =	sfence.sel $0x180000  }
0x99: {  	[bflag:$0x0] =	sbarrier.arrive $0xFFFF  }
0x9a: {  	_ =	strace $0x90000053  }
0x9b: {  	s0 =	stileid.u32;
	[bflag:$0x2] =	sbarrier.arrive $0xFFFF  }
0x9c: {  	p0 =	sne.s32 s0, $0x0;
	s0 =	rddreg [dreg:$0x2]  }
0x9d: {  	s0 =	sadd.s32 @!p0 $0x100000, s0  }
0x9e: {  	[sflag:s0] =	ssyncadd.tile.s32 @!p0 $0x1;
	_ =	shalt  }
.Lfunc_end2:
_tile_overlayer_lowered:
.L_overlay_start_2:
0x9f: {  	(tag) =	ssettag $0x2  }
0xa0: {  	s0 =	rddreg [dreg:$0x0];
	s2 =	stileid.u32  }
0xa1: {  	s1 =	rddreg [dreg:$0x1];
	p0 =	sne.s32 s2, $0x0  }
0xa2: {  	s3 =	rddreg [dreg:$0x2];
	[bflag:$0x3] =	sbarrier.arrive $0xFFFF;
	s2 =	simm.s32 @!p0 $0x1C03  }
0xa3: {  	[timem:s3], [sflag:s2] =	dma.local @!p0 [hbm:s0], s1  }
0xa4: {  	s0 =	simm.s32 @!p0 $0x3  }
0xa5: {  	_ =	swait.ge @!p0 [sflag:s0], s1  }
0xa6: {  	s1 =	ssub.s32 @!p0 $0x0, s1;
	[sflag:s0] =	ssyncset.done @!p0 $0x0  }
0xa7: {  	[sflag:s0] =	ssyncadd.s32 @!p0 s1  }
0xa8: {  	[bflag:$0x3] =	sbarrier.arrive $0xFFFF  }
0xa9: {  	_ =	shalt  }

// kernel: kernel.18.cloned.1.call-start
scs
__scs_entry_jumppad:
0x0: {  	(pc) =	sbr.rel $0x88, $3  }
0x1: {  	(tag) =	ssettag $0x0;
	lr =	simm.s32 $0x1  }
0x2: {  	[smem:$0x3F99] =	sst lr;
	_ =	strace $0xD0000000  }
0x3: {  	_ = 	snop  }
0x4: {  	_ = 	snop  }
0x5: {  	_ = 	snop  }
0x6: {  	_ = 	snop  }
0x7: {  	_ = 	snop  }
__scs_overlays_trampoline_lowered:
0x8: {  	[smem:$0x3FA8] =	sst s0  }
0x9: {  	[smem:$0x3FA9] =	sst s1  }
0xa: {  	[smem:$0x3FAA] =	sst s2  }
0xb: {  	[smem:$0x3FAB] =	sst s3  }
0xc: {  	[smem:$0x3FAC] =	sst s4  }
0xd: {  	[smem:$0x3FAD] =	sst s5  }
0xe: {  	[smem:$0x3FAE] =	sst s6  }
0xf: {  	[smem:$0x3FAF] =	sst s7  }
0x10: {  	[smem:$0x3FB0] =	sst s8  }
0x11: {  	[smem:$0x3FB1] =	sst s9;
	s0 =	simm.s32 @!p0 $0x0  }
0x12: {  	s1 =	sld [smem:$0x3F97];
	s0 =	simm.s32 @p0 $0x1  }
0x13: {  	[smem:$0x3FB2] =	sst s0;
	s0 =	simm.s32 @!p1 $0x0  }
0x14: {  	s2 =	sld [smem:$0x3F96];
	s0 =	simm.s32 @p1 $0x1  }
0x15: {  	[smem:$0x3FB3] =	sst s0;
	s0 =	simm.s32 @!p2 $0x0  }
0x16: {  	s3 =	sld [smem:$0x3FDB];
	s0 =	simm.s32 @p2 $0x1  }
0x17: {  	s4 =	simm.s32 $0x1BF5;
	[smem:$0x3FB5] =	sst s0  }
0x18: {  	s0 =	sld [smem:$0x3F98];
	_ =	swait.ge [sflag:s4], $0x0  }
0x19: {  	s7 =	sld [smem:$0x3F99]  }
0x1a: {  	s8 =	sadd.s32 $0xFFFFE003, lr  }
0x1b: {  	s9 =	sadd.s32 $0xFFFFFEF7, lr;
	s5 =	simm.s32 $0xFFFFFFFF;
	p2 =	slt.u32 s8, $0xFFFFF086  }
0x1c: {  	p1 =	slt.u32 s9, $0xF7A;
	s5 =	simm.s32 @!p2 $0x0  }
0x1d: {  	s5 =	simm.s32 @p1 $0x1;
	p0 =	seq.s32 s7, s2  }
0x1e: {  	s7 =	smul.u32 @!p0 $0xF7A, s2;
	p2 =	seq.s32 @!p0 s5, $0x0  }
0x1f: {  	s9 =	smul.u32 $0xF7A, s1;
	s8 =	simm.s32 @!p0 $0x1BF5;
	p2 =	por !p2, p0  }
0x20: {  	[sflag:s8] =	ssyncset.s32 @!p0 $0xFFFFF086;
	s6 =	sadd.s32 @!p0 s3, s7;
	s7 =	simm.s32 @!p0 $0x108  }
0x21: {  	s3 =	sadd.s32 s3, s9;
	s6 =	sadd.s32 @!p0 $0x88, s6;
	s7 =	simm.s32 @p2 $0x1082  }
0x22: {  	[simem:s7], [sflag:s8] =	dma.local @!p0 [hbm:s6], $0xF7A  }
0x23: {  	s9 =	sor.u32 $0xD0000000, s2;
	s6 =	simm.s32 $0x108;
	_ =	swait.ge @!p0 [sflag:s8], $0x0  }
0x24: {  	s3 =	sadd.s32 $0x88, s3;
	s6 =	simm.s32 @!p1 $0x1082;
	[sflag:s4] =	ssyncset.s32 $0xFFFFF086  }
0x25: {  	[simem:s6], [sflag:s4] =	dma.local [hbm:s3], $0xF7A  }
0x26: {  	[smem:$0x3F99] =	sst s1;
	(tag) =	ssettag s2;
	_ =	strace s9  }
0x27: {  	s1 =	sld [smem:$0x3FA9]  }
0x28: {  	s2 =	sld [smem:$0x3FAA]  }
0x29: {  	s4 =	sld [smem:$0x3FAC]  }
0x2a: {  	p0 =	seq.s32 s5, $0x0;
	s5 =	sld [smem:$0x3FAD]  }
0x2b: {  	s6 =	sld [smem:$0x3FAE]  }
0x2c: {  	s7 =	sld [smem:$0x3FAF]  }
0x2d: {  	s3 =	simm.s32 $0x108;
	s8 =	sld [smem:$0x3FB0]  }
0x2e: {  	s3 =	simm.s32 @!p0 $0x1082;
	s9 =	sld [smem:$0x3FB1]  }
0x2f: {  	lr =	sadd.s32 s0, s3;
	s0 =	sld [smem:$0x3FA8]  }
0x30: {  	s3 =	sld [smem:$0x3FAB]  }
0x31: {  	[smem:$0x3FB4] =	sst s10  }
0x32: {  	s10 =	sld [smem:$0x3FB2];
	_ =	sdelay $0x3  }
0x33: {  	p0 =	seq.s32 s10, $0x1;
	s10 =	sld [smem:$0x3FB4];
	_ =	sdelay $0x3  }
0x34: {  	[smem:$0x3FB4] =	sst s10  }
0x35: {  	s10 =	sld [smem:$0x3FB3];
	_ =	sdelay $0x3  }
0x36: {  	p1 =	seq.s32 s10, $0x1;
	s10 =	sld [smem:$0x3FB4];
	_ =	sdelay $0x3  }
0x37: {  	[smem:$0x3FB4] =	sst s10  }
0x38: {  	s10 =	sld [smem:$0x3FB5]  }
0x39: {  	_ = 	snop;
	(pc) =	sbr.ind lr, $3  }
0x3a: {  	_ = 	snop  }
0x3b: {  	_ = 	snop  }
0x3c: {  	p2 =	seq.s32 s10, $0x1;
	s10 =	sld [smem:$0x3FB4]  }
0x3d: {  	_ =	shalt  }
0x3e: {  	_ =	shalt  }
0x3f: {  	_ =	shalt  }
0x40: {  	_ =	shalt  }
0x41: {  	_ =	shalt  }
0x42: {  	_ =	shalt  }
0x43: {  	_ =	shalt  }
0x44: {  	_ =	shalt  }
0x45: {  	_ =	shalt  }
0x46: {  	_ =	shalt  }
0x47: {  	_ =	shalt  }
0x48: {  	_ =	shalt  }
0x49: {  	_ =	shalt  }
0x4a: {  	_ =	shalt  }
0x4b: {  	_ =	shalt  }
0x4c: {  	_ =	shalt  }
0x4d: {  	_ =	shalt  }
0x4e: {  	_ =	shalt  }
0x4f: {  	_ =	shalt  }
0x50: {  	_ =	shalt  }
0x51: {  	_ =	shalt  }
0x52: {  	_ =	shalt  }
0x53: {  	_ =	shalt  }
0x54: {  	_ =	shalt  }
0x55: {  	_ =	shalt  }
0x56: {  	_ =	shalt  }
0x57: {  	_ =	shalt  }
0x58: {  	_ =	shalt  }
0x59: {  	_ =	shalt  }
0x5a: {  	_ =	shalt  }
0x5b: {  	_ =	shalt  }
0x5c: {  	_ =	shalt  }
0x5d: {  	_ =	shalt  }
0x5e: {  	_ =	shalt  }
0x5f: {  	_ =	shalt  }
0x60: {  	_ =	shalt  }
0x61: {  	_ =	shalt  }
0x62: {  	_ =	shalt  }
0x63: {  	_ =	shalt  }
0x64: {  	_ =	shalt  }
0x65: {  	_ =	shalt  }
0x66: {  	_ =	shalt  }
0x67: {  	_ =	shalt  }
0x68: {  	_ =	shalt  }
0x69: {  	_ =	shalt  }
0x6a: {  	_ =	shalt  }
0x6b: {  	_ =	shalt  }
0x6c: {  	_ =	shalt  }
0x6d: {  	_ =	shalt  }
0x6e: {  	_ =	shalt  }
0x6f: {  	_ =	shalt  }
0x70: {  	_ =	shalt  }
0x71: {  	_ =	shalt  }
0x72: {  	_ =	shalt  }
0x73: {  	_ =	shalt  }
0x74: {  	_ =	shalt  }
0x75: {  	_ =	shalt  }
0x76: {  	_ =	shalt  }
0x77: {  	_ =	shalt  }
0x78: {  	_ =	shalt  }
0x79: {  	_ =	shalt  }
0x7a: {  	_ =	shalt  }
0x7b: {  	_ =	shalt  }
0x7c: {  	_ =	shalt  }
0x7d: {  	_ =	shalt  }
0x7e: {  	_ =	shalt  }
0x7f: {  	_ =	shalt  }
0x80: {  	_ =	shalt  }
0x81: {  	_ =	shalt  }
0x82: {  	_ =	shalt  }
0x83: {  	_ =	shalt  }
0x84: {  	_ =	shalt  }
0x85: {  	_ =	shalt  }
0x86: {  	_ =	shalt  }
0x87: {  	_ =	shalt  }
.Lfunc_end0:
.L_simem_size_0:
called_computation.5_lowered:
.L_overlay_start_0:
0x88: {  	s2 =	sld [smem:$0x3FD9]  }
0x89: {  	s3 =	sld [smem:$0x3FFE];
	_ =	sdelay $0x1  }
0x8a: {  	s1 =	srdreg.scid  }
0x8b: {  	s0 =	sand.u32 $0x1, s1  }
0x8c: {  	s17 =	sshll.u32 s0, $0xA;
	s2 =	sadd.s32 s3, s2  }
0x8d: {  	s2 =	sadd.s32 s2, s17  }
0x8e: {  	[smem:$0x3FC0] =	sst s2  }
0x8f: {  	_ = 	snop  }
0x90: {  	s2 =	sld [smem:$0x3FD0];
	(tm) =	ssettm $0x1  }
0x91: {  	s18 =	sld [smem:$0x3FFB];
	_ =	sdelay $0x3  }
0x92: {  	_ =	strace s18  }
0x93: {  	s3 =	sld [smem:$0x3FFC];
	_ =	sdelay $0x3  }
0x94: {  	_ =	strace s3  }
0x95: {  	s3 =	sld [smem:$0x3FFD];
	_ =	sdelay $0x3  }
0x96: {  	_ =	strace s3  }
0x97: {  	_ =	strace $0x8FFFFFFF  }
0x98: {  	s19 =	sld [smem:$0x3FDB];
	_ =	sdelay $0x1  }
0x99: {  	s4 =	simm.s32 $_scs_section_size  }
0x9a: {  	s5 =	simm.s32 $_size__tile_overlayer_lowered;
	s6 =	simm.s32 $_tile_overlayer_lowered  }
0x9b: {  	s22 =	simm.s32 $0x1BFF;
	s21 =	sshll.u32 s6, $0x1;
	s3 =	sadd.s32 s4, s19  }
0x9c: {  	s7 =	simm.s32 $0x0;
	s20 =	sshll.u32 s5, $0x1;
	s5 =	sadd.s32 s21, s3  }
0x9d: {  	[timem:s7], [sflag:s22] =	dma.local [hbm:s5], s20  }
0x9e: {  	_ =	swait.ge [sflag:s22], s20  }
0x9f: {  	s4 =	ssub.s32 $0x0, s20;
	[sflag:s22] =	ssyncset.done $0x0  }
0xa0: {  	[sflag:s22] =	ssyncadd.s32 s4;
	_ =	sdelay $0x1  }
0xa1: {  	s23 =	simm.s32 $0x1B8B  }
0xa2: {  	_ =	swait.ge [sflag:s23], $0x1  }
0xa3: {  	[sflag:s23] =	ssyncset.done $0x0  }
0xa4: {  	s25 =	simm.s32 $0x1B8E;
	s24 =	sld [smem:$0x3FFE];
	[sflag:s23] =	ssyncadd.s32 $0xFFFFFFFF  }
0xa5: {  	s26 =	simm.s32 $execute0_lowered;
	[smem:$0x3FD2] =	sst s25  }
0xa6: {  	s5 =	sshll.u32 s26, $0x1;
	_ =	strace $0x80000055;
	[dreg:$0x1] =	wrdreg $0xFFFFFFFF  }
0xa7: {  	s28 =	simm.s32 $_size_execute0_lowered;
	s3 =	sadd.s32 s3, s5;
	[dreg:$0x0] =	wrdreg $0x0  }
0xa8: {  	s5 =	sshll.u32 s28, $0x1;
	[dreg:$0x2] =	wrdreg s3  }
0xa9: {  	[dreg:$0x3] =	wrdreg s5  }
0xaa: {  	[dreg:$0x4] =	wrdreg $0xC0  }
0xab: {  	_ =	task [dreg:s7], $0x5FFFF  }
0xac: {  	[dreg:$0x1] =	wrdreg $0xFFFFFFFF  }
0xad: {  	[dreg:$0x0] =	wrdreg $0x60  }
0xae: {  	[dreg:$0x2] =	wrdreg s24  }
0xaf: {  	[dreg:$0x3] =	wrdreg s2  }
0xb0: {  	[dreg:$0x4] =	wrdreg $0x9  }
0xb1: {  	_ =	task.clear_ibuf [dreg:s7], $0x5FFFF;
	_ =	strace $0x90000055  }
0xb2: {  	s29 =	simm.s32 $0x9;
	_ =	strace $0x80000057  }
0xb3: {  	_ =	swait.ge [sflag:s29], $0x1  }
0xb4: {  	[sflag:s29] =	ssyncadd.s32 $0xFFFFFFFF  }
0xb5: {  	_ =	strace $0x90000057  }
0xb6: {  	_ =	sfence  }
0xb7: {  	s30 =	sld [smem:$0x0];
	_ =	sdelay $0x2  }
0xb8: {  	s31 =	sshll.u32 s1, $0xD;
	s1 =	sshrl.u32 s1, $0x2  }
0xb9: {  	s3 =	sand.u32 $0x4000, s31;
	s1 =	sadd.s32 s1, s30  }
0xba: {  	s0 =	sor.u32 s3, s0;
	s1 =	sshll.u32 s1, $0x11  }
0xbb: {  	s0 =	sor.u32 s1, s0  }
0xbc: {  	s0 =	sadd.s32 $0x8F2B, s0  }
0xbd: {  	[sflag:s0] =	ssyncadd.remote.s32 $0x1  }
0xbe: {  	_ =	sfence.sel $0xFFFF  }
0xbf: {  	[dreg:$0x0] =	wrdreg $0xFFFFFFFF;
	(pc) =	sbr.abs _section_cstart, $3  }
0xc0: {  	[dreg:$0x1] =	wrdreg $0xFFFFFFFF  }
0xc1: {  	_ =	task.clear_ibuf [dreg:s7], $0x2FFFF;
	_ =	strace $0x9FFFFFFF  }
0xc2: {  	(tm) =	ssettm $0x7FFFFFFF  }
0xc3: {  	_ =	shalt  }
tec
execute0_lowered:
.L_overlay_start_1:
0x0: {  	(tag) =	ssettag $0x1  }
0x1: {  	s0 =	rddreg [dreg:$0x0]  }
0x2: {  	s1 =	rddreg [dreg:$0x1]  }
0x3: {  	s2 =	srdreg.scid;
	s5 =	stileid.u32  }
0x4: {  	s13 =	simm.s32 $0x3;
	s14 =	simm.s32 $0x2;
	s15 =	simm.s32 $0x1080  }
0x5: {  	s16 =	simm.s32 $0x1880;
	s17 =	simm.s32 $0x2080;
	s18 =	simm.s32 $0x2880  }
0x6: {  	s19 =	simm.s32 $0x3080;
	s20 =	simm.s32 $0x3880;
	s21 =	simm.s32 $0x4880  }
0x7: {  	s22 =	simm.s32 $0x5080;
	s23 =	simm.s32 $0x5880;
	s28 =	simm.s32 $0x7880  }
0x8: {  	s29 =	simm.s32 $0x1;
	s31 =	simm.s32 $0x8080;
	s3 =	sand.u32 $0x1, s2  }
0x9: {  	s2 =	simm.s32 $0x0;
	s5 =	sshll.u32 s5, $0x6;
	s8 =	sadd.s32 $0x8D600, s0  }
0xa: {  	s9 =	sadd.s32 $0x8D700, s0;
	s10 =	sadd.s32 $0x8D800, s0;
	s11 =	sadd.s32 $0x8D900, s0  }
0xb: {  	s4 =	sshll.u32 s3, $0xA;
	[smem:$0x7FF] =	sst s2;
	s6 =	ssub.s32 $0x2, s3  }
0xc: {  	s3 =	sadd.s32 $0x8D200, s0;
	s4 =	sor.u32 s5, s4;
	s7 =	sshrl.u32 s6, $0x1  }
0xd: {  	_ =	strace $0x80000056;
	s5 =	sshrl.u32 s4, $0x3;
	s12 =	ssub.s32 s6, s7  }
0xe: {  	s24 =	sshll.u32 s4, $0x8;
	s4 =	sadd.s32 $0x8D300, s0;
	s6 =	sadd.s32 $0x8D400, s0  }
0xf: {  	s7 =	sadd.s32 $0x8D500, s0;
	s5 =	sadd.s32 s5, s0;
	s25 =	sadd.s32 s1, s24  }
0x10: {  	s12 =	smax.u32 s12, $0x1;
	s5 =	sadd.s32 $0x8D000, s5;
	[dreg:$0x7] =	wrdreg s25  }
0x11: {  	s0 =	simm.s32 $0x80;
	s1 =	sadd.s32 $0x1000, s25;
	[dreg:$0x3] =	wrdreg s5  }
0x12: {  	v2 =	vlaneseq.u32;
	s24 =	simm.s32 $0x6080;
	s26 =	sadd.s32 $0x2000, s25;
	[dreg:$0x4] =	wrdreg s1  }
0x13: {  	vm0 =	vmmov $0xffff;
	v1 =	vshrl.u32 v2, $0x3;
	s30 =	sadd.s32 $0x3000, s25;
	s25 =	simm.s32 $0x6880;
	[dreg:$0x5] =	wrdreg s26  }
0x14: {  	v0 =	vand.u32 $0x7, v2;
	v2 =	vor.u32 $0x8, v2;
	v1 =	vmul.u32 $0x8, v1;
	[dreg:$0x6] =	wrdreg s30;
	s5 =	simm.s32 $0x4080;
	s26 =	simm.s32 $0x7080  }
.LBB2_1:
0x15: {  	s30 =	rddreg [dreg:$0x3]  }
0x16: {  	[tilespmem:s2], [sflag:$0x3] =	stream.linear.gather [hbm4b:s30+s2], $0x40, $0x38;
	[tilespmem:$0x10080] =	vst v63  }
0x17: {  	_ =	swait.ge [sflag:s13], $0x40  }
0x18: {  	[sflag:s13] =	ssyncset.done $0x0  }
0x19: {  	[sflag:s13] =	ssyncadd.s32 $0xFFFFFFC0  }
0x1a: {  	v3 =	vld [tilespmem:$0x0];
	_ =	sdelay $0x4  }
0x1b: {  	v4 =	vshll.u32 v3, $0x4  }
0x1c: {  	v3 =	vand.u32 $0x7, v3;
	v4 =	vand.u32 $0xFFFFFF80, v4  }
0x1d: {  	v3 =	vor.u32 v3, v4  }
0x1e: {  	v4 =	vperm.xlane v3, v0;
	_ =	sdelay $0x1  }
0x1f: {  	v4 =	vadd.s32 v1, v4;
	_ =	sdelay $0x4  }
0x20: {  	[tilespmem:s0], [sflag:$0x1] =	stream.indirect_vreg.gather [hbm4b:s3+s2], $0x80, v4, vm0, $0xb8;
	[tilespmem:$0x10080] =	vst v63  }
0x21: {  	s1 =	simm.s32 $0x880  }
0x22: {  	[tilespmem:s1], [sflag:$0x1] =	stream.indirect_vreg.gather [hbm4b:s4+s2], $0x80, v4, vm0, $0xb8;
	[tilespmem:$0x10080] =	vst v63  }
0x23: {  	_ = 	snop  }
0x24: {  	[tilespmem:s15], [sflag:$0x1] =	stream.indirect_vreg.gather [hbm4b:s6+s2], $0x80, v4, vm0, $0xb8;
	[tilespmem:$0x10080] =	vst v63  }
0x25: {  	_ = 	snop  }
0x26: {  	[tilespmem:s16], [sflag:$0x1] =	stream.indirect_vreg.gather [hbm4b:s7+s2], $0x80, v4, vm0, $0xb8;
	[tilespmem:$0x10080] =	vst v63  }
0x27: {  	_ = 	snop  }
0x28: {  	[tilespmem:s17], [sflag:$0x1] =	stream.indirect_vreg.gather [hbm4b:s8+s2], $0x80, v4, vm0, $0xb8;
	[tilespmem:$0x10080] =	vst v63  }
0x29: {  	v3 =	vperm.xlane v3, v2  }
0x2a: {  	[tilespmem:s18], [sflag:$0x1] =	stream.indirect_vreg.gather [hbm4b:s9+s2], $0x80, v4, vm0, $0xb8;
	[tilespmem:$0x10080] =	vst v63  }
0x2b: {  	v3 =	vadd.s32 v1, v3  }
0x2c: {  	[tilespmem:s19], [sflag:$0x1] =	stream.indirect_vreg.gather [hbm4b:s10+s2], $0x80, v4, vm0, $0xb8;
	[tilespmem:$0x10080] =	vst v63  }
0x2d: {  	_ = 	snop  }
0x2e: {  	[tilespmem:s20], [sflag:$0x1] =	stream.indirect_vreg.gather [hbm4b:s11+s2], $0x80, v4, vm0, $0xb8;
	[tilespmem:$0x10080] =	vst v63  }
0x2f: {  	_ = 	snop  }
0x30: {  	[tilespmem:s5], [sflag:$0x1] =	stream.indirect_vreg.gather [hbm4b:s3+s2], $0x80, v3, vm0, $0xb8;
	[tilespmem:$0x10080] =	vst v63  }
0x31: {  	_ = 	snop  }
0x32: {  	[tilespmem:s21], [sflag:$0x1] =	stream.indirect_vreg.gather [hbm4b:s4+s2], $0x80, v3, vm0, $0xb8;
	[tilespmem:$0x10080] =	vst v63  }
0x33: {  	_ = 	snop  }
0x34: {  	[tilespmem:s22], [sflag:$0x1] =	stream.indirect_vreg.gather [hbm4b:s6+s2], $0x80, v3, vm0, $0xb8;
	[tilespmem:$0x10080] =	vst v63  }
0x35: {  	_ = 	snop  }
0x36: {  	[tilespmem:s23], [sflag:$0x1] =	stream.indirect_vreg.gather [hbm4b:s7+s2], $0x80, v3, vm0, $0xb8;
	[tilespmem:$0x10080] =	vst v63  }
0x37: {  	_ = 	snop  }
0x38: {  	[tilespmem:s24], [sflag:$0x1] =	stream.indirect_vreg.gather [hbm4b:s8+s2], $0x80, v3, vm0, $0xb8;
	[tilespmem:$0x10080] =	vst v63  }
0x39: {  	_ = 	snop  }
0x3a: {  	[tilespmem:s25], [sflag:$0x1] =	stream.indirect_vreg.gather [hbm4b:s9+s2], $0x80, v3, vm0, $0xb8;
	[tilespmem:$0x10080] =	vst v63  }
0x3b: {  	_ = 	snop  }
0x3c: {  	[tilespmem:s26], [sflag:$0x1] =	stream.indirect_vreg.gather [hbm4b:s10+s2], $0x80, v3, vm0, $0xb8;
	[tilespmem:$0x10080] =	vst v63  }
0x3d: {  	_ = 	snop  }
0x3e: {  	[tilespmem:s28], [sflag:$0x1] =	stream.indirect_vreg.gather [hbm4b:s11+s2], $0x80, v3, vm0, $0xb8;
	[tilespmem:$0x10080] =	vst v63  }
0x3f: {  	_ =	swait.ge [sflag:s29], $0x8000  }
0x40: {  	[sflag:s29] =	ssyncset.done $0x0  }
0x41: {  	[sflag:s29] =	ssyncadd.s32 $0xFFFF8000  }
0x42: {  	v3 =	vld [tilespmem:$0x10];
	_ =	sdelay $0x4  }
0x43: {  	v61 =	vshll.u32 v3, $0x4  }
0x44: {  	v3 =	vand.u32 $0x7, v3;
	v4 =	vand.u32 $0xFFFFFF80, v61  }
0x45: {  	v3 =	vor.u32 v3, v4  }
0x46: {  	v4 =	vperm.xlane v3, v0;
	_ =	sdelay $0x1  }
0x47: {  	v4 =	vadd.s32 v1, v4;
	_ =	sdelay $0x4  }
0x48: {  	[tilespmem:s31], [sflag:$0x2] =	stream.indirect_vreg.gather [hbm4b:s3+s2], $0x80, v4, vm0, $0xb8;
	[tilespmem:$0x10080] =	vst v63  }
0x49: {  	s30 =	simm.s32 $0x8880  }
0x4a: {  	[tilespmem:s30], [sflag:$0x2] =	stream.indirect_vreg.gather [hbm4b:s4+s2], $0x80, v4, vm0, $0xb8;
	[tilespmem:$0x10080] =	vst v63  }
0x4b: {  	s30 =	simm.s32 $0x9080  }
0x4c: {  	[tilespmem:s30], [sflag:$0x2] =	stream.indirect_vreg.gather [hbm4b:s6+s2], $0x80, v4, vm0, $0xb8;
	[tilespmem:$0x10080] =	vst v63  }
0x4d: {  	s30 =	simm.s32 $0x9880  }
0x4e: {  	[tilespmem:s30], [sflag:$0x2] =	stream.indirect_vreg.gather [hbm4b:s7+s2], $0x80, v4, vm0, $0xb8;
	[tilespmem:$0x10080] =	vst v63  }
0x4f: {  	s30 =	simm.s32 $0xA080  }
0x50: {  	[tilespmem:s30], [sflag:$0x2] =	stream.indirect_vreg.gather [hbm4b:s8+s2], $0x80, v4, vm0, $0xb8;
	[tilespmem:$0x10080] =	vst v63  }
0x51: {  	v3 =	vperm.xlane v3, v2;
	s30 =	simm.s32 $0xA880  }
0x52: {  	[tilespmem:s30], [sflag:$0x2] =	stream.indirect_vreg.gather [hbm4b:s9+s2], $0x80, v4, vm0, $0xb8;
	[tilespmem:$0x10080] =	vst v63  }
0x53: {  	v3 =	vadd.s32 v1, v3;
	s30 =	simm.s32 $0xB080  }
0x54: {  	[tilespmem:s30], [sflag:$0x2] =	stream.indirect_vreg.gather [hbm4b:s10+s2], $0x80, v4, vm0, $0xb8;
	[tilespmem:$0x10080] =	vst v63  }
0x55: {  	s30 =	simm.s32 $0xB880  }
0x56: {  	[tilespmem:s30], [sflag:$0x2] =	stream.indirect_vreg.gather [hbm4b:s11+s2], $0x80, v4, vm0, $0xb8;
	[tilespmem:$0x10080] =	vst v63  }
0x57: {  	s30 =	simm.s32 $0xC080  }
0x58: {  	[tilespmem:s30], [sflag:$0x2] =	stream.indirect_vreg.gather [hbm4b:s3+s2], $0x80, v3, vm0, $0xb8;
	[tilespmem:$0x10080] =	vst v63  }
0x59: {  	s30 =	simm.s32 $0xC880  }
0x5a: {  	[tilespmem:s30], [sflag:$0x2] =	stream.indirect_vreg.gather [hbm4b:s4+s2], $0x80, v3, vm0, $0xb8;
	[tilespmem:$0x10080] =	vst v63  }
0x5b: {  	s30 =	simm.s32 $0xD080  }
0x5c: {  	[tilespmem:s30], [sflag:$0x2] =	stream.indirect_vreg.gather [hbm4b:s6+s2], $0x80, v3, vm0, $0xb8;
	[tilespmem:$0x10080] =	vst v63  }
0x5d: {  	s30 =	simm.s32 $0xD880  }
0x5e: {  	[tilespmem:s30], [sflag:$0x2] =	stream.indirect_vreg.gather [hbm4b:s7+s2], $0x80, v3, vm0, $0xb8;
	[tilespmem:$0x10080] =	vst v63  }
0x5f: {  	s30 =	simm.s32 $0xE080  }
0x60: {  	[tilespmem:s30], [sflag:$0x2] =	stream.indirect_vreg.gather [hbm4b:s8+s2], $0x80, v3, vm0, $0xb8;
	[tilespmem:$0x10080] =	vst v63  }
0x61: {  	s30 =	simm.s32 $0xE880  }
0x62: {  	[tilespmem:s30], [sflag:$0x2] =	stream.indirect_vreg.gather [hbm4b:s9+s2], $0x80, v3, vm0, $0xb8;
	[tilespmem:$0x10080] =	vst v63  }
0x63: {  	s30 =	simm.s32 $0xF080  }
0x64: {  	[tilespmem:s30], [sflag:$0x2] =	stream.indirect_vreg.gather [hbm4b:s10+s2], $0x80, v3, vm0, $0xb8;
	[tilespmem:$0x10080] =	vst v63  }
0x65: {  	s30 =	simm.s32 $0xF880  }
0x66: {  	[tilespmem:s30], [sflag:$0x2] =	stream.indirect_vreg.gather [hbm4b:s11+s2], $0x80, v3, vm0, $0xb8;
	[tilespmem:$0x10080] =	vst v63  }
0x67: {  	s30 =	rddreg [dreg:$0x7]  }
0x68: {  	[hbm4b:s30+s2] =	stream.linear.scatter [tilespmem:s0], [sflag:$0x3], $0x8000, $0x38;
	[tilespmem:$0x10080] =	vst v63  }
0x69: {  	_ =	swait.ge [sflag:s13], $0x8000  }
0x6a: {  	[sflag:s13] =	ssyncset.done $0x0  }
0x6b: {  	[sflag:s13] =	ssyncadd.s32 $0xFFFF8000  }
0x6c: {  	_ =	swait.ge [sflag:s14], $0x8000  }
0x6d: {  	[sflag:s14] =	ssyncset.done $0x0  }
0x6e: {  	[sflag:s14] =	ssyncadd.s32 $0xFFFF8000  }
0x6f: {  	v3 =	vld [tilespmem:$0x20];
	_ =	sdelay $0x4  }
0x70: {  	v62 =	vshll.u32 v3, $0x4  }
0x71: {  	v3 =	vand.u32 $0x7, v3;
	v4 =	vand.u32 $0xFFFFFF80, v62  }
0x72: {  	v3 =	vor.u32 v3, v4  }
0x73: {  	v4 =	vperm.xlane v3, v0;
	_ =	sdelay $0x1  }
0x74: {  	v4 =	vadd.s32 v1, v4;
	_ =	sdelay $0x4  }
0x75: {  	[tilespmem:s0], [sflag:$0x1] =	stream.indirect_vreg.gather [hbm4b:s3+s2], $0x80, v4, vm0, $0xb8;
	[tilespmem:$0x10080] =	vst v63  }
0x76: {  	_ = 	snop  }
0x77: {  	[tilespmem:s1], [sflag:$0x1] =	stream.indirect_vreg.gather [hbm4b:s4+s2], $0x80, v4, vm0, $0xb8;
	[tilespmem:$0x10080] =	vst v63  }
0x78: {  	_ = 	snop  }
0x79: {  	[tilespmem:s15], [sflag:$0x1] =	stream.indirect_vreg.gather [hbm4b:s6+s2], $0x80, v4, vm0, $0xb8;
	[tilespmem:$0x10080] =	vst v63  }
0x7a: {  	_ = 	snop  }
0x7b: {  	[tilespmem:s16], [sflag:$0x1] =	stream.indirect_vreg.gather [hbm4b:s7+s2], $0x80, v4, vm0, $0xb8;
	[tilespmem:$0x10080] =	vst v63  }
0x7c: {  	_ = 	snop  }
0x7d: {  	[tilespmem:s17], [sflag:$0x1] =	stream.indirect_vreg.gather [hbm4b:s8+s2], $0x80, v4, vm0, $0xb8;
	[tilespmem:$0x10080] =	vst v63  }
0x7e: {  	v3 =	vperm.xlane v3, v2  }
0x7f: {  	[tilespmem:s18], [sflag:$0x1] =	stream.indirect_vreg.gather [hbm4b:s9+s2], $0x80, v4, vm0, $0xb8;
	[tilespmem:$0x10080] =	vst v63  }
0x80: {  	v3 =	vadd.s32 v1, v3  }
0x81: {  	[tilespmem:s19], [sflag:$0x1] =	stream.indirect_vreg.gather [hbm4b:s10+s2], $0x80, v4, vm0, $0xb8;
	[tilespmem:$0x10080] =	vst v63  }
0x82: {  	_ = 	snop  }
0x83: {  	[tilespmem:s20], [sflag:$0x1] =	stream.indirect_vreg.gather [hbm4b:s11+s2], $0x80, v4, vm0, $0xb8;
	[tilespmem:$0x10080] =	vst v63  }
0x84: {  	_ = 	snop  }
0x85: {  	[tilespmem:s5], [sflag:$0x1] =	stream.indirect_vreg.gather [hbm4b:s3+s2], $0x80, v3, vm0, $0xb8;
	[tilespmem:$0x10080] =	vst v63  }
0x86: {  	_ = 	snop  }
0x87: {  	[tilespmem:s21], [sflag:$0x1] =	stream.indirect_vreg.gather [hbm4b:s4+s2], $0x80, v3, vm0, $0xb8;
	[tilespmem:$0x10080] =	vst v63  }
0x88: {  	_ = 	snop  }
0x89: {  	[tilespmem:s22], [sflag:$0x1] =	stream.indirect_vreg.gather [hbm4b:s6+s2], $0x80, v3, vm0, $0xb8;
	[tilespmem:$0x10080] =	vst v63  }
0x8a: {  	_ = 	snop  }
0x8b: {  	[tilespmem:s23], [sflag:$0x1] =	stream.indirect_vreg.gather [hbm4b:s7+s2], $0x80, v3, vm0, $0xb8;
	[tilespmem:$0x10080] =	vst v63  }
0x8c: {  	_ = 	snop  }
0x8d: {  	[tilespmem:s24], [sflag:$0x1] =	stream.indirect_vreg.gather [hbm4b:s8+s2], $0x80, v3, vm0, $0xb8;
	[tilespmem:$0x10080] =	vst v63  }
0x8e: {  	_ = 	snop  }
0x8f: {  	[tilespmem:s25], [sflag:$0x1] =	stream.indirect_vreg.gather [hbm4b:s9+s2], $0x80, v3, vm0, $0xb8;
	[tilespmem:$0x10080] =	vst v63  }
0x90: {  	_ = 	snop  }
0x91: {  	[tilespmem:s26], [sflag:$0x1] =	stream.indirect_vreg.gather [hbm4b:s10+s2], $0x80, v3, vm0, $0xb8;
	[tilespmem:$0x10080] =	vst v63  }
0x92: {  	_ = 	snop  }
0x93: {  	[tilespmem:s28], [sflag:$0x1] =	stream.indirect_vreg.gather [hbm4b:s11+s2], $0x80, v3, vm0, $0xb8;
	[tilespmem:$0x10080] =	vst v63  }
0x94: {  	s1 =	rddreg [dreg:$0x4]  }
0x95: {  	[hbm4b:s1+s2] =	stream.linear.scatter [tilespmem:s31], [sflag:$0x3], $0x8000, $0x38;
	[tilespmem:$0x10080] =	vst v63  }
0x96: {  	_ =	swait.ge [sflag:s13], $0x8000  }
0x97: {  	[sflag:s13] =	ssyncset.done $0x0  }
0x98: {  	[sflag:s13] =	ssyncadd.s32 $0xFFFF8000  }
0x99: {  	_ =	swait.ge [sflag:s29], $0x8000  }
0x9a: {  	[sflag:s29] =	ssyncset.done $0x0  }
0x9b: {  	[sflag:s29] =	ssyncadd.s32 $0xFFFF8000  }
0x9c: {  	v3 =	vld [tilespmem:$0x30];
	_ =	sdelay $0x4  }
0x9d: {  	v63 =	vshll.u32 v3, $0x4  }
0x9e: {  	v3 =	vand.u32 $0x7, v3;
	v4 =	vand.u32 $0xFFFFFF80, v63  }
0x9f: {  	v3 =	vor.u32 v3, v4  }
0xa0: {  	v4 =	vperm.xlane v3, v0;
	_ =	sdelay $0x1  }
0xa1: {  	v4 =	vadd.s32 v1, v4;
	_ =	sdelay $0x4  }
0xa2: {  	[tilespmem:s31], [sflag:$0x2] =	stream.indirect_vreg.gather [hbm4b:s3+s2], $0x80, v4, vm0, $0xb8;
	[tilespmem:$0x10080] =	vst v63  }
0xa3: {  	s30 =	simm.s32 $0x8880  }
0xa4: {  	[tilespmem:s30], [sflag:$0x2] =	stream.indirect_vreg.gather [hbm4b:s4+s2], $0x80, v4, vm0, $0xb8;
	[tilespmem:$0x10080] =	vst v63  }
0xa5: {  	s30 =	simm.s32 $0x9080  }
0xa6: {  	[tilespmem:s30], [sflag:$0x2] =	stream.indirect_vreg.gather [hbm4b:s6+s2], $0x80, v4, vm0, $0xb8;
	[tilespmem:$0x10080] =	vst v63  }
0xa7: {  	s30 =	simm.s32 $0x9880  }
0xa8: {  	[tilespmem:s30], [sflag:$0x2] =	stream.indirect_vreg.gather [hbm4b:s7+s2], $0x80, v4, vm0, $0xb8;
	[tilespmem:$0x10080] =	vst v63  }
0xa9: {  	s30 =	simm.s32 $0xA080  }
0xaa: {  	[tilespmem:s30], [sflag:$0x2] =	stream.indirect_vreg.gather [hbm4b:s8+s2], $0x80, v4, vm0, $0xb8;
	[tilespmem:$0x10080] =	vst v63  }
0xab: {  	v3 =	vperm.xlane v3, v2;
	s30 =	simm.s32 $0xA880  }
0xac: {  	[tilespmem:s30], [sflag:$0x2] =	stream.indirect_vreg.gather [hbm4b:s9+s2], $0x80, v4, vm0, $0xb8;
	[tilespmem:$0x10080] =	vst v63  }
0xad: {  	v3 =	vadd.s32 v1, v3;
	s30 =	simm.s32 $0xB080  }
0xae: {  	[tilespmem:s30], [sflag:$0x2] =	stream.indirect_vreg.gather [hbm4b:s10+s2], $0x80, v4, vm0, $0xb8;
	[tilespmem:$0x10080] =	vst v63  }
0xaf: {  	s30 =	simm.s32 $0xB880  }
0xb0: {  	[tilespmem:s30], [sflag:$0x2] =	stream.indirect_vreg.gather [hbm4b:s11+s2], $0x80, v4, vm0, $0xb8;
	[tilespmem:$0x10080] =	vst v63  }
0xb1: {  	s30 =	simm.s32 $0xC080  }
0xb2: {  	[tilespmem:s30], [sflag:$0x2] =	stream.indirect_vreg.gather [hbm4b:s3+s2], $0x80, v3, vm0, $0xb8;
	[tilespmem:$0x10080] =	vst v63  }
0xb3: {  	s30 =	simm.s32 $0xC880  }
0xb4: {  	[tilespmem:s30], [sflag:$0x2] =	stream.indirect_vreg.gather [hbm4b:s4+s2], $0x80, v3, vm0, $0xb8;
	[tilespmem:$0x10080] =	vst v63  }
0xb5: {  	s30 =	simm.s32 $0xD080  }
0xb6: {  	[tilespmem:s30], [sflag:$0x2] =	stream.indirect_vreg.gather [hbm4b:s6+s2], $0x80, v3, vm0, $0xb8;
	[tilespmem:$0x10080] =	vst v63  }
0xb7: {  	s30 =	simm.s32 $0xD880  }
0xb8: {  	[tilespmem:s30], [sflag:$0x2] =	stream.indirect_vreg.gather [hbm4b:s7+s2], $0x80, v3, vm0, $0xb8;
	[tilespmem:$0x10080] =	vst v63  }
0xb9: {  	s30 =	simm.s32 $0xE080  }
0xba: {  	[tilespmem:s30], [sflag:$0x2] =	stream.indirect_vreg.gather [hbm4b:s8+s2], $0x80, v3, vm0, $0xb8;
	[tilespmem:$0x10080] =	vst v63  }
0xbb: {  	s30 =	simm.s32 $0xE880  }
0xbc: {  	[tilespmem:s30], [sflag:$0x2] =	stream.indirect_vreg.gather [hbm4b:s9+s2], $0x80, v3, vm0, $0xb8;
	[tilespmem:$0x10080] =	vst v63  }
0xbd: {  	s30 =	simm.s32 $0xF080  }
0xbe: {  	[tilespmem:s30], [sflag:$0x2] =	stream.indirect_vreg.gather [hbm4b:s10+s2], $0x80, v3, vm0, $0xb8;
	[tilespmem:$0x10080] =	vst v63  }
0xbf: {  	s1 =	simm.s32 $0xF880  }
0xc0: {  	[tilespmem:s1], [sflag:$0x2] =	stream.indirect_vreg.gather [hbm4b:s11+s2], $0x80, v3, vm0, $0xb8;
	[tilespmem:$0x10080] =	vst v63  }
0xc1: {  	s30 =	rddreg [dreg:$0x5]  }
0xc2: {  	[hbm4b:s30+s2] =	stream.linear.scatter [tilespmem:s0], [sflag:$0x3], $0x8000, $0x38;
	[tilespmem:$0x10080] =	vst v63  }
0xc3: {  	_ =	swait.ge [sflag:s13], $0x8000  }
0xc4: {  	[sflag:s13] =	ssyncset.done $0x0  }
0xc5: {  	[sflag:s13] =	ssyncadd.s32 $0xFFFF8000  }
0xc6: {  	_ =	swait.ge [sflag:s14], $0x8000  }
0xc7: {  	p0 =	sne.s32 s12, $0x1;
	[sflag:s14] =	ssyncset.done $0x0  }
.Ltmp0:
0xc8: {  	s1 =	rddreg [dreg:$0x6];
	[sflag:s14] =	ssyncadd.s32 $0xFFFF8000;
	(pc) =	sbr.rel @p0 .LBB2_1-.Ltmp0, $4  }
0xc9: {  	[hbm4b:s1+s2] =	stream.linear.scatter [tilespmem:s31], [sflag:$0x3], $0x8000, $0x38;
	[tilespmem:$0x10080] =	vst v63  }
0xca: {  	_ =	swait.ge [sflag:s13], $0x8000  }
0xcb: {  	[sflag:s13] =	ssyncset.done $0x0  }
0xcc: {  	s12 =	sadd.s32 $0xFFFFFFFF, s12;
	[sflag:s13] =	ssyncadd.s32 $0xFFFF8000  }
0xcd: {  	_ =	sfence.sel $0x180000  }
0xce: {  	[bflag:$0x0] =	sbarrier.arrive $0xFFFF  }
0xcf: {  	_ =	strace $0x90000056  }
0xd0: {  	s0 =	stileid.u32;
	[bflag:$0x2] =	sbarrier.arrive $0xFFFF  }
0xd1: {  	p0 =	sne.s32 s0, $0x0;
	s0 =	rddreg [dreg:$0x2]  }
0xd2: {  	s0 =	sadd.s32 @!p0 $0x100000, s0  }
0xd3: {  	[sflag:s0] =	ssyncadd.tile.s32 @!p0 $0x1;
	_ =	shalt  }
.Lfunc_end2:
_tile_overlayer_lowered:
.L_overlay_start_2:
0xd4: {  	(tag) =	ssettag $0x2  }
0xd5: {  	s0 =	rddreg [dreg:$0x0];
	s2 =	stileid.u32  }
0xd6: {  	s1 =	rddreg [dreg:$0x1];
	p0 =	sne.s32 s2, $0x0  }
0xd7: {  	s3 =	rddreg [dreg:$0x2];
	[bflag:$0x3] =	sbarrier.arrive $0xFFFF;
	s2 =	simm.s32 @!p0 $0x1C03  }
0xd8: {  	[timem:s3], [sflag:s2] =	dma.local @!p0 [hbm:s0], s1  }
0xd9: {  	s0 =	simm.s32 @!p0 $0x3  }
0xda: {  	_ =	swait.ge @!p0 [sflag:s0], s1  }
0xdb: {  	s1 =	ssub.s32 @!p0 $0x0, s1;
	[sflag:s0] =	ssyncset.done @!p0 $0x0  }
0xdc: {  	[sflag:s0] =	ssyncadd.s32 @!p0 s1  }
0xdd: {  	[bflag:$0x3] =	sbarrier.arrive $0xFFFF  }
0xde: {  	_ =	shalt  }

// kernel: kernel.9.cloned.1.call-start
scs
__scs_entry_jumppad:
0x0: {  	(pc) =	sbr.rel $0x88, $3  }
0x1: {  	(tag) =	ssettag $0x0;
	lr =	simm.s32 $0x1  }
0x2: {  	[smem:$0x3F99] =	sst lr;
	_ =	strace $0xD0000000  }
0x3: {  	_ = 	snop  }
0x4: {  	_ = 	snop  }
0x5: {  	_ = 	snop  }
0x6: {  	_ = 	snop  }
0x7: {  	_ = 	snop  }
__scs_overlays_trampoline_lowered:
0x8: {  	[smem:$0x3FA8] =	sst s0  }
0x9: {  	[smem:$0x3FA9] =	sst s1  }
0xa: {  	[smem:$0x3FAA] =	sst s2  }
0xb: {  	[smem:$0x3FAB] =	sst s3  }
0xc: {  	[smem:$0x3FAC] =	sst s4  }
0xd: {  	[smem:$0x3FAD] =	sst s5  }
0xe: {  	[smem:$0x3FAE] =	sst s6  }
0xf: {  	[smem:$0x3FAF] =	sst s7  }
0x10: {  	[smem:$0x3FB0] =	sst s8  }
0x11: {  	[smem:$0x3FB1] =	sst s9;
	s0 =	simm.s32 @!p0 $0x0  }
0x12: {  	s1 =	sld [smem:$0x3F97];
	s0 =	simm.s32 @p0 $0x1  }
0x13: {  	[smem:$0x3FB2] =	sst s0;
	s0 =	simm.s32 @!p1 $0x0  }
0x14: {  	s2 =	sld [smem:$0x3F96];
	s0 =	simm.s32 @p1 $0x1  }
0x15: {  	[smem:$0x3FB3] =	sst s0;
	s0 =	simm.s32 @!p2 $0x0  }
0x16: {  	s3 =	sld [smem:$0x3FDB];
	s0 =	simm.s32 @p2 $0x1  }
0x17: {  	s4 =	simm.s32 $0x1BF5;
	[smem:$0x3FB5] =	sst s0  }
0x18: {  	s0 =	sld [smem:$0x3F98];
	_ =	swait.ge [sflag:s4], $0x0  }
0x19: {  	s7 =	sld [smem:$0x3F99]  }
0x1a: {  	s8 =	sadd.s32 $0xFFFFE003, lr  }
0x1b: {  	s9 =	sadd.s32 $0xFFFFFEF7, lr;
	s5 =	simm.s32 $0xFFFFFFFF;
	p2 =	slt.u32 s8, $0xFFFFF086  }
0x1c: {  	p1 =	slt.u32 s9, $0xF7A;
	s5 =	simm.s32 @!p2 $0x0  }
0x1d: {  	s5 =	simm.s32 @p1 $0x1;
	p0 =	seq.s32 s7, s2  }
0x1e: {  	s7 =	smul.u32 @!p0 $0xF7A, s2;
	p2 =	seq.s32 @!p0 s5, $0x0  }
0x1f: {  	s9 =	smul.u32 $0xF7A, s1;
	s8 =	simm.s32 @!p0 $0x1BF5;
	p2 =	por !p2, p0  }
0x20: {  	[sflag:s8] =	ssyncset.s32 @!p0 $0xFFFFF086;
	s6 =	sadd.s32 @!p0 s3, s7;
	s7 =	simm.s32 @!p0 $0x108  }
0x21: {  	s3 =	sadd.s32 s3, s9;
	s6 =	sadd.s32 @!p0 $0x88, s6;
	s7 =	simm.s32 @p2 $0x1082  }
0x22: {  	[simem:s7], [sflag:s8] =	dma.local @!p0 [hbm:s6], $0xF7A  }
0x23: {  	s9 =	sor.u32 $0xD0000000, s2;
	s6 =	simm.s32 $0x108;
	_ =	swait.ge @!p0 [sflag:s8], $0x0  }
0x24: {  	s3 =	sadd.s32 $0x88, s3;
	s6 =	simm.s32 @!p1 $0x1082;
	[sflag:s4] =	ssyncset.s32 $0xFFFFF086  }
0x25: {  	[simem:s6], [sflag:s4] =	dma.local [hbm:s3], $0xF7A  }
0x26: {  	[smem:$0x3F99] =	sst s1;
	(tag) =	ssettag s2;
	_ =	strace s9  }
0x27: {  	s1 =	sld [smem:$0x3FA9]  }
0x28: {  	s2 =	sld [smem:$0x3FAA]  }
0x29: {  	s4 =	sld [smem:$0x3FAC]  }
0x2a: {  	p0 =	seq.s32 s5, $0x0;
	s5 =	sld [smem:$0x3FAD]  }
0x2b: {  	s6 =	sld [smem:$0x3FAE]  }
0x2c: {  	s7 =	sld [smem:$0x3FAF]  }
0x2d: {  	s3 =	simm.s32 $0x108;
	s8 =	sld [smem:$0x3FB0]  }
0x2e: {  	s3 =	simm.s32 @!p0 $0x1082;
	s9 =	sld [smem:$0x3FB1]  }
0x2f: {  	lr =	sadd.s32 s0, s3;
	s0 =	sld [smem:$0x3FA8]  }
0x30: {  	s3 =	sld [smem:$0x3FAB]  }
0x31: {  	[smem:$0x3FB4] =	sst s10  }
0x32: {  	s10 =	sld [smem:$0x3FB2];
	_ =	sdelay $0x3  }
0x33: {  	p0 =	seq.s32 s10, $0x1;
	s10 =	sld [smem:$0x3FB4];
	_ =	sdelay $0x3  }
0x34: {  	[smem:$0x3FB4] =	sst s10  }
0x35: {  	s10 =	sld [smem:$0x3FB3];
	_ =	sdelay $0x3  }
0x36: {  	p1 =	seq.s32 s10, $0x1;
	s10 =	sld [smem:$0x3FB4];
	_ =	sdelay $0x3  }
0x37: {  	[smem:$0x3FB4] =	sst s10  }
0x38: {  	s10 =	sld [smem:$0x3FB5]  }
0x39: {  	_ = 	snop;
	(pc) =	sbr.ind lr, $3  }
0x3a: {  	_ = 	snop  }
0x3b: {  	_ = 	snop  }
0x3c: {  	p2 =	seq.s32 s10, $0x1;
	s10 =	sld [smem:$0x3FB4]  }
0x3d: {  	_ =	shalt  }
0x3e: {  	_ =	shalt  }
0x3f: {  	_ =	shalt  }
0x40: {  	_ =	shalt  }
0x41: {  	_ =	shalt  }
0x42: {  	_ =	shalt  }
0x43: {  	_ =	shalt  }
0x44: {  	_ =	shalt  }
0x45: {  	_ =	shalt  }
0x46: {  	_ =	shalt  }
0x47: {  	_ =	shalt  }
0x48: {  	_ =	shalt  }
0x49: {  	_ =	shalt  }
0x4a: {  	_ =	shalt  }
0x4b: {  	_ =	shalt  }
0x4c: {  	_ =	shalt  }
0x4d: {  	_ =	shalt  }
0x4e: {  	_ =	shalt  }
0x4f: {  	_ =	shalt  }
0x50: {  	_ =	shalt  }
0x51: {  	_ =	shalt  }
0x52: {  	_ =	shalt  }
0x53: {  	_ =	shalt  }
0x54: {  	_ =	shalt  }
0x55: {  	_ =	shalt  }
0x56: {  	_ =	shalt  }
0x57: {  	_ =	shalt  }
0x58: {  	_ =	shalt  }
0x59: {  	_ =	shalt  }
0x5a: {  	_ =	shalt  }
0x5b: {  	_ =	shalt  }
0x5c: {  	_ =	shalt  }
0x5d: {  	_ =	shalt  }
0x5e: {  	_ =	shalt  }
0x5f: {  	_ =	shalt  }
0x60: {  	_ =	shalt  }
0x61: {  	_ =	shalt  }
0x62: {  	_ =	shalt  }
0x63: {  	_ =	shalt  }
0x64: {  	_ =	shalt  }
0x65: {  	_ =	shalt  }
0x66: {  	_ =	shalt  }
0x67: {  	_ =	shalt  }
0x68: {  	_ =	shalt  }
0x69: {  	_ =	shalt  }
0x6a: {  	_ =	shalt  }
0x6b: {  	_ =	shalt  }
0x6c: {  	_ =	shalt  }
0x6d: {  	_ =	shalt  }
0x6e: {  	_ =	shalt  }
0x6f: {  	_ =	shalt  }
0x70: {  	_ =	shalt  }
0x71: {  	_ =	shalt  }
0x72: {  	_ =	shalt  }
0x73: {  	_ =	shalt  }
0x74: {  	_ =	shalt  }
0x75: {  	_ =	shalt  }
0x76: {  	_ =	shalt  }
0x77: {  	_ =	shalt  }
0x78: {  	_ =	shalt  }
0x79: {  	_ =	shalt  }
0x7a: {  	_ =	shalt  }
0x7b: {  	_ =	shalt  }
0x7c: {  	_ =	shalt  }
0x7d: {  	_ =	shalt  }
0x7e: {  	_ =	shalt  }
0x7f: {  	_ =	shalt  }
0x80: {  	_ =	shalt  }
0x81: {  	_ =	shalt  }
0x82: {  	_ =	shalt  }
0x83: {  	_ =	shalt  }
0x84: {  	_ =	shalt  }
0x85: {  	_ =	shalt  }
0x86: {  	_ =	shalt  }
0x87: {  	_ =	shalt  }
.Lfunc_end0:
.L_simem_size_0:
called_computation.2_lowered:
.L_overlay_start_0:
0x88: {  	s2 =	sld [smem:$0x3FD9]  }
0x89: {  	s3 =	sld [smem:$0x3FFE];
	_ =	sdelay $0x1  }
0x8a: {  	s1 =	srdreg.scid  }
0x8b: {  	s0 =	sand.u32 $0x1, s1  }
0x8c: {  	s17 =	sshll.u32 s0, $0xA;
	s2 =	sadd.s32 s3, s2  }
0x8d: {  	s2 =	sadd.s32 s2, s17  }
0x8e: {  	[smem:$0x3FC0] =	sst s2  }
0x8f: {  	_ = 	snop  }
0x90: {  	s2 =	sld [smem:$0x3FC8];
	(tm) =	ssettm $0x1  }
0x91: {  	s18 =	sld [smem:$0x3FFB];
	_ =	sdelay $0x3  }
0x92: {  	_ =	strace s18  }
0x93: {  	s3 =	sld [smem:$0x3FFC];
	_ =	sdelay $0x3  }
0x94: {  	_ =	strace s3  }
0x95: {  	s3 =	sld [smem:$0x3FFD];
	_ =	sdelay $0x3  }
0x96: {  	_ =	strace s3  }
0x97: {  	_ =	strace $0x8FFFFFFF  }
0x98: {  	s19 =	sld [smem:$0x3FDB];
	_ =	sdelay $0x1  }
0x99: {  	s4 =	simm.s32 $_scs_section_size  }
0x9a: {  	s5 =	simm.s32 $_size__tile_overlayer_lowered;
	s6 =	simm.s32 $_tile_overlayer_lowered  }
0x9b: {  	s22 =	simm.s32 $0x1BFF;
	s21 =	sshll.u32 s6, $0x1;
	s3 =	sadd.s32 s4, s19  }
0x9c: {  	s7 =	simm.s32 $0x0;
	s20 =	sshll.u32 s5, $0x1;
	s5 =	sadd.s32 s21, s3  }
0x9d: {  	[timem:s7], [sflag:s22] =	dma.local [hbm:s5], s20  }
0x9e: {  	_ =	swait.ge [sflag:s22], s20  }
0x9f: {  	s4 =	ssub.s32 $0x0, s20;
	[sflag:s22] =	ssyncset.done $0x0  }
0xa0: {  	[sflag:s22] =	ssyncadd.s32 s4;
	_ =	sdelay $0x1  }
0xa1: {  	s23 =	simm.s32 $0x1B8B  }
0xa2: {  	_ =	swait.ge [sflag:s23], $0x1  }
0xa3: {  	[sflag:s23] =	ssyncset.done $0x0  }
0xa4: {  	s25 =	simm.s32 $0x1B8E;
	s24 =	sld [smem:$0x3FFE];
	[sflag:s23] =	ssyncadd.s32 $0xFFFFFFFF  }
0xa5: {  	s26 =	simm.s32 $execute0_lowered;
	[smem:$0x3FD2] =	sst s25  }
0xa6: {  	s5 =	sshll.u32 s26, $0x1;
	_ =	strace $0x80000046;
	[dreg:$0x1] =	wrdreg $0xFFFFFFFF  }
0xa7: {  	s28 =	simm.s32 $_size_execute0_lowered;
	s3 =	sadd.s32 s3, s5;
	[dreg:$0x0] =	wrdreg $0x0  }
0xa8: {  	s5 =	sshll.u32 s28, $0x1;
	[dreg:$0x2] =	wrdreg s3  }
0xa9: {  	[dreg:$0x3] =	wrdreg s5  }
0xaa: {  	[dreg:$0x4] =	wrdreg $0xC0  }
0xab: {  	_ =	task [dreg:s7], $0x5FFFF  }
0xac: {  	[dreg:$0x1] =	wrdreg $0xFFFFFFFF  }
0xad: {  	[dreg:$0x0] =	wrdreg $0x60  }
0xae: {  	[dreg:$0x2] =	wrdreg s24  }
0xaf: {  	[dreg:$0x3] =	wrdreg s2  }
0xb0: {  	[dreg:$0x4] =	wrdreg $0x9  }
0xb1: {  	_ =	task.clear_ibuf [dreg:s7], $0x5FFFF;
	_ =	strace $0x90000046  }
0xb2: {  	s29 =	simm.s32 $0x9;
	_ =	strace $0x80000048  }
0xb3: {  	_ =	swait.ge [sflag:s29], $0x1  }
0xb4: {  	[sflag:s29] =	ssyncadd.s32 $0xFFFFFFFF  }
0xb5: {  	_ =	strace $0x90000048  }
0xb6: {  	_ =	sfence  }
0xb7: {  	s30 =	sld [smem:$0x0];
	_ =	sdelay $0x2  }
0xb8: {  	s31 =	sshll.u32 s1, $0xD;
	s1 =	sshrl.u32 s1, $0x2  }
0xb9: {  	s3 =	sand.u32 $0x4000, s31;
	s1 =	sadd.s32 s1, s30  }
0xba: {  	s0 =	sor.u32 s3, s0;
	s1 =	sshll.u32 s1, $0x11  }
0xbb: {  	s0 =	sor.u32 s1, s0  }
0xbc: {  	s0 =	sadd.s32 $0x8F2B, s0  }
0xbd: {  	[sflag:s0] =	ssyncadd.remote.s32 $0x1  }
0xbe: {  	_ =	sfence.sel $0xFFFF  }
0xbf: {  	[dreg:$0x0] =	wrdreg $0xFFFFFFFF;
	(pc) =	sbr.abs _section_cstart, $3  }
0xc0: {  	[dreg:$0x1] =	wrdreg $0xFFFFFFFF  }
0xc1: {  	_ =	task.clear_ibuf [dreg:s7], $0x2FFFF;
	_ =	strace $0x9FFFFFFF  }
0xc2: {  	(tm) =	ssettm $0x7FFFFFFF  }
0xc3: {  	_ =	shalt  }
tec
execute0_lowered:
.L_overlay_start_1:
0x0: {  	(tag) =	ssettag $0x1  }
0x1: {  	s0 =	rddreg [dreg:$0x0];
	s2 =	simm.s32 $0x0;
	s22 =	srdreg.scid  }
0x2: {  	s6 =	stileid.u32;
	s20 =	simm.s32 $0x3;
	s21 =	simm.s32 $0x800  }
0x3: {  	s8 =	simm.s32 $0x2;
	s10 =	simm.s32 $0x0;
	[smem:$0x7FF] =	sst s2  }
0x4: {  	s1 =	sadd.s32 $0x4800, s0;
	s5 =	sadd.s32 $0x4A00, s0;
	s3 =	sadd.s32 $0x44A00, s0  }
0x5: {  	s4 =	sadd.s32 $0x8D000, s0;
	_ =	strace $0x80000047;
	[dreg:$0x3] =	wrdreg s1  }
0x6: {  	s7 =	sadd.s32 $0x8CC00, s0;
	s24 =	sadd.s32 $0x8CA00, s0;
	[dreg:$0x4] =	wrdreg s4  }
0x7: {  	s26 =	sadd.s32 $0x8CE00, s0;
	s11 =	sadd.s32 $0x4B00, s0;
	[dreg:$0x5] =	wrdreg s7  }
0x8: {  	s12 =	sadd.s32 $0x4C00, s0;
	s1 =	sand.u32 $0x1, s22;
	[dreg:$0x6] =	wrdreg s24  }
0x9: {  	s14 =	sadd.s32 $0x4D00, s0;
	[dreg:$0x7] =	wrdreg s26;
	s23 =	sshll.u32 s1, $0x4  }
0xa: {  	s22 =	simm.s32 $0x1;
	s1 =	ssub.s32 $0x2, s1;
	s4 =	sor.u32 s6, s23  }
0xb: {  	s24 =	simm.s32 $0x3A80;
	s25 =	sshrl.u32 s1, $0x1;
	s9 =	smul.u32 $0x48, s4  }
0xc: {  	s7 =	simm.s32 $0x9A80;
	s1 =	ssub.s32 s1, s25;
	s28 =	smul.u32 $0x2400, s4  }
0xd: {  	s31 =	smax.u32 s1, $0x1;
	s13 =	sadd.s32 $0x18, s9;
	s15 =	sadd.s32 $0x30, s9  }
0xe: {  	s6 =	sadd.s32 s3, s28;
	[dreg:$0xb] =	wrdreg s31;
	s29 =	sshll.u32 s13, $0x7  }
0xf: {  	v0 =	vlaneseq.u32;
	v1 =	vimm.s32 $0x0;
	vm0 =	vmmov $0xffff;
	[dreg:$0x8] =	wrdreg s6;
	s30 =	sshll.u32 s15, $0x7;
	s0 =	sadd.s32 s3, s29  }
0x10: {  	v2 =	vadd.s32 $0x1, v0;
	v3 =	vadd.s32 $0x11, v0;
	v5 =	vshrl.u32 v0, $0x3;
	s23 =	simm.s32 $0x2000;
	[dreg:$0x9] =	wrdreg s0;
	s0 =	sadd.s32 s3, s30  }
0x11: {  	v4 =	vand.u32 $0x7, v0;
	v6 =	vor.u32 $0x8, v0;
	v5 =	vmul.u32 $0x8, v5;
	p0 =	sne.s32 s4, $0x0;
	s6 =	simm.s32 $0x9280;
	[dreg:$0xa] =	wrdreg s0  }
.LBB2_1:
0x12: {  	s0 =	rddreg [dreg:$0x3]  }
0x13: {  	[tilespmem:s2], [sflag:$0x3] =	stream.linear.gather [hbm4b:s0+s2], $0x800, $0x38;
	[tilespmem:$0xFA80] =	vst v63  }
0x14: {  	_ =	swait.ge [sflag:s20], $0x800  }
0x15: {  	[sflag:s20] =	ssyncset.done $0x0  }
0x16: {  	p6 =	por $0x0, $0x0;
	[sflag:s20] =	ssyncadd.s32 $0xFFFFF800  }
.Ltmp0:
0x17: {  	s31 =	rddreg [dreg:$0x1];
	(pc) =	sbr.rel @p6 .LBB2_2-.Ltmp0, $4  }
0x18: {  	[tilespmem:s21], [sflag:$0x3] =	stream.linear.gather [hbm4b:s31+s2], $0x800, $0x38;
	[tilespmem:$0xFA80] =	vst v63  }
0x19: {  	s26 =	simm.s32 $0x0;
	p1 =	por $0x0, $0x0;
	_ =	swait.ge [sflag:s20], $0x800  }
0x1a: {  	p2 =	por $0x0, $0x0;
	p3 =	por $0x0, $0x0;
	[sflag:s20] =	ssyncset.done $0x0  }
0x1b: {  	p4 =	por $0x0, $0x0;
	p5 =	por $0x0, $0x0;
	[sflag:s20] =	ssyncadd.s32 $0xFFFFF800  }
0x1c: {  	v7 =	vld [tilespmem:s26+$0x0];
	p6 =	por $0x0, $0x0  }
.Ltmp1:
0x1d: {  	_ = 	snop;
	(pc) =	sbr.rel @p6 .LBB2_4-.Ltmp1, $2  }
0x1e: {  	_ =	sdelay $0x2  }
0x1f: {  	s28 =	simm.s32 $0x10;
	p1 =	por $0x1, $0x1;
	v12 =	vsub.s32 $0x1, v7;
	(xrf0) =	vadd.scan.msk.s32 $0xffff, v7  }
0x20: {  	v13 =	vld [tilespmem:s28+$0x0];
	p6 =	por $0x0, $0x0  }
.Ltmp2:
0x21: {  	_ = 	snop;
	(pc) =	sbr.rel @p6 .LBB2_6-.Ltmp2, $3  }
0x22: {  	_ =	sdelay $0x1  }
0x23: {  	(xrf0) =	vadd.scan.msk.s32 $0xffff, v12  }
0x24: {  	s29 =	simm.s32 $0x20;
	p2 =	por $0x1, $0x1;
	v12 =	vsub.s32 $0x1, v13;
	(xrf0) =	vadd.scan.msk.s32 $0xffff, v13;
	v9, _, _ =	vpop (xrf0)  }
0x25: {  	_ = 	snop  }
0x26: {  	v15 =	vld [tilespmem:s29+$0x0];
	p6 =	por $0x0, $0x0  }
.Ltmp3:
0x27: {  	_ = 	snop;
	(pc) =	sbr.rel @p6 .LBB2_8-.Ltmp3, $4  }
0x28: {  	_ = 	snop  }
0x29: {  	v8, _, _ =	vpop (xrf0)  }
0x2a: {  	(xrf0) =	vadd.scan.msk.s32 $0xffff, v12;
	(v2sf) =	vpush v8, $0xF  }
0x2b: {  	s4 =	simm.s32 $0x30;
	p3 =	por $0x1, $0x1;
	v12 =	vsub.s32 $0x1, v15;
	(xrf0) =	vadd.scan.msk.s32 $0xffff, v15;
	v19, _, _ =	vpop (xrf0);
	(v2sf) =	vpush v9, $0xF  }
0x2c: {  	_ =	sdelay $0x3  }
0x2d: {  	v16, _, _ =	vpop (xrf0)  }
0x2e: {  	(v2sf) =	vpush v16, $0xF  }
0x2f: {  	(v2sf) =	vpush v19, $0xF;
	_ =	sdelay $0x2  }
0x30: {  	v10 =	vld [tilespmem:s4+$0x0];
	p6 =	por $0x0, $0x0  }
.Ltmp4:
0x31: {  	_ = 	snop;
	(pc) =	sbr.rel @p6 .LBB2_10-.Ltmp4, $3  }
0x32: {  	_ =	sdelay $0x1  }
0x33: {  	(xrf0) =	vadd.scan.msk.s32 $0xffff, v12  }
0x34: {  	s30 =	simm.s32 $0x40;
	p4 =	por $0x1, $0x1;
	v12 =	vsub.s32 $0x1, v10;
	(xrf0) =	vadd.scan.msk.s32 $0xffff, v10;
	v23, _, _ =	vpop (xrf0)  }
0x35: {  	_ =	sdelay $0x3  }
0x36: {  	v14, _, _ =	vpop (xrf0)  }
0x37: {  	(v2sf) =	vpush v14, $0xF  }
0x38: {  	(v2sf) =	vpush v23, $0xF;
	_ =	sdelay $0x2  }
0x39: {  	v26 =	vld [tilespmem:s30+$0x0];
	v11 =	vmov s2;
	p6 =	por $0x0, $0x0  }
.Ltmp5:
0x3a: {  	v11 =	vadd.s32 $0xFFFFFFFF, v11;
	(xrf0) =	vadd.scan.msk.s32 $0xffff, v12;
	(pc) =	sbr.rel @p6 .LBB2_12-.Ltmp5, $4  }
0x3b: {  	s0 =	spop (v2sf);
	v17 =	vsub.s32 s2, v7;
	v11 =	vbroadcast v11, $0x0  }
0x3c: {  	s1 =	simm.s32 $0x180;
	s25 =	simm.s32 $0x50;
	p5 =	por $0x1, $0x1;
	v18 =	vmov v16;
	v20 =	vmov v13  }
0x3d: {  	s16 =	simm.s32 $0x0;
	s18 =	simm.s32 $0x0;
	s31 =	simm.s32 $0x10;
	v22 =	vmovc v19;
	v21 =	vmovc v23;
	v25 =	vmov v15;
	v12 =	vadd.s32 v9, v17;
	v11 =	vadd.s32 v7, v11  }
0x3e: {  	s17 =	sadd.s32 $0x0, s0;
	s19 =	spop (v2sf);
	s0 =	simm.s32 $0x20;
	[tilespmem:s26+$0x1000] =	vst v12;
	v12 =	vsub.s32 $0x1, v26;
	(xrf0) =	vadd.scan.msk.s32 $0xffff, v26;
	v17, _, _ =	vpop (xrf0);
	v11 =	vadd.s32 v8, v11  }
.LBB2_13:
0x3f: {  	p6 =	seq.s32 s1, $0x1FC0;
	(xrf0) =	vadd.scan.msk.s32 $0xffff, v12;
	s18 =	sadd.s32 s18, s19;
	s19 =	smov.u32 s1  }
0x40: {  	v24 =	vld [tilespmem:s25+$0x0];
	v12 =	vmov s17;
	[tilespmem:s16+$0x1800] =	vst v11;
	v11 =	vmov v18;
	v18 =	vmov v14;
	v14, _, _ =	vpop (xrf0);
	s1 =	sadd.s32 $0x40, s1;
	s16 =	smov.u32 s31;
	s31 =	smov.u32 s0  }
.Ltmp6:
0x41: {  	s0 =	smov.u32 s4;
	s4 =	smov.u32 s30;
	(v2sf) =	vpush v14, $0xF;
	v27 =	vsub.s32 s18, v20;
	v12 =	vadd.s32 $0xFFFFFFFF, v12;
	(pc) =	sbr.rel @!p6 .LBB2_13-.Ltmp6, $4  }
0x42: {  	s30 =	smov.u32 s25;
	(v2sf) =	vpush v17, $0xF;
	v27 =	vadd.s32 v22, v27;
	v12 =	vbroadcast v12, $0x0;
	v22 =	vmovc v21;
	v21 =	vmovc v17  }
0x43: {  	[tilespmem:s16+$0x1000] =	vst v27  }
0x44: {  	v27 =	vadd.s32 v20, v12;
	s3 =	spop (v2sf);
	v20 =	vmovc v25;
	v25 =	vmov v10;
	v10 =	vmov v26  }
0x45: {  	s25 =	sshra.s32 s19, $0x2;
	v12 =	vsub.s32 $0x1, v24;
	(xrf0) =	vadd.scan.msk.s32 $0xffff, v24;
	v17, _, _ =	vpop (xrf0);
	v11 =	vadd.s32 v11, v27;
	s17 =	sadd.s32 s17, s3;
	s19 =	spop (v2sf);
	v26 =	vmov v24  }
0x46: {  	s1 =	smov.u32 s4;
	v24 =	vmov v10;
	s4 =	smov.u32 s30;
	v10 =	vmov v26  }
.LBB2_15:
0x47: {  	(xrf0) =	vadd.scan.msk.s32 @p1 $0xffff, v12;
	_ =	sdelay $0x1  }
0x48: {  	v56 =	vld [tilespmem:s25+$0x0]  }
0x49: {  	v26, _, _ =	vpop @p2 (xrf0)  }
0x4a: {  	(v2sf) =	vpush @p2 v26, $0xF  }
0x4b: {  	v27, _, _ =	vpop @p1 (xrf0)  }
0x4c: {  	(v2sf) =	vpush @p2 v17, $0xF;
	v28, _, _ =	vpop @p1 (xrf0)  }
0x4d: {  	v30 =	vsub.s32 $0x1, v56;
	(xrf0) =	vadd.scan.msk.s32 $0xffff, v56;
	(v2sf) =	vpush @p1 v28, $0xF  }
0x4e: {  	v23 =	vpsel p1, v27, v23;
	(xrf0) =	vadd.scan.msk.s32 $0xffff, v30  }
0x4f: {  	s3 =	sadd.s32 @p5 s18, s19;
	s19 =	spop @p4 (v2sf);
	(v2sf) =	vpush @p1 v23, $0xF  }
0x50: {  	v29 =	vmov @p4 s17;
	s18 =	simm.s32 $0x0;
	s28 =	smov.u32 @p2 s1;
	v14 =	vpsel p3, v14, v8  }
0x51: {  	v58 =	vpsel p2, v17, v19;
	v21 =	vpsel p3, v21, v9;
	s18 =	smov.u32 @p5 s3;
	s3 =	sadd.s32 @p4 s17, s19;
	s17 =	simm.s32 $0x0;
	v27 =	vadd.s32 @p4 $0xFFFFFFFF, v29  }
0x52: {  	s29 =	smov.u32 @p1 s4;
	v13 =	vpsel p2, v24, v13;
	v16 =	vpsel p2, v26, v16;
	s17 =	smov.u32 @p4 s3;
	s3 =	spop @p4 (v2sf);
	v27 =	vbroadcast @p4 v27, $0x0  }
0x53: {  	v10 =	vpsel p1, v10, v15;
	[tilespmem:s16+$0x1800] =	vst @p5 v11;
	s19 =	smov.u32 s26;
	s28 =	smov.u32 @p2 s28;
	v13 =	vpsel p2, v13, v0;
	v11 =	vmov @p2 v16;
	s3 =	smov.u32 @p4 s3;
	v57, _, _ =	vpop (xrf0)  }
0x54: {  	s19 =	smov.u32 @p3 s0;
	v17 =	vpsel p2, v58, v0;
	s3 =	sadd.s32 @p4 s18, s3;
	v27 =	vadd.s32 @p4 v20, v27;
	v20 =	vsub.s32 @p4 s18, v20;
	s18 =	simm.s32 $0x0;
	v59, _, _ =	vpop (xrf0)  }
0x55: {  	s4 =	smov.u32 @p3 s19;
	v11 =	vpsel p2, v11, v0;
	v8 =	vpsel p1, v28, v8;
	s18 =	smov.u32 @p4 s3;
	s3 =	spop @p3 (v2sf);
	(v2sf) =	vpush v59, $0xF  }
0x56: {  	s19 =	simm.s32 $0x0;
	v20 =	vadd.s32 @p4 v22, v20;
	v22 =	vmovc @p3 v25;
	v25 =	vmov @p3 s17;
	s3 =	sadd.s32 @p3 s17, s3;
	s17 =	spop @p3 (v2sf);
	(v2sf) =	vpush v57, $0xF  }
0x57: {  	s26 =	smov.u32 @p1 s29;
	v8 =	vpsel p1, v8, v0;
	v18 =	vadd.s32 @p4 v18, v27;
	v19 =	vadd.s32 @p3 $0xFFFFFFFF, v25;
	s19 =	smov.u32 @p3 s3;
	s17 =	smov.u32 @p3 s17  }
0x58: {  	s0 =	smov.u32 @p4 s31;
	v18 =	vpsel p4, v18, v0;
	v19 =	vbroadcast @p3 v19, $0x0;
	v16 =	vmov @p2 s19;
	s16 =	sadd.s32 @p3 s18, s17;
	s17 =	simm.s32 $0x0  }
0x59: {  	s1 =	smov.u32 @p4 s0;
	v22 =	vpsel p3, v22, v7;
	v7 =	vpsel p1, v10, v7;
	s17 =	smov.u32 @p3 s16;
	v16 =	vadd.s32 @p2 $0xFFFFFFFF, v16;
	s16 =	spop @p2 (v2sf)  }
0x5a: {  	v15 =	vsub.s32 @p3 s18, v22;
	s18 =	smov.u32 @p2 s28;
	s28 =	simm.s32 $0x0;
	v19 =	vadd.s32 @p3 v22, v19;
	v16 =	vbroadcast @p2 v16, $0x0;
	s16 =	sadd.s32 @p2 s19, s16  }
0x5b: {  	[tilespmem:s0+$0x1000] =	vst @p4 v20;
	s3 =	smov.u32 @p3 s4;
	v7 =	vpsel p1, v7, v0;
	v15 =	vadd.s32 @p3 v21, v15;
	v14 =	vadd.s32 @p3 v14, v19;
	s19 =	spop @p2 (v2sf);
	s28 =	smov.u32 @p2 s16  }
0x5c: {  	v10 =	vmovc @p2 v11;
	[tilespmem:s1+$0x1800] =	vst @p4 v18;
	s0 =	smov.u32 @p2 s18;
	v11 =	vsub.s32 @p2 s17, v13;
	v13 =	vadd.s32 @p2 v13, v16;
	s1 =	smov.u32 @p2 s19;
	v16 =	vmov @p1 s28;
	s16 =	spop @p1 (v2sf)  }
0x5d: {  	[tilespmem:s4+$0x1000] =	vst @p3 v15;
	v14 =	vpsel p3, v14, v0;
	v19 =	vmovc @p1 v23;
	v10 =	vadd.s32 @p2 v10, v13;
	s1 =	sadd.s32 @p2 s17, s1;
	v13 =	vadd.s32 @p1 $0xFFFFFFFF, v16;
	s4 =	sadd.s32 @p1 s28, s16;
	s16 =	simm.s32 $0x0  }
0x5e: {  	v11 =	vadd.s32 @p2 v17, v11;
	v60 =	vpsel p1, v19, v9;
	s17 =	simm.s32 $0x0;
	v13 =	vbroadcast @p1 v13, $0x0;
	s19 =	spop @p1 (v2sf);
	s16 =	smov.u32 @p1 s4  }
0x5f: {  	[tilespmem:s3+$0x1800] =	vst @p3 v14;
	s3 =	smov.u32 @p1 s26;
	v10 =	vpsel p2, v10, v0;
	v9 =	vpsel p1, v60, v0;
	s17 =	smov.u32 @p2 s1;
	s1 =	smov.u32 @p1 s19;
	v61 =	vmov s16  }
0x60: {  	[tilespmem:s18+$0x1000] =	vst @p2 v11;
	s3 =	smov.u32 @p1 s3;
	v11 =	vsub.s32 @p1 s17, v7;
	v7 =	vadd.s32 @p1 v7, v13;
	s4 =	simm.s32 $0x0;
	s1 =	sadd.s32 @p1 s17, s1;
	v62 =	vadd.s32 $0xFFFFFFFF, v61  }
0x61: {  	[tilespmem:s0+$0x1800] =	vst @p2 v10;
	s0 =	smov.u32 @p1 s3;
	v9 =	vadd.s32 @p1 v9, v11;
	v7 =	vadd.s32 @p1 v8, v7;
	s4 =	smov.u32 @p1 s1;
	v8 =	vbroadcast v62, $0x0  }
0x62: {  	[tilespmem:s0+$0x1000] =	vst @p1 v9;
	s0 =	smov.u32 @p1 s0;
	v7 =	vpsel p1, v7, v0;
	v63 =	vsub.s32 s4, v56  }
0x63: {  	[tilespmem:s0+$0x1800] =	vst @p1 v7;
	v7 =	vadd.s32 v57, v63;
	v8 =	vadd.s32 v56, v8  }
0x64: {  	s1 =	simm.s32 $0x40;
	s30 =	spop (v2sf);
	[tilespmem:s25+$0x1000] =	vst v7;
	v7 =	vadd.s32 v59, v8  }
0x65: {  	s4 =	simm.s32 $0x0;
	s0 =	sadd.s32 s16, s30;
	s31 =	spop (v2sf);
	[tilespmem:s25+$0x1800] =	vst v7  }
.LBB2_16:
0x66: {  	p1 =	seq.s32 s1, $0x23C0;
	[tilespmem:s4+$0x2000] =	vst v1;
	s3 =	smov.u32 s1;
	s1 =	sadd.s32 $0x40, s1  }
.Ltmp7:
0x67: {  	(pc) =	sbr.rel @!p1 .LBB2_16-.Ltmp7, $2  }
0x68: {  	_ =	sdelay $0x2  }
0x69: {  	s4 =	sshra.s32 s3, $0x2  }
0x6a: {  	s0 =	sadd.s32 $0x7F, s0  }
0x6b: {  	s31 =	simm.s32 $0x0;
	s17 =	simm.s32 $0x1000;
	s1 =	sand.u32 $0x7F, s0  }
0x6c: {  	[tilespmem:s4+$0x2000] =	vst v1;
	s3 =	sshra.s32 s0, $0x1F;
	p1 =	slt.s32 s0, $0x1;
	p2 =	sne.s32 s1, $0x0  }
0x6d: {  	s16 =	simm.s32 $0x1800;
	v8 =	vld [tilespmem:s31+$0x0];
	s30 =	sshrl.u32 s3, $0x19;
	p1 =	por !p1, !p2  }
0x6e: {  	v9 =	vld [tilespmem:s17+$0x0];
	s1 =	simm.s32 $0x1;
	s0 =	sadd.s32 s30, s0;
	p1 =	por !p1, !p1  }
0x6f: {  	v10 =	vld [tilespmem:s16+$0x0];
	s0 =	sshrl.u32 s0, $0x7;
	s1 =	simm.s32 @!p1 $0x0  }
0x70: {  	s0 =	ssub.s32 s0, s1  }
0x71: {  	s0 =	sshll.u32 s0, $0x7  }
0x72: {  	v7 =	vmov s0  }
0x73: {  	vm1 =	vgt.s32 v8, $0x0;
	v8 =	vadd.s32 v7, v9  }
0x74: {  	v8 =	vsel vm1, v8, v10;
	_ =	sdelay $0x2  }
0x75: {  	s1 =	simm.s32 $0x2900  }
0x76: {  	v9 =	vor.u32 s31, v0;
	[tilespmem:s1+$0x0] =	vst v8  }
0x77: {  	s4 =	simm.s32 $0x10;
	[tilespmem:v8+s23+$0x0] =	vst.idx.msk $0xffff, v9  }
0x78: {  	s16 =	simm.s32 $0x1010;
	v8 =	vld [tilespmem:s4+$0x0]  }
0x79: {  	s18 =	simm.s32 $0x20;
	s19 =	simm.s32 $0x10;
	s17 =	simm.s32 $0x1810;
	v9 =	vld [tilespmem:s16+$0x0]  }
.LBB2_18:
0x7a: {  	p1 =	sne.s32 s18, $0x7F0;
	v10 =	vld [tilespmem:s17+$0x0];
	_ =	sdelay $0x3  }
0x7b: {  	vm1 =	vgt.s32 v8, $0x0;
	v8 =	vadd.s32 v7, v9  }
0x7c: {  	v8 =	vsel vm1, v8, v10;
	_ =	sdelay $0x2  }
.Ltmp8:
0x7d: {  	s1 =	sadd.s32 $0x10, s1;
	(pc) =	sbr.rel @p1 .LBB2_18-.Ltmp8, $4  }
0x7e: {  	v9 =	vor.u32 s4, v0;
	s4 =	smov.u32 s18;
	[tilespmem:s1+$0x0] =	vst v8  }
0x7f: {  	s19 =	sadd.s32 $0x10, s19;
	[tilespmem:v8+s23+$0x0] =	vst.idx.msk $0xffff, v9  }
0x80: {  	s16 =	sadd.s32 $0x10, s16;
	v8 =	vld [tilespmem:s19+$0x0]  }
0x81: {  	s17 =	sadd.s32 $0x10, s17;
	s18 =	sadd.s32 $0x10, s18;
	v9 =	vld [tilespmem:s16+$0x0]  }
0x82: {  	v10 =	vld [tilespmem:s17+$0x0];
	_ =	sdelay $0x3  }
0x83: {  	vm1 =	vgt.s32 v8, $0x0;
	v7 =	vadd.s32 v7, v9  }
0x84: {  	v7 =	vsel vm1, v7, v10;
	_ =	sdelay $0x2  }
0x85: {  	s1 =	sadd.s32 $0x10, s1  }
0x86: {  	v8 =	vor.u32 s4, v0;
	[tilespmem:s1+$0x0] =	vst v7  }
0x87: {  	s1 =	simm.s32 $0x0;
	[tilespmem:v7+s23+$0x0] =	vst.idx.msk $0xffff, v8  }
0x88: {  	v7 =	vld [tilespmem:s1+$0x2000];
	_ =	sdelay $0x7  }
0x89: {  	s16 =	simm.s32 $0x80;
	s4 =	simm.s32 $0x10;
	v7 =	vld.idx.msk [tilespmem:v7+s21+$0x0], $0xffff  }
.LBB2_20:
0x8a: {  	p1 =	sne.s32 s16, $0x23C0;
	v8 =	vld [tilespmem:s4+$0x2000];
	_ =	sdelay $0x3  }
.Ltmp9:
0x8b: {  	(pc) =	sbr.rel @p1 .LBB2_20-.Ltmp9, $2  }
0x8c: {  	[tilespmem:s1+$0x3100] =	vst v7;
	s1 =	smov.u32 s4;
	_ =	sdelay $0x2  }
0x8d: {  	s4 =	sshra.s32 s16, $0x2;
	s16 =	sadd.s32 $0x40, s16;
	v7 =	vld.idx.msk [tilespmem:v8+s21+$0x0], $0xffff  }
0x8e: {  	v8 =	vld [tilespmem:s4+$0x2000];
	_ =	sdelay $0x6  }
0x8f: {  	[tilespmem:s1+$0x3100] =	vst v7  }
0x90: {  	v7 =	vld.idx.msk [tilespmem:v8+s21+$0x0], $0xffff;
	_ =	sdelay $0x1  }
0x91: {  	s0 =	sshra.s32 s0, $0x7  }
0x92: {  	v8 =	vmov s0  }
0x93: {  	vm1 =	vlt.s32 v8, v2  }
0x94: {  	[tilespmem:s4+$0x3100] =	vst v7;
	v7 =	vsel vm1, $0x1, v1;
	vm1 =	vlt.s32 v8, v3  }
0x95: {  	[tilespmem:$0x3A00] =	vst v7;
	v7 =	vsel vm1, $0x1, v1  }
0x96: {  	s3 =	rddreg [dreg:$0x4];
	s1 =	simm.s32 @!p0 $0x2900;
	s0 =	simm.s32 @!p0 $0x0;
	[tilespmem:$0x3A10] =	vst v7  }
0x97: {  	[hbm4b:s3+s0] =	stream.linear.scatter @!p0 [tilespmem:s1], [sflag:$0x3], $0x800, $0x38;
	[tilespmem:$0xFA80] =	vst v63  }
0x98: {  	s1 =	simm.s32 @!p0 $0x3  }
0x99: {  	_ =	swait.ge @!p0 [sflag:s1], $0x800  }
0x9a: {  	[sflag:s1] =	ssyncset.done @!p0 $0x0  }
0x9b: {  	s3 =	simm.s32 @!p0 $0x2000;
	s4 =	rddreg [dreg:$0x5];
	[sflag:s1] =	ssyncadd.s32 @!p0 $0xFFFFF800  }
0x9c: {  	[hbm4b:s4+s0] =	stream.linear.scatter @!p0 [tilespmem:s3], [sflag:$0x3], $0x900, $0x38;
	[tilespmem:$0xFA80] =	vst v63  }
0x9d: {  	_ =	swait.ge @!p0 [sflag:s1], $0x900  }
0x9e: {  	[sflag:s1] =	ssyncset.done @!p0 $0x0  }
0x9f: {  	s3 =	simm.s32 @!p0 $0x3100;
	s4 =	rddreg [dreg:$0x6];
	[sflag:s1] =	ssyncadd.s32 @!p0 $0xFFFFF700  }
0xa0: {  	[hbm4b:s4+s0] =	stream.linear.scatter @!p0 [tilespmem:s3], [sflag:$0x3], $0x900, $0x38;
	[tilespmem:$0xFA80] =	vst v63  }
0xa1: {  	_ =	swait.ge @!p0 [sflag:s1], $0x900  }
0xa2: {  	[sflag:s1] =	ssyncset.done @!p0 $0x0  }
0xa3: {  	s3 =	simm.s32 @!p0 $0x3A00;
	s4 =	rddreg [dreg:$0x7];
	[sflag:s1] =	ssyncadd.s32 @!p0 $0xFFFFF700  }
0xa4: {  	[hbm4b:s4+s0] =	stream.linear.scatter @!p0 [tilespmem:s3], [sflag:$0x3], $0x80, $0x38;
	[tilespmem:$0xFA80] =	vst v63  }
0xa5: {  	_ =	swait.ge @!p0 [sflag:s1], $0x80  }
0xa6: {  	[sflag:s1] =	ssyncset.done @!p0 $0x0  }
0xa7: {  	[sflag:s1] =	ssyncadd.s32 @!p0 $0xFFFFFF80  }
0xa8: {  	v7 =	vld [tilespmem:s9+$0x2000];
	_ =	sdelay $0x4  }
0xa9: {  	v8 =	vshll.u32 v7, $0x3  }
0xaa: {  	v7 =	vand.u32 $0x7, v7;
	v8 =	vand.u32 $0xFFFFFFC0, v8  }
0xab: {  	v7 =	vor.u32 v7, v8  }
0xac: {  	v8 =	vperm.xlane v7, v4;
	_ =	sdelay $0x1  }
0xad: {  	v8 =	vadd.s32 v5, v8;
	_ =	sdelay $0x4  }
0xae: {  	[tilespmem:s24], [sflag:$0x1] =	stream.indirect_vreg.gather [hbm4b:s5+s2], $0x80, v8, vm0, $0xb8;
	[tilespmem:$0xFA80] =	vst v63  }
0xaf: {  	s1 =	simm.s32 $0x4280;
	v7 =	vperm.xlane v7, v6  }
0xb0: {  	[tilespmem:s1], [sflag:$0x1] =	stream.indirect_vreg.gather [hbm4b:s11+s2], $0x80, v8, vm0, $0xb8;
	[tilespmem:$0xFA80] =	vst v63  }
0xb1: {  	s3 =	simm.s32 $0x4A80;
	v7 =	vadd.s32 v5, v7  }
0xb2: {  	[tilespmem:s3], [sflag:$0x1] =	stream.indirect_vreg.gather [hbm4b:s12+s2], $0x80, v8, vm0, $0xb8;
	[tilespmem:$0xFA80] =	vst v63  }
0xb3: {  	s4 =	simm.s32 $0x5280  }
0xb4: {  	[tilespmem:s4], [sflag:$0x1] =	stream.indirect_vreg.gather [hbm4b:s14+s2], $0x80, v8, vm0, $0xb8;
	[tilespmem:$0xFA80] =	vst v63  }
0xb5: {  	s16 =	simm.s32 $0x5A80  }
0xb6: {  	[tilespmem:s16], [sflag:$0x1] =	stream.indirect_vreg.gather [hbm4b:s5+s2], $0x80, v7, vm0, $0xb8;
	[tilespmem:$0xFA80] =	vst v63  }
0xb7: {  	s17 =	simm.s32 $0x6280  }
0xb8: {  	[tilespmem:s17], [sflag:$0x1] =	stream.indirect_vreg.gather [hbm4b:s11+s2], $0x80, v7, vm0, $0xb8;
	[tilespmem:$0xFA80] =	vst v63  }
0xb9: {  	s18 =	simm.s32 $0x6A80  }
0xba: {  	[tilespmem:s18], [sflag:$0x1] =	stream.indirect_vreg.gather [hbm4b:s12+s2], $0x80, v7, vm0, $0xb8;
	[tilespmem:$0xFA80] =	vst v63  }
0xbb: {  	s19 =	simm.s32 $0x7280  }
0xbc: {  	[tilespmem:s19], [sflag:$0x1] =	stream.indirect_vreg.gather [hbm4b:s14+s2], $0x80, v7, vm0, $0xb8;
	[tilespmem:$0xFA80] =	vst v63  }
0xbd: {  	v7 =	vld.msk [tilespmem:s9+$0x2010], $0xff;
	_ =	sdelay $0x4  }
0xbe: {  	v8 =	vshll.u32 v7, $0x3  }
0xbf: {  	v7 =	vand.u32 $0x7, v7;
	v8 =	vand.u32 $0xFFFFFFC0, v8  }
0xc0: {  	v7 =	vor.u32 v7, v8  }
0xc1: {  	v7 =	vperm.xlane v7, v4;
	_ =	sdelay $0x1  }
0xc2: {  	v7 =	vadd.s32 v5, v7;
	_ =	sdelay $0x3  }
0xc3: {  	s25 =	simm.s32 $0x7A80  }
0xc4: {  	[tilespmem:s25], [sflag:$0x1] =	stream.indirect_vreg.gather [hbm4b:s5+s2], $0x80, v7, vm0, $0xb8;
	[tilespmem:$0xFA80] =	vst v63  }
0xc5: {  	s26 =	simm.s32 $0x8280  }
0xc6: {  	[tilespmem:s26], [sflag:$0x1] =	stream.indirect_vreg.gather [hbm4b:s11+s2], $0x80, v7, vm0, $0xb8;
	[tilespmem:$0xFA80] =	vst v63  }
0xc7: {  	s28 =	simm.s32 $0x8A80  }
0xc8: {  	[tilespmem:s28], [sflag:$0x1] =	stream.indirect_vreg.gather [hbm4b:s12+s2], $0x80, v7, vm0, $0xb8;
	[tilespmem:$0xFA80] =	vst v63  }
0xc9: {  	_ = 	snop  }
0xca: {  	[tilespmem:s6], [sflag:$0x1] =	stream.indirect_vreg.gather [hbm4b:s14+s2], $0x80, v7, vm0, $0xb8;
	[tilespmem:$0xFA80] =	vst v63  }
0xcb: {  	_ =	swait.ge [sflag:s22], $0x6000  }
0xcc: {  	[sflag:s22] =	ssyncset.done $0x0  }
0xcd: {  	[sflag:s22] =	ssyncadd.s32 $0xFFFFA000  }
0xce: {  	v7 =	vld [tilespmem:s13+$0x2000];
	_ =	sdelay $0x4  }
0xcf: {  	v8 =	vshll.u32 v7, $0x3  }
0xd0: {  	v7 =	vand.u32 $0x7, v7;
	v8 =	vand.u32 $0xFFFFFFC0, v8  }
0xd1: {  	v7 =	vor.u32 v7, v8  }
0xd2: {  	v8 =	vperm.xlane v7, v4;
	_ =	sdelay $0x1  }
0xd3: {  	v8 =	vadd.s32 v5, v8;
	_ =	sdelay $0x4  }
0xd4: {  	[tilespmem:s7], [sflag:$0x2] =	stream.indirect_vreg.gather [hbm4b:s5+s2], $0x80, v8, vm0, $0xb8;
	[tilespmem:$0xFA80] =	vst v63  }
0xd5: {  	s29 =	simm.s32 $0xA280;
	v7 =	vperm.xlane v7, v6  }
0xd6: {  	[tilespmem:s29], [sflag:$0x2] =	stream.indirect_vreg.gather [hbm4b:s11+s2], $0x80, v8, vm0, $0xb8;
	[tilespmem:$0xFA80] =	vst v63  }
0xd7: {  	s30 =	simm.s32 $0xAA80;
	v7 =	vadd.s32 v5, v7  }
0xd8: {  	[tilespmem:s30], [sflag:$0x2] =	stream.indirect_vreg.gather [hbm4b:s12+s2], $0x80, v8, vm0, $0xb8;
	[tilespmem:$0xFA80] =	vst v63  }
0xd9: {  	s31 =	simm.s32 $0xB280  }
0xda: {  	[tilespmem:s31], [sflag:$0x2] =	stream.indirect_vreg.gather [hbm4b:s14+s2], $0x80, v8, vm0, $0xb8;
	[tilespmem:$0xFA80] =	vst v63  }
0xdb: {  	s29 =	simm.s32 $0xBA80  }
0xdc: {  	[tilespmem:s29], [sflag:$0x2] =	stream.indirect_vreg.gather [hbm4b:s5+s2], $0x80, v7, vm0, $0xb8;
	[tilespmem:$0xFA80] =	vst v63  }
0xdd: {  	s30 =	simm.s32 $0xC280  }
0xde: {  	[tilespmem:s30], [sflag:$0x2] =	stream.indirect_vreg.gather [hbm4b:s11+s2], $0x80, v7, vm0, $0xb8;
	[tilespmem:$0xFA80] =	vst v63  }
0xdf: {  	s31 =	simm.s32 $0xCA80  }
0xe0: {  	[tilespmem:s31], [sflag:$0x2] =	stream.indirect_vreg.gather [hbm4b:s12+s2], $0x80, v7, vm0, $0xb8;
	[tilespmem:$0xFA80] =	vst v63  }
0xe1: {  	s29 =	simm.s32 $0xD280  }
0xe2: {  	[tilespmem:s29], [sflag:$0x2] =	stream.indirect_vreg.gather [hbm4b:s14+s2], $0x80, v7, vm0, $0xb8;
	[tilespmem:$0xFA80] =	vst v63  }
0xe3: {  	v7 =	vld.msk [tilespmem:s9+$0x2028], $0xff;
	_ =	sdelay $0x4  }
0xe4: {  	v8 =	vshll.u32 v7, $0x3  }
0xe5: {  	v7 =	vand.u32 $0x7, v7;
	v8 =	vand.u32 $0xFFFFFFC0, v8  }
0xe6: {  	v7 =	vor.u32 v7, v8  }
0xe7: {  	v7 =	vperm.xlane v7, v4;
	_ =	sdelay $0x1  }
0xe8: {  	v7 =	vadd.s32 v5, v7;
	_ =	sdelay $0x3  }
0xe9: {  	s30 =	simm.s32 $0xDA80  }
0xea: {  	[tilespmem:s30], [sflag:$0x2] =	stream.indirect_vreg.gather [hbm4b:s5+s2], $0x80, v7, vm0, $0xb8;
	[tilespmem:$0xFA80] =	vst v63  }
0xeb: {  	s31 =	simm.s32 $0xE280  }
0xec: {  	[tilespmem:s31], [sflag:$0x2] =	stream.indirect_vreg.gather [hbm4b:s11+s2], $0x80, v7, vm0, $0xb8;
	[tilespmem:$0xFA80] =	vst v63  }
0xed: {  	s29 =	simm.s32 $0xEA80  }
0xee: {  	[tilespmem:s29], [sflag:$0x2] =	stream.indirect_vreg.gather [hbm4b:s12+s2], $0x80, v7, vm0, $0xb8;
	[tilespmem:$0xFA80] =	vst v63  }
0xef: {  	s30 =	simm.s32 $0xF280  }
0xf0: {  	[tilespmem:s30], [sflag:$0x2] =	stream.indirect_vreg.gather [hbm4b:s14+s2], $0x80, v7, vm0, $0xb8;
	[tilespmem:$0xFA80] =	vst v63  }
0xf1: {  	s31 =	rddreg [dreg:$0x8]  }
0xf2: {  	[hbm4b:s31+s2] =	stream.linear.scatter [tilespmem:s24], [sflag:$0x3], $0x6000, $0x38;
	[tilespmem:$0xFA80] =	vst v63  }
0xf3: {  	_ =	swait.ge [sflag:s20], $0x6000  }
0xf4: {  	[sflag:s20] =	ssyncset.done $0x0  }
0xf5: {  	[sflag:s20] =	ssyncadd.s32 $0xFFFFA000  }
0xf6: {  	_ =	swait.ge [sflag:s8], $0x6000  }
0xf7: {  	[sflag:s8] =	ssyncset.done $0x0  }
0xf8: {  	[sflag:s8] =	ssyncadd.s32 $0xFFFFA000  }
0xf9: {  	v7 =	vld [tilespmem:s15+$0x2000];
	_ =	sdelay $0x4  }
0xfa: {  	v8 =	vshll.u32 v7, $0x3  }
0xfb: {  	v7 =	vand.u32 $0x7, v7;
	v8 =	vand.u32 $0xFFFFFFC0, v8  }
0xfc: {  	v7 =	vor.u32 v7, v8  }
0xfd: {  	v8 =	vperm.xlane v7, v4;
	_ =	sdelay $0x1  }
0xfe: {  	v8 =	vadd.s32 v5, v8;
	_ =	sdelay $0x4  }
0xff: {  	[tilespmem:s24], [sflag:$0x1] =	stream.indirect_vreg.gather [hbm4b:s5+s2], $0x80, v8, vm0, $0xb8;
	[tilespmem:$0xFA80] =	vst v63  }
0x100: {  	v7 =	vperm.xlane v7, v6  }
0x101: {  	[tilespmem:s1], [sflag:$0x1] =	stream.indirect_vreg.gather [hbm4b:s11+s2], $0x80, v8, vm0, $0xb8;
	[tilespmem:$0xFA80] =	vst v63  }
0x102: {  	v7 =	vadd.s32 v5, v7  }
0x103: {  	[tilespmem:s3], [sflag:$0x1] =	stream.indirect_vreg.gather [hbm4b:s12+s2], $0x80, v8, vm0, $0xb8;
	[tilespmem:$0xFA80] =	vst v63  }
0x104: {  	_ = 	snop  }
0x105: {  	[tilespmem:s4], [sflag:$0x1] =	stream.indirect_vreg.gather [hbm4b:s14+s2], $0x80, v8, vm0, $0xb8;
	[tilespmem:$0xFA80] =	vst v63  }
0x106: {  	_ = 	snop  }
0x107: {  	[tilespmem:s16], [sflag:$0x1] =	stream.indirect_vreg.gather [hbm4b:s5+s2], $0x80, v7, vm0, $0xb8;
	[tilespmem:$0xFA80] =	vst v63  }
0x108: {  	_ = 	snop  }
0x109: {  	[tilespmem:s17], [sflag:$0x1] =	stream.indirect_vreg.gather [hbm4b:s11+s2], $0x80, v7, vm0, $0xb8;
	[tilespmem:$0xFA80] =	vst v63  }
0x10a: {  	_ = 	snop  }
0x10b: {  	[tilespmem:s18], [sflag:$0x1] =	stream.indirect_vreg.gather [hbm4b:s12+s2], $0x80, v7, vm0, $0xb8;
	[tilespmem:$0xFA80] =	vst v63  }
0x10c: {  	_ = 	snop  }
0x10d: {  	[tilespmem:s19], [sflag:$0x1] =	stream.indirect_vreg.gather [hbm4b:s14+s2], $0x80, v7, vm0, $0xb8;
	[tilespmem:$0xFA80] =	vst v63  }
0x10e: {  	v7 =	vld.msk [tilespmem:s9+$0x2040], $0xff;
	_ =	sdelay $0x4  }
0x10f: {  	v8 =	vshll.u32 v7, $0x3  }
0x110: {  	v7 =	vand.u32 $0x7, v7;
	v8 =	vand.u32 $0xFFFFFFC0, v8  }
0x111: {  	v7 =	vor.u32 v7, v8  }
0x112: {  	v7 =	vperm.xlane v7, v4;
	_ =	sdelay $0x1  }
0x113: {  	v7 =	vadd.s32 v5, v7;
	_ =	sdelay $0x4  }
0x114: {  	[tilespmem:s25], [sflag:$0x1] =	stream.indirect_vreg.gather [hbm4b:s5+s2], $0x80, v7, vm0, $0xb8;
	[tilespmem:$0xFA80] =	vst v63  }
0x115: {  	_ = 	snop  }
0x116: {  	[tilespmem:s26], [sflag:$0x1] =	stream.indirect_vreg.gather [hbm4b:s11+s2], $0x80, v7, vm0, $0xb8;
	[tilespmem:$0xFA80] =	vst v63  }
0x117: {  	_ = 	snop  }
0x118: {  	[tilespmem:s28], [sflag:$0x1] =	stream.indirect_vreg.gather [hbm4b:s12+s2], $0x80, v7, vm0, $0xb8;
	[tilespmem:$0xFA80] =	vst v63  }
0x119: {  	_ = 	snop  }
0x11a: {  	[tilespmem:s6], [sflag:$0x1] =	stream.indirect_vreg.gather [hbm4b:s14+s2], $0x80, v7, vm0, $0xb8;
	[tilespmem:$0xFA80] =	vst v63  }
0x11b: {  	s29 =	rddreg [dreg:$0x9]  }
0x11c: {  	[hbm4b:s29+s2] =	stream.linear.scatter [tilespmem:s7], [sflag:$0x3], $0x6000, $0x38;
	[tilespmem:$0xFA80] =	vst v63  }
0x11d: {  	_ =	swait.ge [sflag:s20], $0x6000  }
0x11e: {  	[sflag:s20] =	ssyncset.done $0x0  }
0x11f: {  	[sflag:s20] =	ssyncadd.s32 $0xFFFFA000  }
0x120: {  	_ =	swait.ge [sflag:s22], $0x6000  }
0x121: {  	[sflag:s22] =	ssyncset.done $0x0  }
0x122: {  	s30 =	rddreg [dreg:$0xa];
	[sflag:s22] =	ssyncadd.s32 $0xFFFFA000  }
0x123: {  	[hbm4b:s30+s2] =	stream.linear.scatter [tilespmem:s24], [sflag:$0x3], $0x6000, $0x38;
	[tilespmem:$0xFA80] =	vst v63  }
0x124: {  	_ =	swait.ge [sflag:s20], $0x6000  }
0x125: {  	s10 =	sadd.s32 $0x1, s10;
	s31 =	rddreg [dreg:$0xb]  }
0x126: {  	p1 =	sne.s32 s10, s31  }
.Ltmp10:
0x127: {  	_ = 	snop;
	(pc) =	sbr.rel @p1 .LBB2_1-.Ltmp10, $4  }
.Ltmp11:
0x128: {  	_ = 	snop;
	(pc) =	sbr.rel @!p1 .LBB2_22-.Ltmp11, $4  }
0x129: {  	_ = 	snop  }
0x12a: {  	[sflag:s20] =	ssyncset.done $0x0  }
0x12b: {  	[sflag:s20] =	ssyncadd.s32 $0xFFFFA000  }
0x12c: {  	_ = 	snop  }
.LBB2_2:
.Ltmp12:
0x12d: {  	(pc) =	sbr.rel .LBB2_15-.Ltmp12, $2  }
0x12e: {  	_ =	sdelay $0x2  }
0x12f: {  	s25 =	simm.s32 $0x0;
	s17 =	simm.s32 $0x0;
	s18 =	simm.s32 $0x0  }
.LBB2_4:
.Ltmp13:
0x130: {  	(pc) =	sbr.rel .LBB2_15-.Ltmp13, $3  }
0x131: {  	_ =	sdelay $0x1  }
0x132: {  	s25 =	simm.s32 $0x10  }
0x133: {  	v10 =	vmov v7;
	s17 =	simm.s32 $0x0;
	s18 =	simm.s32 $0x0;
	s4 =	simm.s32 $0x0  }
.LBB2_6:
.Ltmp14:
0x134: {  	(pc) =	sbr.rel .LBB2_15-.Ltmp14, $3  }
0x135: {  	_ =	sdelay $0x1  }
0x136: {  	s25 =	simm.s32 $0x20;
	s17 =	simm.s32 $0x0  }
0x137: {  	v17 =	vmov v9;
	v24 =	vmov v7;
	v10 =	vmov v13;
	s18 =	simm.s32 $0x0;
	s1 =	simm.s32 $0x0;
	s4 =	simm.s32 $0x10  }
.LBB2_8:
.Ltmp15:
0x138: {  	(pc) =	sbr.rel .LBB2_15-.Ltmp15, $3  }
0x139: {  	_ =	sdelay $0x1  }
0x13a: {  	s25 =	simm.s32 $0x30;
	s17 =	simm.s32 $0x0;
	s18 =	simm.s32 $0x0;
	v17 =	vmov v19  }
0x13b: {  	v24 =	vmovc v13;
	v10 =	vmovc v15;
	v14 =	vmov v8;
	s0 =	simm.s32 $0x0;
	s1 =	simm.s32 $0x10;
	s4 =	simm.s32 $0x20;
	v21 =	vmov v9;
	v25 =	vmov v7  }
.LBB2_10:
.Ltmp16:
0x13c: {  	(pc) =	sbr.rel .LBB2_15-.Ltmp16, $3  }
0x13d: {  	_ =	sdelay $0x1  }
0x13e: {  	s25 =	simm.s32 $0x40;
	s17 =	simm.s32 $0x0;
	s18 =	simm.s32 $0x0;
	v18 =	vmov v8;
	v14 =	vmov v16;
	v20 =	vmov v7  }
0x13f: {  	s31 =	simm.s32 $0x0;
	s0 =	simm.s32 $0x10;
	s1 =	simm.s32 $0x20;
	v17 =	vmovc v23;
	v22 =	vmovc v9;
	v21 =	vmov v19;
	v25 =	vmov v13;
	v24 =	vmov v15  }
.LBB2_12:
.Ltmp17:
0x140: {  	(pc) =	sbr.rel .LBB2_15-.Ltmp17, $3  }
0x141: {  	_ =	sdelay $0x1  }
0x142: {  	s16 =	simm.s32 $0x0;
	s18 =	simm.s32 $0x0;
	s31 =	simm.s32 $0x10;
	v24 =	vmov v10;
	v18 =	vmov v16  }
0x143: {  	s0 =	simm.s32 $0x20;
	v20 =	vmovc v13;
	s1 =	simm.s32 $0x30;
	s4 =	simm.s32 $0x40;
	v22 =	vmovc v19;
	v21 =	vmov v23;
	v25 =	vmov v15;
	v10 =	vmov v26  }
.LBB2_22:
0x144: {  	_ =	sfence.sel $0x180000  }
0x145: {  	[bflag:$0x0] =	sbarrier.arrive $0xFFFF  }
0x146: {  	_ =	strace $0x90000047  }
0x147: {  	s0 =	stileid.u32;
	[bflag:$0x2] =	sbarrier.arrive $0xFFFF  }
0x148: {  	p0 =	sne.s32 s0, $0x0;
	s0 =	rddreg [dreg:$0x2]  }
0x149: {  	s0 =	sadd.s32 @!p0 $0x100000, s0  }
0x14a: {  	[sflag:s0] =	ssyncadd.tile.s32 @!p0 $0x1;
	_ =	shalt  }
.Lfunc_end2:
_tile_overlayer_lowered:
.L_overlay_start_2:
0x14b: {  	(tag) =	ssettag $0x2  }
0x14c: {  	s0 =	rddreg [dreg:$0x0];
	s2 =	stileid.u32  }
0x14d: {  	s1 =	rddreg [dreg:$0x1];
	p0 =	sne.s32 s2, $0x0  }
0x14e: {  	s3 =	rddreg [dreg:$0x2];
	[bflag:$0x3] =	sbarrier.arrive $0xFFFF;
	s2 =	simm.s32 @!p0 $0x1C03  }
0x14f: {  	[timem:s3], [sflag:s2] =	dma.local @!p0 [hbm:s0], s1  }
0x150: {  	s0 =	simm.s32 @!p0 $0x3  }
0x151: {  	_ =	swait.ge @!p0 [sflag:s0], s1  }
0x152: {  	s1 =	ssub.s32 @!p0 $0x0, s1;
	[sflag:s0] =	ssyncset.done @!p0 $0x0  }
0x153: {  	[sflag:s0] =	ssyncadd.s32 @!p0 s1  }
0x154: {  	[bflag:$0x3] =	sbarrier.arrive $0xFFFF  }
0x155: {  	_ =	shalt  }

// kernel: sparse-core-data-format-call.1.cloned.1.call-start
scs
called_computation.1_lowered:
.L_overlay_start_0:
0x0: {  	s1 =	sld [smem:$0x3FD9]  }
0x1: {  	s2 =	sld [smem:$0x3FFE];
	_ =	sdelay $0x1  }
0x2: {  	s3 =	srdreg.scid  }
0x3: {  	s0 =	sand.u32 $0x1, s3  }
0x4: {  	s17 =	sshll.u32 s0, $0xA;
	s1 =	sadd.s32 s2, s1  }
0x5: {  	s1 =	sadd.s32 s1, s17  }
0x6: {  	[smem:$0x3FC0] =	sst s1  }
0x7: {  	_ = 	snop  }
0x8: {  	(tm) =	ssettm $0x1  }
0x9: {  	s18 =	sld [smem:$0x3FFB];
	_ =	sdelay $0x3  }
0xa: {  	_ =	strace s18  }
0xb: {  	s1 =	sld [smem:$0x3FFC];
	_ =	sdelay $0x3  }
0xc: {  	_ =	strace s1  }
0xd: {  	s1 =	sld [smem:$0x3FFD];
	_ =	sdelay $0x3  }
0xe: {  	_ =	strace s1  }
0xf: {  	_ =	strace $0x8FFFFFFF  }
0x10: {  	s19 =	sld [smem:$0x3FDB];
	_ =	sdelay $0x1  }
0x11: {  	s20 =	simm.s32 $_scs_section_size  }
0x12: {  	s4 =	simm.s32 $_size__tile_overlayer_lowered;
	s5 =	simm.s32 $_tile_overlayer_lowered  }
0x13: {  	s23 =	simm.s32 $0x1BFF;
	s22 =	sshll.u32 s5, $0x1;
	s1 =	sadd.s32 s20, s19  }
0x14: {  	s6 =	simm.s32 $0x0;
	s21 =	sshll.u32 s4, $0x1;
	s4 =	sadd.s32 s22, s1  }
0x15: {  	[timem:s6], [sflag:s23] =	dma.local [hbm:s4], s21  }
0x16: {  	_ =	swait.ge [sflag:s23], s21  }
0x17: {  	s2 =	ssub.s32 $0x0, s21;
	[sflag:s23] =	ssyncset.done $0x0  }
0x18: {  	[sflag:s23] =	ssyncadd.s32 s2;
	_ =	sdelay $0x1  }
0x19: {  	s24 =	simm.s32 $0x1B8B  }
0x1a: {  	_ =	swait.ge [sflag:s24], $0x1  }
0x1b: {  	[sflag:s24] =	ssyncset.done $0x0  }
0x1c: {  	s26 =	simm.s32 $0x1B8E;
	s25 =	sld [smem:$0x3FFE];
	[sflag:s24] =	ssyncadd.s32 $0xFFFFFFFF  }
0x1d: {  	s27 =	simm.s32 $execute0_lowered;
	[smem:$0x3FD2] =	sst s26  }
0x1e: {  	s4 =	sshll.u32 s27, $0x1;
	_ =	strace $0x80000049;
	[dreg:$0x1] =	wrdreg $0xFFFFFFFF  }
0x1f: {  	s28 =	simm.s32 $_size_execute0_lowered;
	s1 =	sadd.s32 s1, s4;
	[dreg:$0x0] =	wrdreg $0x0  }
0x20: {  	s4 =	sshll.u32 s28, $0x1;
	[dreg:$0x2] =	wrdreg s1  }
0x21: {  	[dreg:$0x3] =	wrdreg s4  }
0x22: {  	[dreg:$0x4] =	wrdreg $0xC0  }
0x23: {  	_ =	task [dreg:s6], $0x5FFFF  }
0x24: {  	[dreg:$0x1] =	wrdreg $0xFFFFFFFF  }
0x25: {  	[dreg:$0x0] =	wrdreg $0x60  }
0x26: {  	[dreg:$0x2] =	wrdreg s25  }
0x27: {  	[dreg:$0x3] =	wrdreg $0x9  }
0x28: {  	_ =	task.clear_ibuf [dreg:s6], $0x4FFFF;
	_ =	strace $0x90000049  }
0x29: {  	s29 =	simm.s32 $0x9;
	_ =	strace $0x8000004B  }
0x2a: {  	_ =	swait.ge [sflag:s29], $0x1  }
0x2b: {  	[sflag:s29] =	ssyncadd.s32 $0xFFFFFFFF  }
0x2c: {  	_ =	strace $0x9000004B  }
0x2d: {  	_ =	sfence  }
0x2e: {  	s30 =	sld [smem:$0x0];
	_ =	sdelay $0x2  }
0x2f: {  	s31 =	sshll.u32 s3, $0xD;
	s3 =	sshrl.u32 s3, $0x2  }
0x30: {  	s2 =	sand.u32 $0x4000, s31;
	s1 =	sadd.s32 s3, s30  }
0x31: {  	s0 =	sor.u32 s2, s0;
	s1 =	sshll.u32 s1, $0x11  }
0x32: {  	s0 =	sor.u32 s1, s0  }
0x33: {  	s0 =	sadd.s32 $0x8F2B, s0  }
0x34: {  	[sflag:s0] =	ssyncadd.remote.s32 $0x1  }
0x35: {  	_ =	sfence.sel $0xFFFF  }
0x36: {  	[dreg:$0x0] =	wrdreg $0xFFFFFFFF;
	(pc) =	sbr.abs _section_cstart, $3  }
0x37: {  	[dreg:$0x1] =	wrdreg $0xFFFFFFFF  }
0x38: {  	_ =	task.clear_ibuf [dreg:s6], $0x2FFFF;
	_ =	strace $0x9FFFFFFF  }
0x39: {  	(tm) =	ssettm $0x7FFFFFFF  }
tec
execute0_lowered:
.L_overlay_start_1:
0x0: {  	(tag) =	ssettag $0x1  }
0x1: {  	s0 =	srdreg.scid  }
0x2: {  	s1 =	sshll.u32 s0, $0x4  }
0x3: {  	s0 =	stileid.u32;
	s1 =	sand.u32 $0x10, s1  }
0x4: {  	s4 =	rddreg [dreg:$0x0];
	s7 =	sor.u32 s0, s1  }
0x5: {  	s5 =	simm.s32 $0x1;
	s8 =	simm.s32 $0x2;
	s2 =	sshll.u32 s7, $0x7  }
0x6: {  	s14 =	simm.s32 $0x0;
	s10 =	simm.s32 $0x4800;
	s3 =	ssub.s32 $0x1000, s2  }
0x7: {  	s13 =	simm.s32 $0x0;
	s11 =	simm.s32 $0x0;
	s31 =	sand.u32 $0xF80, s3  }
0x8: {  	s12 =	simm.s32 $0x0;
	s1 =	rddreg [dreg:$0x1];
	p0 =	sne.s32 s31, $0x0  }
.Ltmp0:
0x9: {  	s6 =	sshrl.u32 s3, $0xC;
	s5 =	simm.s32 @!p0 $0x0;
	(pc) =	sbr.rel .LBB1_1-.Ltmp0, $4  }
0xa: {  	_ =	strace $0x8000004A;
	s7 =	sshll.u32 s7, $0xA;
	s6 =	sadd.s32 s5, s6  }
0xb: {  	s3 =	sadd.s32 $0x19D400, s4;
	s5 =	simm.s32 $0x1;
	s6 =	smul.u32 $0x12, s6  }
0xc: {  	s4 =	sadd.s32 $0x2BD400, s4;
	p0 =	por $0x0, $0x0;
	[sflag:s5] =	ssyncpa.u1 $0x0  }
0xd: {  	[sflag:s8] =	ssyncpa.u1 $0x0;
	s8 =	sand.u32 $0xC00, s7;
	s9 =	sor.u32 $0x1, s6  }
.LBB1_4:
0xe: {  	s14 =	sshrl.u32 s14, $0x3  }
0xf: {  	s20 =	sshll.u32 s13, $0x3;
	s14 =	smul.u32 $0x4800, s14  }
0x10: {  	v5 =	vld [tilespmem:s18+$0xFFFFFFD0];
	[tilespmem:s17+$0x2040 ss:$0x81] =	vst.msk $0xffff, v4;
	s20 =	sand.u32 $0xFFFFFC00, s20  }
0x11: {  	v58 =	vld [tilespmem:s18+$0xFFFFFFE0];
	[tilespmem:s17+$0x2850 ss:$0x81] =	vst.msk $0xffff, v3;
	s30 =	sand.u32 $0x7F, s13;
	s14 =	sadd.s32 s20, s14  }
0x12: {  	s19 =	sshra.s32 s19, $0x2;
	v59 =	vld [tilespmem:s18+$0xFFFFFFF0];
	[tilespmem:s17+$0x3060 ss:$0x81] =	vst.msk $0xffff, v2;
	s13 =	sor.u32 s30, s14  }
0x13: {  	v60 =	vld [tilespmem:s18+$0x0];
	[tilespmem:s17+$0x0 ss:$0x81] =	vst.msk $0xffff, v0;
	s16 =	sadd.s32 s19, s16;
	s31 =	smulhi.u32 $0x38E38E39, s13  }
0x14: {  	v61 =	vld [tilespmem:s18+$0x10];
	[tilespmem:s16+$0x3870 ss:$0x81] =	vst.msk $0xffff, v1  }
0x15: {  	v62 =	vld [tilespmem:s18+$0x20];
	s14 =	smulhi.u32 $0x38E38E39, s14;
	[tilespmem:s16+$0x810 ss:$0x81] =	vst.msk $0xffff, v5;
	s17 =	sshrl.u32 s31, $0x9  }
0x16: {  	v63 =	vld [tilespmem:s18+$0xFFFFFFC0];
	[tilespmem:s16+$0x1020 ss:$0x81] =	vst.msk $0xffff, v58;
	s17 =	smul.u32 $0x900, s17  }
0x17: {  	[tilespmem:s16+$0x1830 ss:$0x81] =	vst.msk $0xffff, v59;
	s14 =	sshrl.u32 s14, $0x9  }
0x18: {  	[tilespmem:s16+$0x2040 ss:$0x81] =	vst.msk $0xffff, v60;
	s14 =	sand.u32 $0xFFF, s14;
	s13 =	ssub.s32 s13, s17  }
0x19: {  	[tilespmem:s16+$0x2850 ss:$0x81] =	vst.msk $0xffff, v61;
	s14 =	smul.u32 $0x120, s14;
	s17 =	sshrl.u32 s13, $0x3;
	s13 =	sand.u32 $0x7, s13  }
0x1a: {  	[tilespmem:s16+$0x3060 ss:$0x81] =	vst.msk $0xffff, v62;
	s17 =	sadd.s32 s4, s17;
	s13 =	sshll.u32 s13, $0x12  }
0x1b: {  	[tilespmem:s16+$0x0 ss:$0x81] =	vst.msk $0xffff, v63;
	s14 =	sadd.s32 s14, s17;
	s13 =	sor.u32 $0x400, s13  }
0x1c: {  	[hbm4b:s14+s13] =	stream.strided.scatter [tilespmem:s15], [sflag:$0x2], $0x4000, s10, s13, $0x20;
	[tilespmem:$0x10100] =	vst v63  }
.LBB1_5:
0x1d: {  	s15 =	sadd.s32 $0x80, s11  }
0x1e: {  	p2 =	sgt.s32 s15, $0x8FF  }
0x1f: {  	s15 =	simm.s32 @p2 $0x0;
	p2 =	sne.s32 s12, s9  }
.Ltmp1:
0x20: {  	p1 =	slt.u32 s12, $0x2;
	(pc) =	sbr.rel @!p2 .LBB1_6-.Ltmp1, $4  }
0x21: {  	s14 =	simm.s32 @!p1 $0x2  }
0x22: {  	s16 =	sadd.s32 $0x1, s12;
	s13 =	smov.u32 s11;
	_ =	swait.ge @!p1 [sflag:s14], $0x4000  }
0x23: {  	p0 =	por !p0, !p0;
	s12 =	smov.u32 s16;
	[sflag:s14] =	ssyncset.done @!p1 $0x0  }
0x24: {  	s11 =	smov.u32 s15;
	[sflag:s14] =	ssyncadd.s32 @!p1 $0xFFFFC000;
	s14 =	smov.u32 s2  }
.LBB1_1:
0x25: {  	p1 =	sge.u32 s12, s6  }
0x26: {  	s15 =	sshll.u32 @!p1 s11, $0xC  }
0x27: {  	s15 =	sand.u32 @!p1 $0xFFFF8000, s15  }
0x28: {  	s15 =	sor.u32 @!p1 s7, s15  }
0x29: {  	s15 =	sshrl.u32 @!p1 s15, $0xC  }
0x2a: {  	s16 =	smulhi.u32 @!p1 $0x1C71C8, s15  }
0x2b: {  	s17 =	sshll.u32 @!p1 s11, $0x7  }
0x2c: {  	s17 =	sand.u32 @!p1 $0x380, s17;
	s16 =	smul.u32 @!p1 $0x900, s16  }
0x2d: {  	s31 =	sadd.s32 $0xFFFFFFFF, s12;
	s18 =	sxor.u32 @!p1 $0xFFFFFFFF, s12;
	s17 =	sor.u32 @!p1 s8, s17  }
0x2e: {  	s18 =	sshll.u32 @!p1 s18, $0xE;
	s15 =	ssub.s32 @!p1 s15, s16;
	s16 =	sshrl.u32 @!p1 s17, $0x3  }
0x2f: {  	s17 =	sand.u32 @!p1 $0x4000, s18;
	s15 =	sshll.u32 @!p1 s15, $0x9;
	s16 =	sadd.s32 @!p1 s3, s16  }
0x30: {  	s18 =	simm.s32 @!p1 $0x8000;
	s15 =	sadd.s32 @!p1 s15, s16;
	s16 =	simm.s32 @!p1 $0x400  }
0x31: {  	[tilespmem:s17], [sflag:$0x1] =	stream.strided.gather @!p1 [hbm4b:s15+s16], $0x4000, s18, s16, $0x38;
	[tilespmem:$0x10100] =	vst v63  }
0x32: {  	p1 =	sge.u32 s31, s6  }
.Ltmp2:
0x33: {  	_ = 	snop;
	(pc) =	sbr.rel @p1 .LBB1_5-.Ltmp2, $1  }
0x34: {  	_ =	sdelay $0x3  }
0x35: {  	s15 =	simm.s32 $0x1  }
0x36: {  	_ =	swait.ge [sflag:s5], $0x4000;
	s15 =	simm.s32 @!p0 $0x0  }
0x37: {  	[sflag:s5] =	ssyncset.done $0x0;
	s16 =	sshll.u32 s15, $0xE  }
0x38: {  	[sflag:s5] =	ssyncadd.s32 $0xFFFFC000;
	s18 =	sor.u32 $0x40, s16  }
0x39: {  	s15 =	smul.u32 $0x10200, s15;
	v0 =	vld [tilespmem:s18+$0x30]  }
0x3a: {  	v1 =	vld [tilespmem:s18+$0xFFFFFFD0]  }
0x3b: {  	s15 =	sshrl.u32 s15, $0x2;
	v5 =	vld [tilespmem:s18+$0xFFFFFFE0]  }
0x3c: {  	v6 =	vld [tilespmem:s18+$0xFFFFFFF0];
	s16 =	sor.u32 $0x8000, s15  }
0x3d: {  	s31 =	sand.u32 $0x1, s12;
	v4 =	vld [tilespmem:s18+$0x0];
	s17 =	sadd.s32 $0x0, s16  }
0x3e: {  	v3 =	vld [tilespmem:s18+$0x10];
	s15 =	smul.u32 $0x10200, s31;
	[tilespmem:s17+$0x3870 ss:$0x81] =	vst.msk $0xffff, v0  }
0x3f: {  	v2 =	vld [tilespmem:s18+$0x20];
	[tilespmem:s17+$0x810 ss:$0x81] =	vst.msk $0xffff, v1  }
0x40: {  	s15 =	sshrl.u32 s15, $0x2;
	v0 =	vld [tilespmem:s18+$0xFFFFFFC0];
	[tilespmem:s17+$0x1020 ss:$0x81] =	vst.msk $0xffff, v5;
	s18 =	sadd.s32 $0x80, s18  }
0x41: {  	s19 =	simm.s32 $0x4;
	s20 =	simm.s32 $0x8;
	s15 =	sor.u32 $0x8000, s15;
	[tilespmem:s17+$0x1830 ss:$0x81] =	vst.msk $0xffff, v6;
	v1 =	vld [tilespmem:s18+$0x30]  }
.LBB1_3:
0x42: {  	p1 =	sne.s32 s20, $0x1FC;
	v5 =	vld [tilespmem:s18+$0xFFFFFFD0];
	[tilespmem:s17+$0x2040 ss:$0x81] =	vst.msk $0xffff, v4  }
0x43: {  	v6 =	vld [tilespmem:s18+$0xFFFFFFE0];
	[tilespmem:s17+$0x2850 ss:$0x81] =	vst.msk $0xffff, v3  }
0x44: {  	s21 =	sshra.s32 s19, $0x2;
	s19 =	smov.u32 s20;
	v7 =	vld [tilespmem:s18+$0xFFFFFFF0];
	[tilespmem:s17+$0x3060 ss:$0x81] =	vst.msk $0xffff, v2  }
.Ltmp3:
0x45: {  	v4 =	vld [tilespmem:s18+$0x0];
	[tilespmem:s17+$0x0 ss:$0x81] =	vst.msk $0xffff, v0;
	s17 =	sadd.s32 s21, s16;
	(pc) =	sbr.rel @p1 .LBB1_3-.Ltmp3, $4  }
0x46: {  	v3 =	vld [tilespmem:s18+$0x10];
	[tilespmem:s17+$0x3870 ss:$0x81] =	vst.msk $0xffff, v1  }
0x47: {  	[tilespmem:s17+$0x810 ss:$0x81] =	vst.msk $0xffff, v5;
	v2 =	vld [tilespmem:s18+$0x20]  }
0x48: {  	v0 =	vld [tilespmem:s18+$0xFFFFFFC0];
	[tilespmem:s17+$0x1020 ss:$0x81] =	vst.msk $0xffff, v6;
	s18 =	sadd.s32 $0x80, s18  }
0x49: {  	s20 =	sadd.s32 $0x4, s20;
	v1 =	vld [tilespmem:s18+$0x30];
	[tilespmem:s17+$0x1830 ss:$0x81] =	vst.msk $0xffff, v7  }
.Ltmp4:
0x4a: {  	_ = 	snop;
	(pc) =	sbr.rel .LBB1_4-.Ltmp4, $1  }
0x4b: {  	_ =	sdelay $0x3  }
.LBB1_6:
0x4c: {  	_ =	sfence.sel $0x180000  }
0x4d: {  	s2 =	simm.s32 $0x1;
	[bflag:$0x0] =	sbarrier.arrive $0xFFFF  }
0x4e: {  	s31 =	simm.s32 $0x2;
	[sflag:s2] =	ssyncpa.u1 $0x1  }
0x4f: {  	[sflag:s31] =	ssyncpa.u1 $0x1  }
0x50: {  	p0 =	sne.s32 s0, $0x0;
	_ =	strace $0x9000004A  }
0x51: {  	s0 =	sadd.s32 @!p0 $0x100000, s1;
	[bflag:$0x2] =	sbarrier.arrive $0xFFFF  }
0x52: {  	[sflag:s0] =	ssyncadd.tile.s32 @!p0 $0x1;
	_ =	shalt  }
.Lfunc_end1:
_tile_overlayer_lowered:
.L_overlay_start_2:
0x53: {  	(tag) =	ssettag $0x2  }
0x54: {  	s0 =	rddreg [dreg:$0x0];
	s2 =	stileid.u32  }
0x55: {  	s1 =	rddreg [dreg:$0x1];
	p0 =	sne.s32 s2, $0x0  }
0x56: {  	s3 =	rddreg [dreg:$0x2];
	[bflag:$0x3] =	sbarrier.arrive $0xFFFF;
	s2 =	simm.s32 @!p0 $0x1C01  }
0x57: {  	[timem:s3], [sflag:s2] =	dma.local @!p0 [hbm:s0], s1  }
0x58: {  	s0 =	simm.s32 @!p0 $0x1  }
0x59: {  	_ =	swait.ge @!p0 [sflag:s0], s1  }
0x5a: {  	s1 =	ssub.s32 @!p0 $0x0, s1;
	[sflag:s0] =	ssyncset.done @!p0 $0x0  }
0x5b: {  	[sflag:s0] =	ssyncadd.s32 @!p0 s1  }
0x5c: {  	[bflag:$0x3] =	sbarrier.arrive $0xFFFF  }
0x5d: {  	_ =	shalt  }

// kernel: sparse-core-data-format-call.cloned.1.call-start
scs
called_computation_lowered:
.L_overlay_start_0:
0x0: {  	s1 =	sld [smem:$0x3FD9]  }
0x1: {  	s2 =	sld [smem:$0x3FFE];
	_ =	sdelay $0x1  }
0x2: {  	s3 =	srdreg.scid  }
0x3: {  	s0 =	sand.u32 $0x1, s3  }
0x4: {  	s17 =	sshll.u32 s0, $0xA;
	s1 =	sadd.s32 s2, s1  }
0x5: {  	s1 =	sadd.s32 s1, s17  }
0x6: {  	[smem:$0x3FC0] =	sst s1  }
0x7: {  	_ = 	snop  }
0x8: {  	(tm) =	ssettm $0x1  }
0x9: {  	s18 =	sld [smem:$0x3FFB];
	_ =	sdelay $0x3  }
0xa: {  	_ =	strace s18  }
0xb: {  	s1 =	sld [smem:$0x3FFC];
	_ =	sdelay $0x3  }
0xc: {  	_ =	strace s1  }
0xd: {  	s1 =	sld [smem:$0x3FFD];
	_ =	sdelay $0x3  }
0xe: {  	_ =	strace s1  }
0xf: {  	_ =	strace $0x8FFFFFFF  }
0x10: {  	s19 =	sld [smem:$0x3FDB];
	_ =	sdelay $0x1  }
0x11: {  	s20 =	simm.s32 $_scs_section_size  }
0x12: {  	s4 =	simm.s32 $_size__tile_overlayer_lowered;
	s5 =	simm.s32 $_tile_overlayer_lowered  }
0x13: {  	s23 =	simm.s32 $0x1BFF;
	s22 =	sshll.u32 s5, $0x1;
	s1 =	sadd.s32 s20, s19  }
0x14: {  	s6 =	simm.s32 $0x0;
	s21 =	sshll.u32 s4, $0x1;
	s4 =	sadd.s32 s22, s1  }
0x15: {  	[timem:s6], [sflag:s23] =	dma.local [hbm:s4], s21  }
0x16: {  	_ =	swait.ge [sflag:s23], s21  }
0x17: {  	s2 =	ssub.s32 $0x0, s21;
	[sflag:s23] =	ssyncset.done $0x0  }
0x18: {  	[sflag:s23] =	ssyncadd.s32 s2;
	_ =	sdelay $0x1  }
0x19: {  	s24 =	simm.s32 $0x1B8B  }
0x1a: {  	_ =	swait.ge [sflag:s24], $0x1  }
0x1b: {  	[sflag:s24] =	ssyncset.done $0x0  }
0x1c: {  	s26 =	simm.s32 $0x1B8E;
	s25 =	sld [smem:$0x3FFE];
	[sflag:s24] =	ssyncadd.s32 $0xFFFFFFFF  }
0x1d: {  	s27 =	simm.s32 $execute0_lowered;
	[smem:$0x3FD2] =	sst s26  }
0x1e: {  	s4 =	sshll.u32 s27, $0x1;
	_ =	strace $0x8000004F;
	[dreg:$0x1] =	wrdreg $0xFFFFFFFF  }
0x1f: {  	s28 =	simm.s32 $_size_execute0_lowered;
	s1 =	sadd.s32 s1, s4;
	[dreg:$0x0] =	wrdreg $0x0  }
0x20: {  	s4 =	sshll.u32 s28, $0x1;
	[dreg:$0x2] =	wrdreg s1  }
0x21: {  	[dreg:$0x3] =	wrdreg s4  }
0x22: {  	[dreg:$0x4] =	wrdreg $0xC0  }
0x23: {  	_ =	task [dreg:s6], $0x5FFFF  }
0x24: {  	[dreg:$0x1] =	wrdreg $0xFFFFFFFF  }
0x25: {  	[dreg:$0x0] =	wrdreg $0x60  }
0x26: {  	[dreg:$0x2] =	wrdreg s25  }
0x27: {  	[dreg:$0x3] =	wrdreg $0x9  }
0x28: {  	_ =	task.clear_ibuf [dreg:s6], $0x4FFFF;
	_ =	strace $0x9000004F  }
0x29: {  	s29 =	simm.s32 $0x9;
	_ =	strace $0x80000051  }
0x2a: {  	_ =	swait.ge [sflag:s29], $0x1  }
0x2b: {  	[sflag:s29] =	ssyncadd.s32 $0xFFFFFFFF  }
0x2c: {  	_ =	strace $0x90000051  }
0x2d: {  	_ =	sfence  }
0x2e: {  	s30 =	sld [smem:$0x0];
	_ =	sdelay $0x2  }
0x2f: {  	s31 =	sshll.u32 s3, $0xD;
	s3 =	sshrl.u32 s3, $0x2  }
0x30: {  	s2 =	sand.u32 $0x4000, s31;
	s1 =	sadd.s32 s3, s30  }
0x31: {  	s0 =	sor.u32 s2, s0;
	s1 =	sshll.u32 s1, $0x11  }
0x32: {  	s0 =	sor.u32 s1, s0  }
0x33: {  	s0 =	sadd.s32 $0x8F2B, s0  }
0x34: {  	[sflag:s0] =	ssyncadd.remote.s32 $0x1  }
0x35: {  	_ =	sfence.sel $0xFFFF  }
0x36: {  	[dreg:$0x0] =	wrdreg $0xFFFFFFFF;
	(pc) =	sbr.abs _section_cstart, $3  }
0x37: {  	[dreg:$0x1] =	wrdreg $0xFFFFFFFF  }
0x38: {  	_ =	task.clear_ibuf [dreg:s6], $0x2FFFF;
	_ =	strace $0x9FFFFFFF  }
0x39: {  	(tm) =	ssettm $0x7FFFFFFF  }
tec
execute0_lowered:
.L_overlay_start_1:
0x0: {  	(tag) =	ssettag $0x1  }
0x1: {  	s0 =	srdreg.scid  }
0x2: {  	s1 =	sshll.u32 s0, $0x4  }
0x3: {  	s6 =	rddreg [dreg:$0x0];
	s0 =	stileid.u32;
	s1 =	sand.u32 $0x10, s1  }
0x4: {  	s5 =	simm.s32 $0x1;
	s31 =	simm.s32 $0x2;
	s1 =	sor.u32 s0, s1  }
0x5: {  	s13 =	simm.s32 $0x0;
	s8 =	simm.s32 $0x8000;
	s2 =	sshll.u32 s1, $0x7  }
0x6: {  	s12 =	simm.s32 $0x0;
	s9 =	simm.s32 $0x0;
	s3 =	ssub.s32 $0x1000, s2  }
0x7: {  	s11 =	simm.s32 $0x0;
	s1 =	rddreg [dreg:$0x1];
	s4 =	sand.u32 $0xF80, s3  }
.Ltmp0:
0x8: {  	_ =	strace $0x80000050;
	p0 =	sne.s32 s4, $0x0;
	(pc) =	sbr.rel .LBB1_1-.Ltmp0, $4  }
0x9: {  	s10 =	smov.u32 s2;
	s7 =	sshrl.u32 s3, $0xC;
	s5 =	simm.s32 @!p0 $0x0  }
0xa: {  	s3 =	sadd.s32 $0x18D400, s6;
	s4 =	simm.s32 $0x1;
	s5 =	sadd.s32 s5, s7  }
0xb: {  	s6 =	sadd.s32 $0x8D400, s6;
	[sflag:s4] =	ssyncpa.u1 $0x0;
	s5 =	sshll.u32 s5, $0x4  }
0xc: {  	p0 =	por $0x0, $0x0;
	[sflag:s31] =	ssyncpa.u1 $0x0;
	s7 =	sor.u32 $0x1, s5  }
.LBB1_4:
0xd: {  	v5 =	vld [tilespmem:s16+$0xFFFFFFD0]  }
0xe: {  	[tilespmem:s17+$0x2040 ss:$0x81] =	vst.msk $0xffff, v1;
	v58 =	vld [tilespmem:s16+$0xFFFFFFE0]  }
0xf: {  	[tilespmem:s17+$0x2850 ss:$0x81] =	vst.msk $0xffff, v2;
	v59 =	vld [tilespmem:s16+$0xFFFFFFF0]  }
0x10: {  	s18 =	sshra.s32 s18, $0x2;
	[tilespmem:s17+$0x3060 ss:$0x81] =	vst.msk $0xffff, v3;
	v60 =	vld [tilespmem:s16+$0x0]  }
0x11: {  	[tilespmem:s17+$0x0 ss:$0x81] =	vst.msk $0xffff, v0;
	v61 =	vld [tilespmem:s16+$0x10];
	s15 =	sadd.s32 s18, s15  }
0x12: {  	s26 =	sshll.u32 s13, $0xC;
	v62 =	vld [tilespmem:s16+$0x20];
	[tilespmem:s15+$0x3870 ss:$0x81] =	vst.msk $0xffff, v4  }
0x13: {  	s27 =	sand.u32 $0x78, s12;
	s19 =	sshll.u32 s12, $0x3;
	v63 =	vld [tilespmem:s16+$0xFFFFFFC0];
	s29 =	sshll.u32 s13, $0x7;
	[tilespmem:s15+$0x810 ss:$0x81] =	vst.msk $0xffff, v5  }
0x14: {  	s17 =	sand.u32 $0x7F8000, s26;
	s28 =	sand.u32 $0x7FFC00, s19;
	s19 =	sand.u32 $0xC00, s19;
	[tilespmem:s15+$0x1020 ss:$0x81] =	vst.msk $0xffff, v58  }
0x15: {  	s13 =	sand.u32 $0x380, s29;
	s16 =	sadd.s32 s28, s17;
	s30 =	sor.u32 s27, s19;
	[tilespmem:s15+$0x1830 ss:$0x81] =	vst.msk $0xffff, v59  }
0x16: {  	s16 =	sand.u32 $0x7FF000, s16;
	s13 =	sor.u32 s13, s30;
	[tilespmem:s15+$0x2040 ss:$0x81] =	vst.msk $0xffff, v60  }
0x17: {  	s31 =	sand.u32 $0x7, s12;
	s13 =	sor.u32 s16, s13;
	[tilespmem:s15+$0x2850 ss:$0x81] =	vst.msk $0xffff, v61  }
0x18: {  	s12 =	sshll.u32 s31, $0x12;
	[tilespmem:s15+$0x3060 ss:$0x81] =	vst.msk $0xffff, v62;
	s13 =	sshrl.u32 s13, $0x3  }
0x19: {  	s12 =	sor.u32 $0x400, s12;
	[tilespmem:s15+$0x0 ss:$0x81] =	vst.msk $0xffff, v63;
	s13 =	sadd.s32 s6, s13  }
0x1a: {  	[hbm4b:s13+s12] =	stream.strided.scatter [tilespmem:s14], [sflag:$0x2], $0x4000, s8, s12, $0x20;
	[tilespmem:$0x10100] =	vst v63  }
.LBB1_5:
0x1b: {  	s14 =	sadd.s32 $0x80, s9  }
0x1c: {  	s12 =	sadd.s32 $0x1000, s10;
	s16 =	smov.u32 s10;
	p2 =	sgt.s32 s14, $0x7FF  }
0x1d: {  	s16 =	smov.u32 @p2 s12  }
0x1e: {  	s14 =	simm.s32 @p2 $0x0;
	p2 =	sgt.s32 s16, $0xFFF  }
0x1f: {  	s16 =	smov.u32 @p2 s2;
	p2 =	sne.s32 s11, s7  }
.Ltmp1:
0x20: {  	p1 =	slt.u32 s11, $0x2;
	(pc) =	sbr.rel @!p2 .LBB1_6-.Ltmp1, $4  }
0x21: {  	s15 =	simm.s32 @!p1 $0x2  }
0x22: {  	s13 =	smov.u32 s9;
	p0 =	por !p0, !p0;
	_ =	swait.ge @!p1 [sflag:s15], $0x4000  }
0x23: {  	s12 =	smov.u32 s10;
	[sflag:s15] =	ssyncset.done @!p1 $0x0;
	s9 =	smov.u32 s14  }
0x24: {  	s11 =	sadd.s32 $0x1, s11;
	[sflag:s15] =	ssyncadd.s32 @!p1 $0xFFFFC000;
	s10 =	smov.u32 s16  }
.LBB1_1:
0x25: {  	p1 =	sge.u32 s11, s5;
	s31 =	sadd.s32 $0xFFFFFFFF, s11  }
0x26: {  	s14 =	sand.u32 @!p1 $0x78, s9;
	s15 =	sshll.u32 @!p1 s10, $0xB;
	s16 =	sshll.u32 @!p1 s10, $0x7  }
0x27: {  	s17 =	sshll.u32 @!p1 s9, $0x3;
	s15 =	sand.u32 @!p1 $0x7FC000, s15;
	s16 =	sand.u32 @!p1 $0x380, s16  }
0x28: {  	s15 =	sadd.s32 @!p1 s15, s17;
	s17 =	sand.u32 @!p1 $0x400, s17;
	s14 =	sor.u32 @!p1 s16, s14  }
0x29: {  	s16 =	sxor.u32 @!p1 $0xFFFFFFFF, s11;
	s15 =	sand.u32 @!p1 $0x7FF800, s15;
	s14 =	sor.u32 @!p1 s17, s14  }
0x2a: {  	s16 =	sshll.u32 @!p1 s16, $0xE;
	s14 =	sor.u32 @!p1 s15, s14;
	s15 =	sand.u32 @!p1 $0x7, s9  }
0x2b: {  	s17 =	simm.s32 @!p1 $0x4000;
	s14 =	sshrl.u32 @!p1 s14, $0x3;
	s15 =	sshll.u32 @!p1 s15, $0x12  }
0x2c: {  	s16 =	sand.u32 @!p1 $0x4000, s16;
	s14 =	sadd.s32 @!p1 s3, s14;
	s15 =	sor.u32 @!p1 $0x400, s15  }
0x2d: {  	[tilespmem:s16], [sflag:$0x1] =	stream.strided.gather @!p1 [hbm4b:s14+s15], $0x4000, s17, s15, $0x38;
	[tilespmem:$0x10100] =	vst v63  }
0x2e: {  	p1 =	sge.u32 s31, s5  }
.Ltmp2:
0x2f: {  	_ = 	snop;
	(pc) =	sbr.rel @p1 .LBB1_5-.Ltmp2, $1  }
0x30: {  	_ =	sdelay $0x3  }
0x31: {  	s14 =	simm.s32 $0x1  }
0x32: {  	_ =	swait.ge [sflag:s4], $0x4000;
	s14 =	simm.s32 @!p0 $0x0  }
0x33: {  	[sflag:s4] =	ssyncset.done $0x0;
	s15 =	sshll.u32 s14, $0xE  }
0x34: {  	[sflag:s4] =	ssyncadd.s32 $0xFFFFC000;
	s16 =	sor.u32 $0x40, s15  }
0x35: {  	s14 =	smul.u32 $0x10200, s14;
	v0 =	vld [tilespmem:s16+$0x30]  }
0x36: {  	v3 =	vld [tilespmem:s16+$0xFFFFFFD0]  }
0x37: {  	s14 =	sshrl.u32 s14, $0x2;
	v4 =	vld [tilespmem:s16+$0xFFFFFFE0]  }
0x38: {  	v5 =	vld [tilespmem:s16+$0xFFFFFFF0];
	s15 =	sor.u32 $0x8000, s14  }
0x39: {  	s31 =	sand.u32 $0x1, s11;
	v1 =	vld [tilespmem:s16+$0x0];
	s17 =	sadd.s32 $0x0, s15  }
0x3a: {  	v2 =	vld [tilespmem:s16+$0x10];
	s14 =	smul.u32 $0x10200, s31;
	[tilespmem:s17+$0x3870 ss:$0x81] =	vst.msk $0xffff, v0  }
0x3b: {  	[tilespmem:s17+$0x810 ss:$0x81] =	vst.msk $0xffff, v3;
	v3 =	vld [tilespmem:s16+$0x20]  }
0x3c: {  	s14 =	sshrl.u32 s14, $0x2;
	v0 =	vld [tilespmem:s16+$0xFFFFFFC0];
	[tilespmem:s17+$0x1020 ss:$0x81] =	vst.msk $0xffff, v4;
	s16 =	sadd.s32 $0x80, s16  }
0x3d: {  	s18 =	simm.s32 $0x4;
	s19 =	simm.s32 $0x8;
	s14 =	sor.u32 $0x8000, s14;
	[tilespmem:s17+$0x1830 ss:$0x81] =	vst.msk $0xffff, v5;
	v4 =	vld [tilespmem:s16+$0x30]  }
.LBB1_3:
0x3e: {  	p1 =	sne.s32 s19, $0x1FC;
	v5 =	vld [tilespmem:s16+$0xFFFFFFD0];
	[tilespmem:s17+$0x2040 ss:$0x81] =	vst.msk $0xffff, v1  }
0x3f: {  	v6 =	vld [tilespmem:s16+$0xFFFFFFE0];
	[tilespmem:s17+$0x2850 ss:$0x81] =	vst.msk $0xffff, v2  }
0x40: {  	s20 =	sshra.s32 s18, $0x2;
	s18 =	smov.u32 s19;
	v7 =	vld [tilespmem:s16+$0xFFFFFFF0];
	[tilespmem:s17+$0x3060 ss:$0x81] =	vst.msk $0xffff, v3  }
.Ltmp3:
0x41: {  	v1 =	vld [tilespmem:s16+$0x0];
	[tilespmem:s17+$0x0 ss:$0x81] =	vst.msk $0xffff, v0;
	s17 =	sadd.s32 s20, s15;
	(pc) =	sbr.rel @p1 .LBB1_3-.Ltmp3, $4  }
0x42: {  	v2 =	vld [tilespmem:s16+$0x10];
	[tilespmem:s17+$0x3870 ss:$0x81] =	vst.msk $0xffff, v4  }
0x43: {  	[tilespmem:s17+$0x810 ss:$0x81] =	vst.msk $0xffff, v5;
	v3 =	vld [tilespmem:s16+$0x20]  }
0x44: {  	v0 =	vld [tilespmem:s16+$0xFFFFFFC0];
	[tilespmem:s17+$0x1020 ss:$0x81] =	vst.msk $0xffff, v6;
	s16 =	sadd.s32 $0x80, s16  }
0x45: {  	s19 =	sadd.s32 $0x4, s19;
	v4 =	vld [tilespmem:s16+$0x30];
	[tilespmem:s17+$0x1830 ss:$0x81] =	vst.msk $0xffff, v7  }
.Ltmp4:
0x46: {  	_ = 	snop;
	(pc) =	sbr.rel .LBB1_4-.Ltmp4, $1  }
0x47: {  	_ =	sdelay $0x3  }
.LBB1_6:
0x48: {  	_ =	sfence.sel $0x180000  }
0x49: {  	s2 =	simm.s32 $0x1;
	[bflag:$0x0] =	sbarrier.arrive $0xFFFF  }
0x4a: {  	s31 =	simm.s32 $0x2;
	[sflag:s2] =	ssyncpa.u1 $0x1  }
0x4b: {  	[sflag:s31] =	ssyncpa.u1 $0x1  }
0x4c: {  	p0 =	sne.s32 s0, $0x0;
	_ =	strace $0x90000050  }
0x4d: {  	s0 =	sadd.s32 @!p0 $0x100000, s1;
	[bflag:$0x2] =	sbarrier.arrive $0xFFFF  }
0x4e: {  	[sflag:s0] =	ssyncadd.tile.s32 @!p0 $0x1;
	_ =	shalt  }
.Lfunc_end1:
_tile_overlayer_lowered:
.L_overlay_start_2:
0x4f: {  	(tag) =	ssettag $0x2  }
0x50: {  	s0 =	rddreg [dreg:$0x0];
	s2 =	stileid.u32  }
0x51: {  	s1 =	rddreg [dreg:$0x1];
	p0 =	sne.s32 s2, $0x0  }
0x52: {  	s3 =	rddreg [dreg:$0x2];
	[bflag:$0x3] =	sbarrier.arrive $0xFFFF;
	s2 =	simm.s32 @!p0 $0x1C01  }
0x53: {  	[timem:s3], [sflag:s2] =	dma.local @!p0 [hbm:s0], s1  }
0x54: {  	s0 =	simm.s32 @!p0 $0x1  }
0x55: {  	_ =	swait.ge @!p0 [sflag:s0], s1  }
0x56: {  	s1 =	ssub.s32 @!p0 $0x0, s1;
	[sflag:s0] =	ssyncset.done @!p0 $0x0  }
0x57: {  	[sflag:s0] =	ssyncadd.s32 @!p0 s1  }
0x58: {  	[bflag:$0x3] =	sbarrier.arrive $0xFFFF  }
0x59: {  	_ =	shalt  }

</sc_bundles>
